<compile_context>
chip_gen: v7x
topology: tpu7x:2x2x1
jax: 0.10.2.dev20260603
libtpu: 0.0.44.dev20260713+nightly
codegen_flags: <defaults>
</compile_context>

<pallas_src>
import math

import jax
import jax.numpy as jnp
from jax.experimental import pallas as pl

_H = 8
_F32 = jnp.float32
_NEG = -1e30
_TOPK_ITERS = 31


def _dot(a, b, dn):
    return jax.lax.dot_general(
        a, b, dimension_numbers=(dn, ((), ())),
        preferred_element_type=_F32)


def _proj_body(x_ref, w_ref, b_ref, q_ref, kv_ref, *, d):
    y = _dot(x_ref[...], w_ref[...], ((1,), (0,))) + b_ref[...]
    q_ref[...] = y[:, :d]
    kv_ref[...] = y[:, d:].astype(jnp.bfloat16)


def _project(x, w, b, bm, interpret=False):
    import functools
    m, d = x.shape
    return pl.pallas_call(
        functools.partial(_proj_body, d=d),
        grid=(m // bm,),
        in_specs=[
            pl.BlockSpec((bm, d), lambda i: (i, 0)),
            pl.BlockSpec((d, 3 * d), lambda i: (0, 0)),
            pl.BlockSpec((1, 3 * d), lambda i: (0, 0)),
        ],
        out_specs=[
            pl.BlockSpec((bm, d), lambda i: (i, 0)),
            pl.BlockSpec((bm, 2 * d), lambda i: (i, 0)),
        ],
        out_shape=[
            jax.ShapeDtypeStruct((m, d), _F32),
            jax.ShapeDtypeStruct((m, 2 * d), jnp.bfloat16),
        ],
        interpret=interpret,
    )(x, w, b)


def _d2_body(pi_ref, pj_ref, pjt_ref, o_ref):
    pi = pi_ref[0]
    pj = pj_ref[0]
    pjt = pjt_ref[0]
    g = jax.lax.dot_general(pi, pj, (((1,), (1,)), ((), ())),
                            preferred_element_type=_F32)
    ix, iy, iz = pi[:, 0:1], pi[:, 1:2], pi[:, 2:3]
    jx, jy, jz = pjt[0:1, :], pjt[1:2, :], pjt[2:3, :]
    sqi = ix * ix + iy * iy + iz * iz
    sqj = jx * jx + jy * jy + jz * jz
    o_ref[0] = sqi + sqj - 2.0 * g


def _pairwise_d2(pts, pts_t, bi, bj, interpret=False):
    b, n, _ = pts.shape
    return pl.pallas_call(
        _d2_body,
        grid=(b, n // bi, n // bj),
        in_specs=[
            pl.BlockSpec((1, bi, 3), lambda b_, i, j: (b_, i, 0)),
            pl.BlockSpec((1, bj, 3), lambda b_, i, j: (b_, j, 0)),
            pl.BlockSpec((1, 3, bj), lambda b_, i, j: (b_, 0, j)),
        ],
        out_specs=pl.BlockSpec((1, bi, bj), lambda b_, i, j: (b_, i, j)),
        out_shape=jax.ShapeDtypeStruct((b, n, n), _F32),
        interpret=interpret,
    )(pts, pts, pts_t)


def _thresh_body(d2_ref, t_ref, *, kk):
    x = jnp.maximum(d2_ref[0], 0.0)
    bits = jax.lax.bitcast_convert_type(x, jnp.int32)
    br = x.shape[0]
    lo0 = jnp.zeros((br, 1), jnp.int32)
    hi0 = jnp.full((br, 1), 0x7F800000, jnp.int32)

    def body(_, c):
        lo, hi = c
        mid = lo + (hi - lo) // 2
        cnt = jnp.sum((bits <= mid).astype(jnp.int32), axis=1, keepdims=True)
        ge = cnt >= kk
        return jnp.where(ge, lo, mid + 1), jnp.where(ge, mid, hi)

    lo, hi = jax.lax.fori_loop(0, _TOPK_ITERS, body, (lo0, hi0))
    t_ref[0] = jax.lax.bitcast_convert_type(hi, _F32)


def _kth_smallest(d2, kk, br, interpret=False):
    import functools
    b, n, _ = d2.shape
    return pl.pallas_call(
        functools.partial(_thresh_body, kk=kk),
        grid=(b, n // br),
        in_specs=[pl.BlockSpec((1, br, n), lambda b_, i: (b_, i, 0))],
        out_specs=pl.BlockSpec((1, br, 1), lambda b_, i: (b_, i, 0)),
        out_shape=jax.ShapeDtypeStruct((b, n, 1), _F32),
        interpret=interpret,
    )(d2)


def _kth_smallest_sc(d2, kk):
    import functools
    from jax.experimental.pallas import tpu as pltpu
    from jax.experimental.pallas import tpu_sc as plsc

    b, n, _ = d2.shape
    rows = b * n
    info = plsc.get_sparse_core_info()
    nw = info.num_cores * info.num_subcores
    rpw = rows // nw
    nb = 256
    nchunk = n // 16
    mesh = plsc.VectorSubcoreMesh(core_axis_name="c", subcore_axis_name="s")
    d2f = d2.reshape(rows, n)
    passes = ((23, 0xFF, 8), (15, 0xFF, 8), (7, 0xFF, 8), (0, 0x7F, 7))

    @functools.partial(
        pl.kernel, mesh=mesh,
        compiler_params=pltpu.CompilerParams(needs_layout_passes=False),
        out_type=jax.ShapeDtypeStruct((rows,), jnp.int32),
        scratch_types=[
            pltpu.VMEM((n,), _F32),
            pltpu.VMEM((16 * nb,), jnp.int32),
            pltpu.VMEM((rpw,), jnp.int32),
        ],
    )
    def sc_kernel(d2_hbm, out_hbm, row_v, hist_v, res_v):
        wid = jax.lax.axis_index("s") * info.num_cores + jax.lax.axis_index("c")
        base = wid * rpw
        lane = jax.lax.iota(jnp.int32, 16)
        ones16 = jnp.ones((16,), jnp.int32)
        zeros16 = jnp.zeros((16,), jnp.int32)

        def do_row(r, _):
            pltpu.sync_copy(d2_hbm.at[base + r], row_v)

            prefix = jnp.zeros((16,), jnp.int32)
            k_rem = jnp.full((16,), kk, jnp.int32)
            for shift, dmask, width in passes:
                def zero_body(i, _c):
                    hist_v[pl.ds(i * 16, 16)] = zeros16
                    return 0
                jax.lax.fori_loop(0, 16 * nb // 16, zero_body, 0)

                def sweep(i, _c):
                    x = jnp.maximum(row_v[pl.ds(i * 16, 16)], 0.0)
                    bits = jax.lax.bitcast_convert_type(x, jnp.int32)
                    digit = jax.lax.shift_right_logical(bits, shift) & dmask
                    hi = jax.lax.shift_right_logical(bits, shift + width)
                    ok = hi == prefix
                    idx = (jax.lax.shift_left(lane, 8)) + digit
                    plsc.addupdate_scatter(hist_v, [idx], ones16, mask=ok)
                    return 0
                jax.lax.fori_loop(0, nchunk, sweep, 0)

                def scan(j, carry):
                    found, bstar, cbelow, cum_base = carry

                    def acc_body(l, a):
                        return a + hist_v[pl.ds(l * nb + j * 16, 16)]
                    acc = jax.lax.fori_loop(0, 16, acc_body, zeros16)
                    cs = plsc.cumsum(acc)
                    cum = cum_base + cs
                    ge = cum >= k_rem
                    nge = plsc.all_reduce_population_count(ge)
                    ffs = plsc.all_reduce_ffs(ge)
                    hit = jnp.logical_and(found == 0, nge > 0)
                    sel = jnp.where(lane == ffs, cum - acc, 0)
                    cb = jnp.broadcast_to(jnp.sum(sel), (16,))
                    bstar = jnp.where(hit, j * 16 + ffs, bstar)
                    cbelow = jnp.where(hit, cb, cbelow)
                    found = jnp.where(hit, ones16, found)
                    tot = jnp.broadcast_to(jnp.sum(acc), (16,))
                    return found, bstar, cbelow, cum_base + tot

                init = (zeros16, zeros16, zeros16, zeros16)
                _, bstar, cbelow, _ = jax.lax.fori_loop(0, nb // 16, scan,
                                                        init)
                k_rem = k_rem - cbelow
                prefix = jax.lax.shift_left(prefix, width) + bstar

            plsc.store_scatter(res_v, [jnp.full((16,), r, jnp.int32)],
                               prefix, mask=lane == 0)
            return 0

        jax.lax.fori_loop(0, rpw, do_row, 0)
        pltpu.sync_copy(res_v, out_hbm.at[pl.ds(base, rpw)])

    out = sc_kernel(d2f)
    t = jax.lax.bitcast_convert_type(out, _F32)
    return t.reshape(b, n, 1)


def _attn_body(q_ref, k_ref, v_ref, d2_ref, t_ref, wk_ref, ck_ref, wv_ref,
               cv_ref, o_ref, m_scr, l_scr, pd_scr, acc_scr, *, hd, nj):
    j = pl.program_id(2)

    @pl.when(j == 0)
    def _init():
        m_scr[...] = jnp.full_like(m_scr, _NEG)
        l_scr[...] = jnp.zeros_like(l_scr)
        pd_scr[...] = jnp.zeros_like(pd_scr)
        acc_scr[...] = jnp.zeros_like(acc_scr)

    q = q_ref[0]
    kk = k_ref[0]
    vv = v_ref[0]
    d2c = jnp.maximum(d2_ref[0], 0.0)
    t = t_ref[0]
    mask = d2c <= t
    dist = jnp.sqrt(d2c)
    wk = wk_ref[...]
    ck = ck_ref[...]

    for h in range(_H):
        sl = slice(h * hd, (h + 1) * hd)
        hsl = slice(h, h + 1)
        qh = q[:, sl]
        a_h = jnp.sum(qh * wk[:, sl], axis=1, keepdims=True)
        c_h = jnp.sum(qh * ck[:, sl], axis=1, keepdims=True)
        s = _dot(qh.astype(jnp.bfloat16), kk[:, sl], ((1,), (1,)))
        s = s + dist * a_h + c_h
        s = jnp.where(mask, s, _NEG)
        m_old = m_scr[:, hsl]
        m_new = jnp.maximum(m_old, jnp.max(s, axis=1, keepdims=True))
        alpha = jnp.exp(m_old - m_new)
        p = jnp.exp(s - m_new)
        m_scr[:, hsl] = m_new
        l_scr[:, hsl] = l_scr[:, hsl] * alpha + jnp.sum(p, axis=1,
                                                        keepdims=True)
        pd_scr[:, hsl] = pd_scr[:, hsl] * alpha + jnp.sum(p * dist, axis=1,
                                                          keepdims=True)
        acc_scr[:, sl] = acc_scr[:, sl] * alpha + _dot(
            p.astype(jnp.bfloat16), vv[:, sl], ((1,), (0,)))

    @pl.when(j == nj - 1)
    def _fin():
        wv = wv_ref[...]
        cv = cv_ref[...]
        outs = []
        for h in range(_H):
            sl = slice(h * hd, (h + 1) * hd)
            hsl = slice(h, h + 1)
            l = l_scr[:, hsl]
            outs.append((acc_scr[:, sl] + pd_scr[:, hsl] * wv[:, sl]) / l
                        + cv[:, sl])
        o_ref[0] = jnp.concatenate(outs, axis=1)


def _masked_attn(q, kv, d2, t, wk, ck, wv, cv, bq, kb, hd, interpret=False):
    import functools
    from jax.experimental.pallas import tpu as pltpu
    b, n, d = q.shape
    nj = n // kb
    return pl.pallas_call(
        functools.partial(_attn_body, hd=hd, nj=nj),
        grid=(b, n // bq, nj),
        in_specs=[
            pl.BlockSpec((1, bq, d), lambda b_, i, j: (b_, i, 0)),
            pl.BlockSpec((1, kb, d), lambda b_, i, j: (b_, j, 0)),
            pl.BlockSpec((1, kb, d), lambda b_, i, j: (b_, j, 1)),
            pl.BlockSpec((1, bq, kb), lambda b_, i, j: (b_, i, j)),
            pl.BlockSpec((1, bq, 1), lambda b_, i, j: (b_, i, 0)),
            pl.BlockSpec((1, d), lambda b_, i, j: (0, 0)),
            pl.BlockSpec((1, d), lambda b_, i, j: (0, 0)),
            pl.BlockSpec((1, d), lambda b_, i, j: (0, 0)),
            pl.BlockSpec((1, d), lambda b_, i, j: (0, 0)),
        ],
        out_specs=pl.BlockSpec((1, bq, d), lambda b_, i, j: (b_, i, 0)),
        out_shape=jax.ShapeDtypeStruct((b, n, d), _F32),
        scratch_shapes=[
            pltpu.VMEM((bq, _H), _F32),
            pltpu.VMEM((bq, _H), _F32),
            pltpu.VMEM((bq, _H), _F32),
            pltpu.VMEM((bq, d), _F32),
        ],
        interpret=interpret,
    )(q, kv, kv, d2, t, wk, ck, wv, cv)


def _final_body(f_ref, o_ref, ow_ref, ob_ref, wse_ref, bse_ref, out_ref, *, d):
    f = f_ref[0]
    o = o_ref[0]
    att = _dot(o, ow_ref[...], ((1,), (1,))) + ob_ref[...]
    enh = (_dot(f, wse_ref[:, :d], ((1,), (1,)))
           + _dot(att, wse_ref[:, d:], ((1,), (1,))) + bse_ref[...])
    out_ref[0] = enh


def _finalize(feats, o_bar, out_w, out_b, w_se, b_se, bm, interpret=False):
    import functools
    b, n, d = feats.shape
    return pl.pallas_call(
        functools.partial(_final_body, d=d),
        grid=(b, n // bm),
        in_specs=[
            pl.BlockSpec((1, bm, d), lambda b_, i: (b_, i, 0)),
            pl.BlockSpec((1, bm, d), lambda b_, i: (b_, i, 0)),
            pl.BlockSpec((d, d), lambda b_, i: (0, 0)),
            pl.BlockSpec((1, d), lambda b_, i: (0, 0)),
            pl.BlockSpec((d, 2 * d), lambda b_, i: (0, 0)),
            pl.BlockSpec((1, d), lambda b_, i: (0, 0)),
        ],
        out_specs=pl.BlockSpec((1, bm, d), lambda b_, i: (b_, i, 0)),
        out_shape=jax.ShapeDtypeStruct((b, n, d), _F32),
        interpret=interpret,
    )(feats, o_bar, out_w, out_b, w_se, b_se)


def _run(features, points_xyz, W_de, b_de, in_proj_w, in_proj_b, out_proj_w,
         out_proj_b, W_se, b_se, interpret=False):
    b, n, d = features.shape
    hd = d // _H
    kk = min(64, n)
    scale = 1.0 / math.sqrt(hd)

    Wq, Wk, Wv = in_proj_w[:d], in_proj_w[d:2 * d], in_proj_w[2 * d:]
    bq, bk, bv = in_proj_b[:d], in_proj_b[d:2 * d], in_proj_b[2 * d:]
    w_de = W_de[:, 0]
    wk_vec = (Wk @ w_de)[None, :]
    ck_vec = (Wk @ b_de + bk)[None, :]
    wv_vec = (Wv @ w_de)[None, :]
    cv_vec = (Wv @ b_de + bv)[None, :]

    w_big = jnp.concatenate([Wq.T * scale, Wk.T, Wv.T], axis=1)
    b_big = jnp.concatenate(
        [bq * scale, jnp.zeros((2 * d,), _F32)])[None, :]

    q_all, kv_all = _project(features.reshape(b * n, d), w_big, b_big,
                             bm=min(512, n), interpret=interpret)
    q_all = q_all.reshape(b, n, d)
    kv_all = kv_all.reshape(b, n, 2 * d)

    pts_t = jnp.swapaxes(points_xyz, 1, 2)
    d2 = _pairwise_d2(points_xyz, pts_t, bi=min(256, n), bj=min(512, n),
                      interpret=interpret)
    if interpret:
        t = _kth_smallest(d2, kk, br=min(256, n), interpret=interpret)
    else:
        t = _kth_smallest_sc(d2, kk)
    o_bar = _masked_attn(q_all, kv_all, d2, t, wk_vec, ck_vec, wv_vec, cv_vec,
                         bq=min(512, n), kb=min(1024, n), hd=hd,
                         interpret=interpret)
    return _finalize(features, o_bar, out_proj_w, out_proj_b[None, :],
                     W_se, b_se[None, :], bm=min(512, n),
                     interpret=interpret)


def kernel(features, points_xyz, W_de, b_de, in_proj_w, in_proj_b,
           out_proj_w, out_proj_b, W_se, b_se):
    return _run(features, points_xyz, W_de, b_de, in_proj_w, in_proj_b,
                out_proj_w, out_proj_b, W_se, b_se)

# --- scband reference (transcript-rebuilt; emitter-appended) ---
"""Pipeline reference for scband-implicit-geometric-priors-45698452029979 (READ-ONLY COPY).

The authoritative reference and input builder live on the scoring server;
editing this copy changes nothing except your own understanding.
"""

import jax, jax.numpy as jnp
import numpy as np

NUM_HEADS = 8

def setup_inputs(seed: int = 0) -> dict:
    key = jax.random.key(seed)
    ks = jax.random.split(key, 8)
    B, Np, D = 2, 4096, 768
    features = jax.random.normal(ks[0], (B, Np, D), dtype=jnp.float32)
    points_xyz = jax.random.normal(ks[1], (B, Np, 3), dtype=jnp.float32)
    def init(k, shape, fan_in):
        return (jax.random.normal(k, shape, dtype=jnp.float32) / np.sqrt(fan_in)).astype(jnp.float32)
    W_de = init(ks[2], (D, 1), 1)
    b_de = jnp.zeros((D,), jnp.float32)
    in_proj_w = init(ks[3], (3 * D, D), D)
    in_proj_b = jnp.zeros((3 * D,), jnp.float32)
    out_proj_w = init(ks[4], (D, D), D)
    out_proj_b = jnp.zeros((D,), jnp.float32)
    W_se = init(ks[5], (D, 2 * D), 2 * D)
    b_se = jnp.zeros((D,), jnp.float32)
    return {"features": features, "points_xyz": points_xyz, "W_de": W_de, "b_de": b_de, "in_proj_w": in_proj_w, "in_proj_b": in_proj_b, "out_proj_w": out_proj_w, "out_proj_b": out_proj_b, "W_se": W_se, "b_se": b_se}

def _mha(q, k, v, in_w, in_b, out_w, out_b, num_heads):
    # q: [N, Lq, E]; k, v: [N, Lk, E] (batch_first MultiheadAttention)
    E = q.shape[-1]
    Wq, Wk, Wv = in_w[:E], in_w[E:2 * E], in_w[2 * E:]
    bq, bk, bv = in_b[:E], in_b[E:2 * E], in_b[2 * E:]
    qh = q @ Wq.T + bq
    kh = k @ Wk.T + bk
    vh = v @ Wv.T + bv
    N, Lq, Lk = q.shape[0], q.shape[1], k.shape[1]
    hd = E // num_heads
    qh = qh.reshape(N, Lq, num_heads, hd).transpose(0, 2, 1, 3)
    kh = kh.reshape(N, Lk, num_heads, hd).transpose(0, 2, 1, 3)
    vh = vh.reshape(N, Lk, num_heads, hd).transpose(0, 2, 1, 3)
    attn = jax.nn.softmax((qh @ kh.transpose(0, 1, 3, 2)) / np.sqrt(hd), axis=-1)
    o = (attn @ vh).transpose(0, 2, 1, 3).reshape(N, Lq, E)
    return o @ out_w.T + out_b

def reference(features, points_xyz, W_de, b_de, in_proj_w, in_proj_b, out_proj_w, out_proj_b, W_se, b_se):
    B, Np, D = features.shape
    max_neighbors = min(64, Np)
    outs = []
    for b in range(B):
        pts = points_xyz[b]
        feats = features[b]
        sq = jnp.sum(pts * pts, axis=1)
        d2 = sq[:, None] + sq[None, :] - 2.0 * (pts @ pts.T)
        dist = jnp.sqrt(jnp.maximum(d2, 0.0))
        neg_vals, neighbor_indices = jax.lax.top_k(-dist, max_neighbors)
        neighbor_features = feats[neighbor_indices]            # [Np, K, D]
        neighbor_distances = -neg_vals                          # [Np, K] == gather(dist, idx)
        distance_features = neighbor_distances[..., None] @ W_de.T + b_de  # [Np, K, D]
        combined = neighbor_features + distance_features
        query = feats[:, None, :]                               # [Np, 1, D]
        attended = _mha(query, combined, combined, in_proj_w, in_proj_b, out_proj_w, out_proj_b, NUM_HEADS)
        attended = attended[:, 0, :]
        spatial_context = jnp.concatenate([feats, attended], axis=-1)
        enhanced = spatial_context @ W_se.T + b_se
        outs.append(enhanced)
    return jnp.stack(outs, axis=0)

if __name__ == "__main__":
    import jax
    _d = setup_inputs()
    print(jax.jit(kernel)(*tuple(_d.values())))

</pallas_src>

<mosaic_0001>
#map = affine_map<(d0, d1) -> (0, 0)>
#map1 = affine_map<(d0, d1) -> (0)>
module attributes {stable_mosaic.version = 14 : i64} {
  func.func @sc_kernel(%arg0: i32, %arg1: i32, %arg2: memref<8192x4096xf32, #tpu.memory_space<hbm>>, %arg3: memref<8192xi32, #tpu.memory_space<hbm>>, %arg4: memref<4096xf32, #tpu.memory_space<vmem>>, %arg5: memref<4096xi32, #tpu.memory_space<vmem>>, %arg6: memref<256xi32, #tpu.memory_space<vmem>>) attributes {dimension_semantics = [#tpu.dimension_semantics<core_parallel>, #tpu.dimension_semantics<subcore_parallel>], iteration_bounds = array<i64: 2, 16>, scalar_prefetch = 0 : i64, scratch_operands = 3 : i64, tpu.core_type = #tpu.core_type<sc_vector_subcore>, window_params = [{transform_indices = #map}, {transform_indices = #map1}]} {
    %mul3A = arith.constant 2 : i32
    %mul3A_0 = arith.muli %arg1, %mul3A : i32
    %add3A = arith.addi %mul3A_0, %arg0 : i32
    %mul3A_1 = arith.constant 256 : i32
    %mul3A_2 = arith.muli %add3A, %mul3A_1 : i32
    %iota3A = tpu.iota {dimensions = array<i32: 0>} : vector<16xi32>
    %broadcast_in_dim3A = arith.constant 1 : i32
    %broadcast_in_dim3A_3 = vector.broadcast %broadcast_in_dim3A : i32 to vector<16xi32>
    %broadcast_in_dim3A_4 = arith.constant 0 : i32
    %broadcast_in_dim3A_5 = vector.broadcast %broadcast_in_dim3A_4 : i32 to vector<16xi32>
    %scan3A = arith.constant 0 : i32
    %scan3A_6 = arith.constant 0 : i32
    %scan3A_7 = arith.constant 256 : i32
    %scan3A_8 = arith.addi %scan3A_6, %scan3A_7 : i32
    %scan3A_9 = arith.constant 1 : i32
    %scan3A_10 = scf.for %scan3A_12 = %scan3A_6 to %scan3A_8 step %scan3A_9 iter_args(%scan3A_13 = %scan3A) -> (i32)  : i32 {
      %add3A_14 = arith.addi %mul3A_2, %scan3A_12 : i32
      "tpu.region"() ({
        %run_scoped3A = tpu.sem_alloc : memref<!tpu.dma_semaphore, #tpu.memory_space<semaphore_mem>>
        %dma_start3A = arith.constant 0 : i32
        %dma_start3A_121 = tpu.memref_slice %arg2[%add3A_14, %dma_start3A] : memref<8192x4096xf32, #tpu.memory_space<hbm>> -> memref<1x4096xf32, #tpu.memory_space<hbm>>
        %dma_start3A_122 = tpu.memref_squeeze %dma_start3A_121 : memref<1x4096xf32, #tpu.memory_space<hbm>> -> memref<4096xf32, #tpu.memory_space<hbm>>
        %dma_start3A_123 = arith.constant 0 : i32
        %dma_start3A_124 = tpu.memref_slice %arg2[%add3A_14, %dma_start3A_123] : memref<8192x4096xf32, #tpu.memory_space<hbm>> -> memref<1x4096xf32, #tpu.memory_space<hbm>>
        %dma_start3A_125 = tpu.memref_squeeze %dma_start3A_124 : memref<1x4096xf32, #tpu.memory_space<hbm>> -> memref<4096xf32, #tpu.memory_space<hbm>>
        tpu.enqueue_dma source(%dma_start3A_125 : memref<4096xf32, #tpu.memory_space<hbm>>) target(%arg4 : memref<4096xf32, #tpu.memory_space<vmem>>) target_semaphore(%run_scoped3A : memref<!tpu.dma_semaphore, #tpu.memory_space<semaphore_mem>>)
        %dma_wait3A = arith.constant 0 : i32
        %dma_wait3A_126 = tpu.memref_slice %arg2[%add3A_14, %dma_wait3A] : memref<8192x4096xf32, #tpu.memory_space<hbm>> -> memref<1x4096xf32, #tpu.memory_space<hbm>>
        %dma_wait3A_127 = tpu.memref_squeeze %dma_wait3A_126 : memref<1x4096xf32, #tpu.memory_space<hbm>> -> memref<4096xf32, #tpu.memory_space<hbm>>
        %dma_wait3A_128 = arith.constant 0 : i32
        %dma_wait3A_129 = tpu.memref_slice %arg2[%add3A_14, %dma_wait3A_128] : memref<8192x4096xf32, #tpu.memory_space<hbm>> -> memref<1x4096xf32, #tpu.memory_space<hbm>>
        %dma_wait3A_130 = tpu.memref_squeeze %dma_wait3A_129 : memref<1x4096xf32, #tpu.memory_space<hbm>> -> memref<4096xf32, #tpu.memory_space<hbm>>
        tpu.wait_dma2 semaphore(%run_scoped3A : memref<!tpu.dma_semaphore, #tpu.memory_space<semaphore_mem>>) src(%dma_wait3A_130 : memref<4096xf32, #tpu.memory_space<hbm>>) dst(%arg4 : memref<4096xf32, #tpu.memory_space<vmem>>)
        tpu.yield
      }) : () -> ()
      %broadcast_in_dim3A_15 = arith.constant 0 : i32
      %broadcast_in_dim3A_16 = vector.broadcast %broadcast_in_dim3A_15 : i32 to vector<16xi32>
      %broadcast_in_dim3A_17 = arith.constant 64 : i32
      %broadcast_in_dim3A_18 = vector.broadcast %broadcast_in_dim3A_17 : i32 to vector<16xi32>
      %scan3A_19 = arith.constant 0 : i32
      %scan3A_20 = arith.constant 0 : i32
      %scan3A_21 = arith.constant 256 : i32
      %scan3A_22 = arith.addi %scan3A_20, %scan3A_21 : i32
      %scan3A_23 = arith.constant 1 : i32
      %scan3A_24 = scf.for %scan3A_121 = %scan3A_20 to %scan3A_22 step %scan3A_23 iter_args(%scan3A_122 = %scan3A_19) -> (i32)  : i32 {
        %mul3A_123 = arith.constant 16 : i32
        %mul3A_124 = arith.muli %scan3A_121, %mul3A_123 : i32
        %swap3A = arith.index_cast %mul3A_124 : i32 to index
        %swap3A_125 = tpu.vector_load %arg5[%swap3A] {strides = array<i32>} : memref<4096xi32, #tpu.memory_space<vmem>>, vector<16xi32>,
        tpu.vector_store %arg5[%swap3A], %broadcast_in_dim3A_5 {strides = array<i32>} : memref<4096xi32, #tpu.memory_space<vmem>>, vector<16xi32>,
        %scan3A_126 = arith.constant 0 : i32
        scf.yield %scan3A_126 : i32
      }
      %scan3A_25 = arith.constant 256 : i32
      %scan3A_26 = arith.constant 0 : i32
      %scan3A_27 = arith.constant 0 : i32
      %scan3A_28 = arith.constant 256 : i32
      %scan3A_29 = arith.addi %scan3A_27, %scan3A_28 : i32
      %scan3A_30 = arith.constant 1 : i32
      %scan3A_31 = scf.for %scan3A_121 = %scan3A_27 to %scan3A_29 step %scan3A_30 iter_args(%scan3A_122 = %scan3A_26) -> (i32)  : i32 {
        %mul3A_123 = arith.constant 16 : i32
        %mul3A_124 = arith.muli %scan3A_121, %mul3A_123 : i32
        %get3A = arith.index_cast %mul3A_124 : i32 to index
        %get3A_125 = tpu.vector_load %arg4[%get3A] {strides = array<i32>} : memref<4096xf32, #tpu.memory_space<vmem>>, vector<16xf32>,
        %max3A = arith.constant 0.000000e+00 : f32
        %max3A_126 = vector.broadcast %max3A : f32 to vector<16xf32>
        %max3A_127 = arith.maximumf %get3A_125, %max3A_126 : vector<16xf32>
        %bitcast_convert_type3A = tpu.bitcast %max3A_127 : vector<16xf32> -> vector<16xi32>
        %shift_right_logical3A = arith.constant 23 : i32
        %shift_right_logical3A_128 = vector.broadcast %shift_right_logical3A : i32 to vector<16xi32>
        %shift_right_logical3A_129 = arith.shrui %bitcast_convert_type3A, %shift_right_logical3A_128 : vector<16xi32>
        %and3A = arith.constant 255 : i32
        %and3A_130 = vector.broadcast %and3A : i32 to vector<16xi32>
        %and3A_131 = arith.andi %shift_right_logical3A_129, %and3A_130 : vector<16xi32>
        %shift_right_logical3A_132 = arith.constant 31 : i32
        %shift_right_logical3A_133 = vector.broadcast %shift_right_logical3A_132 : i32 to vector<16xi32>
        %shift_right_logical3A_134 = arith.shrui %bitcast_convert_type3A, %shift_right_logical3A_133 : vector<16xi32>
        %eq3A_135 = arith.cmpi eq, %shift_right_logical3A_134, %broadcast_in_dim3A_16 : vector<16xi32>
        %shift_left3A_136 = arith.constant 8 : i32
        %shift_left3A_137 = vector.broadcast %shift_left3A_136 : i32 to vector<16xi32>
        %shift_left3A_138 = arith.shli %iota3A, %shift_left3A_137 : vector<16xi32>
        %add3A_139 = arith.addi %shift_left3A_138, %and3A_131 : vector<16xi32>
        tpu.vector_store_idx %arg5[%add3A_139], %broadcast_in_dim3A_3 masked %eq3A_135 {add = true} : memref<4096xi32, #tpu.memory_space<vmem>>[vector<16xi32>], vector<16xi32>, vector<16xi1>
        %scan3A_140 = arith.constant 0 : i32
        scf.yield %scan3A_140 : i32
      }
      %scan3A_32 = arith.constant 256 : i32
      %scan3A_33 = arith.constant 0 : i32
      %scan3A_34 = arith.constant 16 : i32
      %scan3A_35 = arith.addi %scan3A_33, %scan3A_34 : i32
      %scan3A_36 = arith.constant 1 : i32
      %scan3A_37:4 = scf.for %scan3A_121 = %scan3A_33 to %scan3A_35 step %scan3A_36 iter_args(%scan3A_122 = %broadcast_in_dim3A_5, %scan3A_123 = %broadcast_in_dim3A_5, %scan3A_124 = %broadcast_in_dim3A_5, %scan3A_125 = %broadcast_in_dim3A_5) -> (vector<16xi32>, vector<16xi32>, vector<16xi32>, vector<16xi32>)  : i32 {
        %scan3A_126 = arith.constant 0 : i32
        %scan3A_127 = arith.constant 16 : i32
        %scan3A_128 = arith.addi %scan3A_126, %scan3A_127 : i32
        %scan3A_129 = arith.constant 1 : i32
        %scan3A_130 = scf.for %scan3A_160 = %scan3A_126 to %scan3A_128 step %scan3A_129 iter_args(%scan3A_161 = %broadcast_in_dim3A_5) -> (vector<16xi32>)  : i32 {
          %mul3A_162 = arith.constant 256 : i32
          %mul3A_163 = arith.muli %scan3A_160, %mul3A_162 : i32
          %mul3A_164 = arith.constant 16 : i32
          %mul3A_165 = arith.muli %scan3A_121, %mul3A_164 : i32
          %add3A_166 = arith.addi %mul3A_163, %mul3A_165 : i32
          %get3A = arith.index_cast %add3A_166 : i32 to index
          %get3A_167 = tpu.vector_load %arg5[%get3A] {strides = array<i32>} : memref<4096xi32, #tpu.memory_space<vmem>>, vector<16xi32>,
          %add3A_168 = arith.addi %scan3A_161, %get3A_167 : vector<16xi32>
          scf.yield %add3A_168 : vector<16xi32>
        }
        %scan3A_131 = arith.constant 16 : i32
        %broadcast_in_dim3A_132 = arith.constant true
        %broadcast_in_dim3A_133 = vector.broadcast %broadcast_in_dim3A_132 : i1 to vector<16xi1>
        %masked_cumsum3A = tpu.scan <sum>, %scan3A_130 masked %broadcast_in_dim3A_133 : vector<16xi32>, vector<16xi1> -> vector<16xi32>
        %add3A_134 = arith.addi %scan3A_125, %masked_cumsum3A : vector<16xi32>
        %ge3A = arith.cmpi sge, %add3A_134, %broadcast_in_dim3A_18 : vector<16xi32>
        %all_reduce_population_count3A = tpu.all_reduce %ge3A {dim = 0 : i64, kind = #tpu.reduction_kind<sum>} : vector<16xi1> -> vector<16xi32>
        %all_reduce_ffs3A = tpu.all_reduce %ge3A {dim = 0 : i64, kind = #tpu.reduction_kind<find_first_set>} : vector<16xi1> -> vector<16xi32>
        %eq3A_135 = arith.constant 0 : i32
        %eq3A_136 = vector.broadcast %eq3A_135 : i32 to vector<16xi32>
        %eq3A_137 = arith.cmpi eq, %scan3A_122, %eq3A_136 : vector<16xi32>
        %gt3A = arith.constant 0 : i32
        %gt3A_138 = vector.broadcast %gt3A : i32 to vector<16xi32>
        %gt3A_139 = arith.cmpi sgt, %all_reduce_population_count3A, %gt3A_138 : vector<16xi32>
        %and3A = arith.andi %eq3A_137, %gt3A_139 : vector<16xi1>
        %eq3A_140 = arith.cmpi eq, %iota3A, %all_reduce_ffs3A : vector<16xi32>
        %sub3A_141 = arith.subi %add3A_134, %scan3A_130 : vector<16xi32>
        %jit3A = arith.constant 0 : i32
        %broadcast_in_dim3A_142 = vector.broadcast %jit3A : i32 to vector<16xi32>
        %select_n3A = arith.select %eq3A_140, %sub3A_141, %broadcast_in_dim3A_142 : vector<16xi1>, vector<16xi32>
        %reduce_sum3A = arith.constant true
        %reduce_sum3A_143 = vector.broadcast %reduce_sum3A : i1 to vector<16xi1>
        %reduce_sum3A_144 = tpu.scan <sum>, %select_n3A masked %reduce_sum3A_143 : vector<16xi32>, vector<16xi1> -> vector<16xi32>
        %reduce_sum3A_145 = vector.extract %reduce_sum3A_144[15] : i32 from vector<16xi32>
        %broadcast_in_dim3A_146 = vector.broadcast %reduce_sum3A_145 : i32 to vector<16xi32>
        %mul3A_147 = arith.constant 16 : i32
        %mul3A_148 = arith.muli %scan3A_121, %mul3A_147 : i32
        %add3A_149 = vector.broadcast %mul3A_148 : i32 to vector<16xi32>
        %add3A_150 = arith.addi %add3A_149, %all_reduce_ffs3A : vector<16xi32>
        %select_n3A_151 = arith.select %and3A, %add3A_150, %scan3A_123 : vector<16xi1>, vector<16xi32>
        %select_n3A_152 = arith.select %and3A, %broadcast_in_dim3A_146, %scan3A_124 : vector<16xi1>, vector<16xi32>
        %select_n3A_153 = arith.select %and3A, %broadcast_in_dim3A_3, %scan3A_122 : vector<16xi1>, vector<16xi32>
        %reduce_sum3A_154 = arith.constant true
        %reduce_sum3A_155 = vector.broadcast %reduce_sum3A_154 : i1 to vector<16xi1>
        %reduce_sum3A_156 = tpu.scan <sum>, %scan3A_130 masked %reduce_sum3A_155 : vector<16xi32>, vector<16xi1> -> vector<16xi32>
        %reduce_sum3A_157 = vector.extract %reduce_sum3A_156[15] : i32 from vector<16xi32>
        %broadcast_in_dim3A_158 = vector.broadcast %reduce_sum3A_157 : i32 to vector<16xi32>
        %add3A_159 = arith.addi %scan3A_125, %broadcast_in_dim3A_158 : vector<16xi32>
        scf.yield %select_n3A_153, %select_n3A_151, %select_n3A_152, %add3A_159 : vector<16xi32>, vector<16xi32>, vector<16xi32>, vector<16xi32>
      }
      %scan3A_38 = arith.constant 16 : i32
      %sub3A = arith.subi %broadcast_in_dim3A_18, %scan3A_37#2 : vector<16xi32>
      %shift_left3A = arith.constant 8 : i32
      %shift_left3A_39 = vector.broadcast %shift_left3A : i32 to vector<16xi32>
      %shift_left3A_40 = arith.shli %broadcast_in_dim3A_16, %shift_left3A_39 : vector<16xi32>
      %add3A_41 = arith.addi %shift_left3A_40, %scan3A_37#1 : vector<16xi32>
      %scan3A_42 = arith.constant 0 : i32
      %scan3A_43 = arith.constant 0 : i32
      %scan3A_44 = arith.constant 256 : i32
      %scan3A_45 = arith.addi %scan3A_43, %scan3A_44 : i32
      %scan3A_46 = arith.constant 1 : i32
      %scan3A_47 = scf.for %scan3A_121 = %scan3A_43 to %scan3A_45 step %scan3A_46 iter_args(%scan3A_122 = %scan3A_42) -> (i32)  : i32 {
        %mul3A_123 = arith.constant 16 : i32
        %mul3A_124 = arith.muli %scan3A_121, %mul3A_123 : i32
        %swap3A = arith.index_cast %mul3A_124 : i32 to index
        %swap3A_125 = tpu.vector_load %arg5[%swap3A] {strides = array<i32>} : memref<4096xi32, #tpu.memory_space<vmem>>, vector<16xi32>,
        tpu.vector_store %arg5[%swap3A], %broadcast_in_dim3A_5 {strides = array<i32>} : memref<4096xi32, #tpu.memory_space<vmem>>, vector<16xi32>,
        %scan3A_126 = arith.constant 0 : i32
        scf.yield %scan3A_126 : i32
      }
      %scan3A_48 = arith.constant 256 : i32
      %scan3A_49 = arith.constant 0 : i32
      %scan3A_50 = arith.constant 0 : i32
      %scan3A_51 = arith.constant 256 : i32
      %scan3A_52 = arith.addi %scan3A_50, %scan3A_51 : i32
      %scan3A_53 = arith.constant 1 : i32
      %scan3A_54 = scf.for %scan3A_121 = %scan3A_50 to %scan3A_52 step %scan3A_53 iter_args(%scan3A_122 = %scan3A_49) -> (i32)  : i32 {
        %mul3A_123 = arith.constant 16 : i32
        %mul3A_124 = arith.muli %scan3A_121, %mul3A_123 : i32
        %get3A = arith.index_cast %mul3A_124 : i32 to index
        %get3A_125 = tpu.vector_load %arg4[%get3A] {strides = array<i32>} : memref<4096xf32, #tpu.memory_space<vmem>>, vector<16xf32>,
        %max3A = arith.constant 0.000000e+00 : f32
        %max3A_126 = vector.broadcast %max3A : f32 to vector<16xf32>
        %max3A_127 = arith.maximumf %get3A_125, %max3A_126 : vector<16xf32>
        %bitcast_convert_type3A = tpu.bitcast %max3A_127 : vector<16xf32> -> vector<16xi32>
        %shift_right_logical3A = arith.constant 15 : i32
        %shift_right_logical3A_128 = vector.broadcast %shift_right_logical3A : i32 to vector<16xi32>
        %shift_right_logical3A_129 = arith.shrui %bitcast_convert_type3A, %shift_right_logical3A_128 : vector<16xi32>
        %and3A = arith.constant 255 : i32
        %and3A_130 = vector.broadcast %and3A : i32 to vector<16xi32>
        %and3A_131 = arith.andi %shift_right_logical3A_129, %and3A_130 : vector<16xi32>
        %shift_right_logical3A_132 = arith.constant 23 : i32
        %shift_right_logical3A_133 = vector.broadcast %shift_right_logical3A_132 : i32 to vector<16xi32>
        %shift_right_logical3A_134 = arith.shrui %bitcast_convert_type3A, %shift_right_logical3A_133 : vector<16xi32>
        %eq3A_135 = arith.cmpi eq, %shift_right_logical3A_134, %add3A_41 : vector<16xi32>
        %shift_left3A_136 = arith.constant 8 : i32
        %shift_left3A_137 = vector.broadcast %shift_left3A_136 : i32 to vector<16xi32>
        %shift_left3A_138 = arith.shli %iota3A, %shift_left3A_137 : vector<16xi32>
        %add3A_139 = arith.addi %shift_left3A_138, %and3A_131 : vector<16xi32>
        tpu.vector_store_idx %arg5[%add3A_139], %broadcast_in_dim3A_3 masked %eq3A_135 {add = true} : memref<4096xi32, #tpu.memory_space<vmem>>[vector<16xi32>], vector<16xi32>, vector<16xi1>
        %scan3A_140 = arith.constant 0 : i32
        scf.yield %scan3A_140 : i32
      }
      %scan3A_55 = arith.constant 256 : i32
      %scan3A_56 = arith.constant 0 : i32
      %scan3A_57 = arith.constant 16 : i32
      %scan3A_58 = arith.addi %scan3A_56, %scan3A_57 : i32
      %scan3A_59 = arith.constant 1 : i32
      %scan3A_60:4 = scf.for %scan3A_121 = %scan3A_56 to %scan3A_58 step %scan3A_59 iter_args(%scan3A_122 = %broadcast_in_dim3A_5, %scan3A_123 = %broadcast_in_dim3A_5, %scan3A_124 = %broadcast_in_dim3A_5, %scan3A_125 = %broadcast_in_dim3A_5) -> (vector<16xi32>, vector<16xi32>, vector<16xi32>, vector<16xi32>)  : i32 {
        %scan3A_126 = arith.constant 0 : i32
        %scan3A_127 = arith.constant 16 : i32
        %scan3A_128 = arith.addi %scan3A_126, %scan3A_127 : i32
        %scan3A_129 = arith.constant 1 : i32
        %scan3A_130 = scf.for %scan3A_160 = %scan3A_126 to %scan3A_128 step %scan3A_129 iter_args(%scan3A_161 = %broadcast_in_dim3A_5) -> (vector<16xi32>)  : i32 {
          %mul3A_162 = arith.constant 256 : i32
          %mul3A_163 = arith.muli %scan3A_160, %mul3A_162 : i32
          %mul3A_164 = arith.constant 16 : i32
          %mul3A_165 = arith.muli %scan3A_121, %mul3A_164 : i32
          %add3A_166 = arith.addi %mul3A_163, %mul3A_165 : i32
          %get3A = arith.index_cast %add3A_166 : i32 to index
          %get3A_167 = tpu.vector_load %arg5[%get3A] {strides = array<i32>} : memref<4096xi32, #tpu.memory_space<vmem>>, vector<16xi32>,
          %add3A_168 = arith.addi %scan3A_161, %get3A_167 : vector<16xi32>
          scf.yield %add3A_168 : vector<16xi32>
        }
        %scan3A_131 = arith.constant 16 : i32
        %broadcast_in_dim3A_132 = arith.constant true
        %broadcast_in_dim3A_133 = vector.broadcast %broadcast_in_dim3A_132 : i1 to vector<16xi1>
        %masked_cumsum3A = tpu.scan <sum>, %scan3A_130 masked %broadcast_in_dim3A_133 : vector<16xi32>, vector<16xi1> -> vector<16xi32>
        %add3A_134 = arith.addi %scan3A_125, %masked_cumsum3A : vector<16xi32>
        %ge3A = arith.cmpi sge, %add3A_134, %sub3A : vector<16xi32>
        %all_reduce_population_count3A = tpu.all_reduce %ge3A {dim = 0 : i64, kind = #tpu.reduction_kind<sum>} : vector<16xi1> -> vector<16xi32>
        %all_reduce_ffs3A = tpu.all_reduce %ge3A {dim = 0 : i64, kind = #tpu.reduction_kind<find_first_set>} : vector<16xi1> -> vector<16xi32>
        %eq3A_135 = arith.constant 0 : i32
        %eq3A_136 = vector.broadcast %eq3A_135 : i32 to vector<16xi32>
        %eq3A_137 = arith.cmpi eq, %scan3A_122, %eq3A_136 : vector<16xi32>
        %gt3A = arith.constant 0 : i32
        %gt3A_138 = vector.broadcast %gt3A : i32 to vector<16xi32>
        %gt3A_139 = arith.cmpi sgt, %all_reduce_population_count3A, %gt3A_138 : vector<16xi32>
        %and3A = arith.andi %eq3A_137, %gt3A_139 : vector<16xi1>
        %eq3A_140 = arith.cmpi eq, %iota3A, %all_reduce_ffs3A : vector<16xi32>
        %sub3A_141 = arith.subi %add3A_134, %scan3A_130 : vector<16xi32>
        %jit3A = arith.constant 0 : i32
        %broadcast_in_dim3A_142 = vector.broadcast %jit3A : i32 to vector<16xi32>
        %select_n3A = arith.select %eq3A_140, %sub3A_141, %broadcast_in_dim3A_142 : vector<16xi1>, vector<16xi32>
        %reduce_sum3A = arith.constant true
        %reduce_sum3A_143 = vector.broadcast %reduce_sum3A : i1 to vector<16xi1>
        %reduce_sum3A_144 = tpu.scan <sum>, %select_n3A masked %reduce_sum3A_143 : vector<16xi32>, vector<16xi1> -> vector<16xi32>
        %reduce_sum3A_145 = vector.extract %reduce_sum3A_144[15] : i32 from vector<16xi32>
        %broadcast_in_dim3A_146 = vector.broadcast %reduce_sum3A_145 : i32 to vector<16xi32>
        %mul3A_147 = arith.constant 16 : i32
        %mul3A_148 = arith.muli %scan3A_121, %mul3A_147 : i32
        %add3A_149 = vector.broadcast %mul3A_148 : i32 to vector<16xi32>
        %add3A_150 = arith.addi %add3A_149, %all_reduce_ffs3A : vector<16xi32>
        %select_n3A_151 = arith.select %and3A, %add3A_150, %scan3A_123 : vector<16xi1>, vector<16xi32>
        %select_n3A_152 = arith.select %and3A, %broadcast_in_dim3A_146, %scan3A_124 : vector<16xi1>, vector<16xi32>
        %select_n3A_153 = arith.select %and3A, %broadcast_in_dim3A_3, %scan3A_122 : vector<16xi1>, vector<16xi32>
        %reduce_sum3A_154 = arith.constant true
        %reduce_sum3A_155 = vector.broadcast %reduce_sum3A_154 : i1 to vector<16xi1>
        %reduce_sum3A_156 = tpu.scan <sum>, %scan3A_130 masked %reduce_sum3A_155 : vector<16xi32>, vector<16xi1> -> vector<16xi32>
        %reduce_sum3A_157 = vector.extract %reduce_sum3A_156[15] : i32 from vector<16xi32>
        %broadcast_in_dim3A_158 = vector.broadcast %reduce_sum3A_157 : i32 to vector<16xi32>
        %add3A_159 = arith.addi %scan3A_125, %broadcast_in_dim3A_158 : vector<16xi32>
        scf.yield %select_n3A_153, %select_n3A_151, %select_n3A_152, %add3A_159 : vector<16xi32>, vector<16xi32>, vector<16xi32>, vector<16xi32>
      }
      %scan3A_61 = arith.constant 16 : i32
      %sub3A_62 = arith.subi %sub3A, %scan3A_60#2 : vector<16xi32>
      %shift_left3A_63 = arith.constant 8 : i32
      %shift_left3A_64 = vector.broadcast %shift_left3A_63 : i32 to vector<16xi32>
      %shift_left3A_65 = arith.shli %add3A_41, %shift_left3A_64 : vector<16xi32>
      %add3A_66 = arith.addi %shift_left3A_65, %scan3A_60#1 : vector<16xi32>
      %scan3A_67 = arith.constant 0 : i32
      %scan3A_68 = arith.constant 0 : i32
      %scan3A_69 = arith.constant 256 : i32
      %scan3A_70 = arith.addi %scan3A_68, %scan3A_69 : i32
      %scan3A_71 = arith.constant 1 : i32
      %scan3A_72 = scf.for %scan3A_121 = %scan3A_68 to %scan3A_70 step %scan3A_71 iter_args(%scan3A_122 = %scan3A_67) -> (i32)  : i32 {
        %mul3A_123 = arith.constant 16 : i32
        %mul3A_124 = arith.muli %scan3A_121, %mul3A_123 : i32
        %swap3A = arith.index_cast %mul3A_124 : i32 to index
        %swap3A_125 = tpu.vector_load %arg5[%swap3A] {strides = array<i32>} : memref<4096xi32, #tpu.memory_space<vmem>>, vector<16xi32>,
        tpu.vector_store %arg5[%swap3A], %broadcast_in_dim3A_5 {strides = array<i32>} : memref<4096xi32, #tpu.memory_space<vmem>>, vector<16xi32>,
        %scan3A_126 = arith.constant 0 : i32
        scf.yield %scan3A_126 : i32
      }
      %scan3A_73 = arith.constant 256 : i32
      %scan3A_74 = arith.constant 0 : i32
      %scan3A_75 = arith.constant 0 : i32
      %scan3A_76 = arith.constant 256 : i32
      %scan3A_77 = arith.addi %scan3A_75, %scan3A_76 : i32
      %scan3A_78 = arith.constant 1 : i32
      %scan3A_79 = scf.for %scan3A_121 = %scan3A_75 to %scan3A_77 step %scan3A_78 iter_args(%scan3A_122 = %scan3A_74) -> (i32)  : i32 {
        %mul3A_123 = arith.constant 16 : i32
        %mul3A_124 = arith.muli %scan3A_121, %mul3A_123 : i32
        %get3A = arith.index_cast %mul3A_124 : i32 to index
        %get3A_125 = tpu.vector_load %arg4[%get3A] {strides = array<i32>} : memref<4096xf32, #tpu.memory_space<vmem>>, vector<16xf32>,
        %max3A = arith.constant 0.000000e+00 : f32
        %max3A_126 = vector.broadcast %max3A : f32 to vector<16xf32>
        %max3A_127 = arith.maximumf %get3A_125, %max3A_126 : vector<16xf32>
        %bitcast_convert_type3A = tpu.bitcast %max3A_127 : vector<16xf32> -> vector<16xi32>
        %shift_right_logical3A = arith.constant 7 : i32
        %shift_right_logical3A_128 = vector.broadcast %shift_right_logical3A : i32 to vector<16xi32>
        %shift_right_logical3A_129 = arith.shrui %bitcast_convert_type3A, %shift_right_logical3A_128 : vector<16xi32>
        %and3A = arith.constant 255 : i32
        %and3A_130 = vector.broadcast %and3A : i32 to vector<16xi32>
        %and3A_131 = arith.andi %shift_right_logical3A_129, %and3A_130 : vector<16xi32>
        %shift_right_logical3A_132 = arith.constant 15 : i32
        %shift_right_logical3A_133 = vector.broadcast %shift_right_logical3A_132 : i32 to vector<16xi32>
        %shift_right_logical3A_134 = arith.shrui %bitcast_convert_type3A, %shift_right_logical3A_133 : vector<16xi32>
        %eq3A_135 = arith.cmpi eq, %shift_right_logical3A_134, %add3A_66 : vector<16xi32>
        %shift_left3A_136 = arith.constant 8 : i32
        %shift_left3A_137 = vector.broadcast %shift_left3A_136 : i32 to vector<16xi32>
        %shift_left3A_138 = arith.shli %iota3A, %shift_left3A_137 : vector<16xi32>
        %add3A_139 = arith.addi %shift_left3A_138, %and3A_131 : vector<16xi32>
        tpu.vector_store_idx %arg5[%add3A_139], %broadcast_in_dim3A_3 masked %eq3A_135 {add = true} : memref<4096xi32, #tpu.memory_space<vmem>>[vector<16xi32>], vector<16xi32>, vector<16xi1>
        %scan3A_140 = arith.constant 0 : i32
        scf.yield %scan3A_140 : i32
      }
      %scan3A_80 = arith.constant 256 : i32
      %scan3A_81 = arith.constant 0 : i32
      %scan3A_82 = arith.constant 16 : i32
      %scan3A_83 = arith.addi %scan3A_81, %scan3A_82 : i32
      %scan3A_84 = arith.constant 1 : i32
      %scan3A_85:4 = scf.for %scan3A_121 = %scan3A_81 to %scan3A_83 step %scan3A_84 iter_args(%scan3A_122 = %broadcast_in_dim3A_5, %scan3A_123 = %broadcast_in_dim3A_5, %scan3A_124 = %broadcast_in_dim3A_5, %scan3A_125 = %broadcast_in_dim3A_5) -> (vector<16xi32>, vector<16xi32>, vector<16xi32>, vector<16xi32>)  : i32 {
        %scan3A_126 = arith.constant 0 : i32
        %scan3A_127 = arith.constant 16 : i32
        %scan3A_128 = arith.addi %scan3A_126, %scan3A_127 : i32
        %scan3A_129 = arith.constant 1 : i32
        %scan3A_130 = scf.for %scan3A_160 = %scan3A_126 to %scan3A_128 step %scan3A_129 iter_args(%scan3A_161 = %broadcast_in_dim3A_5) -> (vector<16xi32>)  : i32 {
          %mul3A_162 = arith.constant 256 : i32
          %mul3A_163 = arith.muli %scan3A_160, %mul3A_162 : i32
          %mul3A_164 = arith.constant 16 : i32
          %mul3A_165 = arith.muli %scan3A_121, %mul3A_164 : i32
          %add3A_166 = arith.addi %mul3A_163, %mul3A_165 : i32
          %get3A = arith.index_cast %add3A_166 : i32 to index
          %get3A_167 = tpu.vector_load %arg5[%get3A] {strides = array<i32>} : memref<4096xi32, #tpu.memory_space<vmem>>, vector<16xi32>,
          %add3A_168 = arith.addi %scan3A_161, %get3A_167 : vector<16xi32>
          scf.yield %add3A_168 : vector<16xi32>
        }
        %scan3A_131 = arith.constant 16 : i32
        %broadcast_in_dim3A_132 = arith.constant true
        %broadcast_in_dim3A_133 = vector.broadcast %broadcast_in_dim3A_132 : i1 to vector<16xi1>
        %masked_cumsum3A = tpu.scan <sum>, %scan3A_130 masked %broadcast_in_dim3A_133 : vector<16xi32>, vector<16xi1> -> vector<16xi32>
        %add3A_134 = arith.addi %scan3A_125, %masked_cumsum3A : vector<16xi32>
        %ge3A = arith.cmpi sge, %add3A_134, %sub3A_62 : vector<16xi32>
        %all_reduce_population_count3A = tpu.all_reduce %ge3A {dim = 0 : i64, kind = #tpu.reduction_kind<sum>} : vector<16xi1> -> vector<16xi32>
        %all_reduce_ffs3A = tpu.all_reduce %ge3A {dim = 0 : i64, kind = #tpu.reduction_kind<find_first_set>} : vector<16xi1> -> vector<16xi32>
        %eq3A_135 = arith.constant 0 : i32
        %eq3A_136 = vector.broadcast %eq3A_135 : i32 to vector<16xi32>
        %eq3A_137 = arith.cmpi eq, %scan3A_122, %eq3A_136 : vector<16xi32>
        %gt3A = arith.constant 0 : i32
        %gt3A_138 = vector.broadcast %gt3A : i32 to vector<16xi32>
        %gt3A_139 = arith.cmpi sgt, %all_reduce_population_count3A, %gt3A_138 : vector<16xi32>
        %and3A = arith.andi %eq3A_137, %gt3A_139 : vector<16xi1>
        %eq3A_140 = arith.cmpi eq, %iota3A, %all_reduce_ffs3A : vector<16xi32>
        %sub3A_141 = arith.subi %add3A_134, %scan3A_130 : vector<16xi32>
        %jit3A = arith.constant 0 : i32
        %broadcast_in_dim3A_142 = vector.broadcast %jit3A : i32 to vector<16xi32>
        %select_n3A = arith.select %eq3A_140, %sub3A_141, %broadcast_in_dim3A_142 : vector<16xi1>, vector<16xi32>
        %reduce_sum3A = arith.constant true
        %reduce_sum3A_143 = vector.broadcast %reduce_sum3A : i1 to vector<16xi1>
        %reduce_sum3A_144 = tpu.scan <sum>, %select_n3A masked %reduce_sum3A_143 : vector<16xi32>, vector<16xi1> -> vector<16xi32>
        %reduce_sum3A_145 = vector.extract %reduce_sum3A_144[15] : i32 from vector<16xi32>
        %broadcast_in_dim3A_146 = vector.broadcast %reduce_sum3A_145 : i32 to vector<16xi32>
        %mul3A_147 = arith.constant 16 : i32
        %mul3A_148 = arith.muli %scan3A_121, %mul3A_147 : i32
        %add3A_149 = vector.broadcast %mul3A_148 : i32 to vector<16xi32>
        %add3A_150 = arith.addi %add3A_149, %all_reduce_ffs3A : vector<16xi32>
        %select_n3A_151 = arith.select %and3A, %add3A_150, %scan3A_123 : vector<16xi1>, vector<16xi32>
        %select_n3A_152 = arith.select %and3A, %broadcast_in_dim3A_146, %scan3A_124 : vector<16xi1>, vector<16xi32>
        %select_n3A_153 = arith.select %and3A, %broadcast_in_dim3A_3, %scan3A_122 : vector<16xi1>, vector<16xi32>
        %reduce_sum3A_154 = arith.constant true
        %reduce_sum3A_155 = vector.broadcast %reduce_sum3A_154 : i1 to vector<16xi1>
        %reduce_sum3A_156 = tpu.scan <sum>, %scan3A_130 masked %reduce_sum3A_155 : vector<16xi32>, vector<16xi1> -> vector<16xi32>
        %reduce_sum3A_157 = vector.extract %reduce_sum3A_156[15] : i32 from vector<16xi32>
        %broadcast_in_dim3A_158 = vector.broadcast %reduce_sum3A_157 : i32 to vector<16xi32>
        %add3A_159 = arith.addi %scan3A_125, %broadcast_in_dim3A_158 : vector<16xi32>
        scf.yield %select_n3A_153, %select_n3A_151, %select_n3A_152, %add3A_159 : vector<16xi32>, vector<16xi32>, vector<16xi32>, vector<16xi32>
      }
      %scan3A_86 = arith.constant 16 : i32
      %sub3A_87 = arith.subi %sub3A_62, %scan3A_85#2 : vector<16xi32>
      %shift_left3A_88 = arith.constant 8 : i32
      %shift_left3A_89 = vector.broadcast %shift_left3A_88 : i32 to vector<16xi32>
      %shift_left3A_90 = arith.shli %add3A_66, %shift_left3A_89 : vector<16xi32>
      %add3A_91 = arith.addi %shift_left3A_90, %scan3A_85#1 : vector<16xi32>
      %scan3A_92 = arith.constant 0 : i32
      %scan3A_93 = arith.constant 0 : i32
      %scan3A_94 = arith.constant 256 : i32
      %scan3A_95 = arith.addi %scan3A_93, %scan3A_94 : i32
      %scan3A_96 = arith.constant 1 : i32
      %scan3A_97 = scf.for %scan3A_121 = %scan3A_93 to %scan3A_95 step %scan3A_96 iter_args(%scan3A_122 = %scan3A_92) -> (i32)  : i32 {
        %mul3A_123 = arith.constant 16 : i32
        %mul3A_124 = arith.muli %scan3A_121, %mul3A_123 : i32
        %swap3A = arith.index_cast %mul3A_124 : i32 to index
        %swap3A_125 = tpu.vector_load %arg5[%swap3A] {strides = array<i32>} : memref<4096xi32, #tpu.memory_space<vmem>>, vector<16xi32>,
        tpu.vector_store %arg5[%swap3A], %broadcast_in_dim3A_5 {strides = array<i32>} : memref<4096xi32, #tpu.memory_space<vmem>>, vector<16xi32>,
        %scan3A_126 = arith.constant 0 : i32
        scf.yield %scan3A_126 : i32
      }
      %scan3A_98 = arith.constant 256 : i32
      %scan3A_99 = arith.constant 0 : i32
      %scan3A_100 = arith.constant 0 : i32
      %scan3A_101 = arith.constant 256 : i32
      %scan3A_102 = arith.addi %scan3A_100, %scan3A_101 : i32
      %scan3A_103 = arith.constant 1 : i32
      %scan3A_104 = scf.for %scan3A_121 = %scan3A_100 to %scan3A_102 step %scan3A_103 iter_args(%scan3A_122 = %scan3A_99) -> (i32)  : i32 {
        %mul3A_123 = arith.constant 16 : i32
        %mul3A_124 = arith.muli %scan3A_121, %mul3A_123 : i32
        %get3A = arith.index_cast %mul3A_124 : i32 to index
        %get3A_125 = tpu.vector_load %arg4[%get3A] {strides = array<i32>} : memref<4096xf32, #tpu.memory_space<vmem>>, vector<16xf32>,
        %max3A = arith.constant 0.000000e+00 : f32
        %max3A_126 = vector.broadcast %max3A : f32 to vector<16xf32>
        %max3A_127 = arith.maximumf %get3A_125, %max3A_126 : vector<16xf32>
        %bitcast_convert_type3A = tpu.bitcast %max3A_127 : vector<16xf32> -> vector<16xi32>
        %shift_right_logical3A = arith.constant 0 : i32
        %shift_right_logical3A_128 = vector.broadcast %shift_right_logical3A : i32 to vector<16xi32>
        %shift_right_logical3A_129 = arith.shrui %bitcast_convert_type3A, %shift_right_logical3A_128 : vector<16xi32>
        %and3A = arith.constant 127 : i32
        %and3A_130 = vector.broadcast %and3A : i32 to vector<16xi32>
        %and3A_131 = arith.andi %shift_right_logical3A_129, %and3A_130 : vector<16xi32>
        %shift_right_logical3A_132 = arith.constant 7 : i32
        %shift_right_logical3A_133 = vector.broadcast %shift_right_logical3A_132 : i32 to vector<16xi32>
        %shift_right_logical3A_134 = arith.shrui %bitcast_convert_type3A, %shift_right_logical3A_133 : vector<16xi32>
        %eq3A_135 = arith.cmpi eq, %shift_right_logical3A_134, %add3A_91 : vector<16xi32>
        %shift_left3A_136 = arith.constant 8 : i32
        %shift_left3A_137 = vector.broadcast %shift_left3A_136 : i32 to vector<16xi32>
        %shift_left3A_138 = arith.shli %iota3A, %shift_left3A_137 : vector<16xi32>
        %add3A_139 = arith.addi %shift_left3A_138, %and3A_131 : vector<16xi32>
        tpu.vector_store_idx %arg5[%add3A_139], %broadcast_in_dim3A_3 masked %eq3A_135 {add = true} : memref<4096xi32, #tpu.memory_space<vmem>>[vector<16xi32>], vector<16xi32>, vector<16xi1>
        %scan3A_140 = arith.constant 0 : i32
        scf.yield %scan3A_140 : i32
      }
      %scan3A_105 = arith.constant 256 : i32
      %scan3A_106 = arith.constant 0 : i32
      %scan3A_107 = arith.constant 16 : i32
      %scan3A_108 = arith.addi %scan3A_106, %scan3A_107 : i32
      %scan3A_109 = arith.constant 1 : i32
      %scan3A_110:4 = scf.for %scan3A_121 = %scan3A_106 to %scan3A_108 step %scan3A_109 iter_args(%scan3A_122 = %broadcast_in_dim3A_5, %scan3A_123 = %broadcast_in_dim3A_5, %scan3A_124 = %broadcast_in_dim3A_5, %scan3A_125 = %broadcast_in_dim3A_5) -> (vector<16xi32>, vector<16xi32>, vector<16xi32>, vector<16xi32>)  : i32 {
        %scan3A_126 = arith.constant 0 : i32
        %scan3A_127 = arith.constant 16 : i32
        %scan3A_128 = arith.addi %scan3A_126, %scan3A_127 : i32
        %scan3A_129 = arith.constant 1 : i32
        %scan3A_130 = scf.for %scan3A_160 = %scan3A_126 to %scan3A_128 step %scan3A_129 iter_args(%scan3A_161 = %broadcast_in_dim3A_5) -> (vector<16xi32>)  : i32 {
          %mul3A_162 = arith.constant 256 : i32
          %mul3A_163 = arith.muli %scan3A_160, %mul3A_162 : i32
          %mul3A_164 = arith.constant 16 : i32
          %mul3A_165 = arith.muli %scan3A_121, %mul3A_164 : i32
          %add3A_166 = arith.addi %mul3A_163, %mul3A_165 : i32
          %get3A = arith.index_cast %add3A_166 : i32 to index
          %get3A_167 = tpu.vector_load %arg5[%get3A] {strides = array<i32>} : memref<4096xi32, #tpu.memory_space<vmem>>, vector<16xi32>,
          %add3A_168 = arith.addi %scan3A_161, %get3A_167 : vector<16xi32>
          scf.yield %add3A_168 : vector<16xi32>
        }
        %scan3A_131 = arith.constant 16 : i32
        %broadcast_in_dim3A_132 = arith.constant true
        %broadcast_in_dim3A_133 = vector.broadcast %broadcast_in_dim3A_132 : i1 to vector<16xi1>
        %masked_cumsum3A = tpu.scan <sum>, %scan3A_130 masked %broadcast_in_dim3A_133 : vector<16xi32>, vector<16xi1> -> vector<16xi32>
        %add3A_134 = arith.addi %scan3A_125, %masked_cumsum3A : vector<16xi32>
        %ge3A = arith.cmpi sge, %add3A_134, %sub3A_87 : vector<16xi32>
        %all_reduce_population_count3A = tpu.all_reduce %ge3A {dim = 0 : i64, kind = #tpu.reduction_kind<sum>} : vector<16xi1> -> vector<16xi32>
        %all_reduce_ffs3A = tpu.all_reduce %ge3A {dim = 0 : i64, kind = #tpu.reduction_kind<find_first_set>} : vector<16xi1> -> vector<16xi32>
        %eq3A_135 = arith.constant 0 : i32
        %eq3A_136 = vector.broadcast %eq3A_135 : i32 to vector<16xi32>
        %eq3A_137 = arith.cmpi eq, %scan3A_122, %eq3A_136 : vector<16xi32>
        %gt3A = arith.constant 0 : i32
        %gt3A_138 = vector.broadcast %gt3A : i32 to vector<16xi32>
        %gt3A_139 = arith.cmpi sgt, %all_reduce_population_count3A, %gt3A_138 : vector<16xi32>
        %and3A = arith.andi %eq3A_137, %gt3A_139 : vector<16xi1>
        %eq3A_140 = arith.cmpi eq, %iota3A, %all_reduce_ffs3A : vector<16xi32>
        %sub3A_141 = arith.subi %add3A_134, %scan3A_130 : vector<16xi32>
        %jit3A = arith.constant 0 : i32
        %broadcast_in_dim3A_142 = vector.broadcast %jit3A : i32 to vector<16xi32>
        %select_n3A = arith.select %eq3A_140, %sub3A_141, %broadcast_in_dim3A_142 : vector<16xi1>, vector<16xi32>
        %reduce_sum3A = arith.constant true
        %reduce_sum3A_143 = vector.broadcast %reduce_sum3A : i1 to vector<16xi1>
        %reduce_sum3A_144 = tpu.scan <sum>, %select_n3A masked %reduce_sum3A_143 : vector<16xi32>, vector<16xi1> -> vector<16xi32>
        %reduce_sum3A_145 = vector.extract %reduce_sum3A_144[15] : i32 from vector<16xi32>
        %broadcast_in_dim3A_146 = vector.broadcast %reduce_sum3A_145 : i32 to vector<16xi32>
        %mul3A_147 = arith.constant 16 : i32
        %mul3A_148 = arith.muli %scan3A_121, %mul3A_147 : i32
        %add3A_149 = vector.broadcast %mul3A_148 : i32 to vector<16xi32>
        %add3A_150 = arith.addi %add3A_149, %all_reduce_ffs3A : vector<16xi32>
        %select_n3A_151 = arith.select %and3A, %add3A_150, %scan3A_123 : vector<16xi1>, vector<16xi32>
        %select_n3A_152 = arith.select %and3A, %broadcast_in_dim3A_146, %scan3A_124 : vector<16xi1>, vector<16xi32>
        %select_n3A_153 = arith.select %and3A, %broadcast_in_dim3A_3, %scan3A_122 : vector<16xi1>, vector<16xi32>
        %reduce_sum3A_154 = arith.constant true
        %reduce_sum3A_155 = vector.broadcast %reduce_sum3A_154 : i1 to vector<16xi1>
        %reduce_sum3A_156 = tpu.scan <sum>, %scan3A_130 masked %reduce_sum3A_155 : vector<16xi32>, vector<16xi1> -> vector<16xi32>
        %reduce_sum3A_157 = vector.extract %reduce_sum3A_156[15] : i32 from vector<16xi32>
        %broadcast_in_dim3A_158 = vector.broadcast %reduce_sum3A_157 : i32 to vector<16xi32>
        %add3A_159 = arith.addi %scan3A_125, %broadcast_in_dim3A_158 : vector<16xi32>
        scf.yield %select_n3A_153, %select_n3A_151, %select_n3A_152, %add3A_159 : vector<16xi32>, vector<16xi32>, vector<16xi32>, vector<16xi32>
      }
      %scan3A_111 = arith.constant 16 : i32
      %sub3A_112 = arith.subi %sub3A_87, %scan3A_110#2 : vector<16xi32>
      %shift_left3A_113 = arith.constant 7 : i32
      %shift_left3A_114 = vector.broadcast %shift_left3A_113 : i32 to vector<16xi32>
      %shift_left3A_115 = arith.shli %add3A_91, %shift_left3A_114 : vector<16xi32>
      %add3A_116 = arith.addi %shift_left3A_115, %scan3A_110#1 : vector<16xi32>
      %broadcast_in_dim3A_117 = vector.broadcast %scan3A_12 : i32 to vector<16xi32>
      %eq3A = arith.constant 0 : i32
      %eq3A_118 = vector.broadcast %eq3A : i32 to vector<16xi32>
      %eq3A_119 = arith.cmpi eq, %iota3A, %eq3A_118 : vector<16xi32>
      tpu.vector_store_idx %arg6[%broadcast_in_dim3A_117], %add3A_116 masked %eq3A_119 : memref<256xi32, #tpu.memory_space<vmem>>[vector<16xi32>], vector<16xi32>, vector<16xi1>
      %scan3A_120 = arith.constant 0 : i32
      scf.yield %scan3A_120 : i32
    }
    %scan3A_11 = arith.constant 256 : i32
    "tpu.region"() ({
      %run_scoped3A = tpu.sem_alloc : memref<!tpu.dma_semaphore, #tpu.memory_space<semaphore_mem>>
      %dma_start3A = tpu.memref_slice %arg3[%mul3A_2] : memref<8192xi32, #tpu.memory_space<hbm>> -> memref<256xi32, #tpu.memory_space<hbm>>
      %dma_start3A_12 = tpu.memref_slice %arg3[%mul3A_2] : memref<8192xi32, #tpu.memory_space<hbm>> -> memref<256xi32, #tpu.memory_space<hbm>>
      tpu.enqueue_dma source(%arg6 : memref<256xi32, #tpu.memory_space<vmem>>) target(%dma_start3A_12 : memref<256xi32, #tpu.memory_space<hbm>>) target_semaphore(%run_scoped3A : memref<!tpu.dma_semaphore, #tpu.memory_space<semaphore_mem>>)
      %dma_wait3A = tpu.memref_slice %arg3[%mul3A_2] : memref<8192xi32, #tpu.memory_space<hbm>> -> memref<256xi32, #tpu.memory_space<hbm>>
      %dma_wait3A_13 = tpu.memref_slice %arg3[%mul3A_2] : memref<8192xi32, #tpu.memory_space<hbm>> -> memref<256xi32, #tpu.memory_space<hbm>>
      tpu.wait_dma2 semaphore(%run_scoped3A : memref<!tpu.dma_semaphore, #tpu.memory_space<semaphore_mem>>) src(%arg6 : memref<256xi32, #tpu.memory_space<vmem>>) dst(%dma_wait3A_13 : memref<256xi32, #tpu.memory_space<hbm>>)
      tpu.yield
    }) : () -> ()
    return
  }
}

module attributes {stable_mosaic.version = 14 : i64} {
  func.func @_d2_body(%arg0: i32, %arg1: i32, %arg2: i32, %arg3: memref<1x256x3xf32, #tpu.memory_space<vmem>>, %arg4: memref<1x512x3xf32, #tpu.memory_space<vmem>>, %arg5: memref<1x3x512xf32, #tpu.memory_space<vmem>>, %arg6: memref<1x256x512xf32, #tpu.memory_space<vmem>>) attributes {dimension_semantics = [#tpu.dimension_semantics<arbitrary>, #tpu.dimension_semantics<arbitrary>, #tpu.dimension_semantics<arbitrary>], iteration_bounds = array<i64: 2, 16, 8>, scalar_prefetch = 0 : i64, scratch_operands = 0 : i64, tpu.core_type = #tpu.core_type<tc>, window_params = [{transform_indices = @transform_0, window_bounds = array<i64: 1, 256, 3>}, {transform_indices = @transform_1, window_bounds = array<i64: 1, 512, 3>}, {transform_indices = @transform_2, window_bounds = array<i64: 1, 3, 512>}, {transform_indices = @transform_3, window_bounds = array<i64: 1, 256, 512>}]} {
    %get3A = arith.constant 0 : index
    %get3A_0 = arith.constant 0 : index
    %get3A_1 = arith.constant 0 : index
    %get3A_2 = vector.load %arg3[%get3A, %get3A_0, %get3A_1] : memref<1x256x3xf32, #tpu.memory_space<vmem>>, vector<1x256x3xf32>
    %get3A_3 = vector.shape_cast %get3A_2 : vector<1x256x3xf32> to vector<256x3xf32>
    %get3A_4 = arith.constant 0 : index
    %get3A_5 = arith.constant 0 : index
    %get3A_6 = arith.constant 0 : index
    %get3A_7 = vector.load %arg4[%get3A_4, %get3A_5, %get3A_6] : memref<1x512x3xf32, #tpu.memory_space<vmem>>, vector<1x512x3xf32>
    %get3A_8 = vector.shape_cast %get3A_7 : vector<1x512x3xf32> to vector<512x3xf32>
    %get3A_9 = arith.constant 0 : index
    %get3A_10 = arith.constant 0 : index
    %get3A_11 = arith.constant 0 : index
    %get3A_12 = vector.load %arg5[%get3A_9, %get3A_10, %get3A_11] : memref<1x3x512xf32, #tpu.memory_space<vmem>>, vector<1x3x512xf32>
    %get3A_13 = vector.shape_cast %get3A_12 : vector<1x3x512xf32> to vector<3x512xf32>
    %dot_general3A = arith.constant dense<0.000000e+00> : vector<256x512xf32>
    %dot_general3A_14 = tpu.matmul %get3A_3, %get3A_8, %dot_general3A {dimension_numbers = #tpu.dot_dimension_numbers<[1], [1], [0], [0], [0, 0, 1, 0], [], []>, transpose_lhs_hint = false} : vector<256x3xf32>, vector<512x3xf32>, vector<256x512xf32> -> vector<256x512xf32>
    %slice3A = vector.extract_strided_slice %get3A_3 {offsets = [0, 0], sizes = [256, 1], strides = [1, 1]} : vector<256x3xf32> to vector<256x1xf32>
    %slice3A_15 = vector.extract_strided_slice %get3A_3 {offsets = [0, 1], sizes = [256, 1], strides = [1, 1]} : vector<256x3xf32> to vector<256x1xf32>
    %slice3A_16 = vector.extract_strided_slice %get3A_3 {offsets = [0, 2], sizes = [256, 1], strides = [1, 1]} : vector<256x3xf32> to vector<256x1xf32>
    %slice3A_17 = vector.extract_strided_slice %get3A_13 {offsets = [0, 0], sizes = [1, 512], strides = [1, 1]} : vector<3x512xf32> to vector<1x512xf32>
    %slice3A_18 = vector.extract_strided_slice %get3A_13 {offsets = [1, 0], sizes = [1, 512], strides = [1, 1]} : vector<3x512xf32> to vector<1x512xf32>
    %slice3A_19 = vector.extract_strided_slice %get3A_13 {offsets = [2, 0], sizes = [1, 512], strides = [1, 1]} : vector<3x512xf32> to vector<1x512xf32>
    %mul3A = arith.mulf %slice3A, %slice3A : vector<256x1xf32>
    %mul3A_20 = arith.mulf %slice3A_15, %slice3A_15 : vector<256x1xf32>
    %add3A = arith.addf %mul3A, %mul3A_20 : vector<256x1xf32>
    %mul3A_21 = arith.mulf %slice3A_16, %slice3A_16 : vector<256x1xf32>
    %add3A_22 = arith.addf %add3A, %mul3A_21 : vector<256x1xf32>
    %mul3A_23 = arith.mulf %slice3A_17, %slice3A_17 : vector<1x512xf32>
    %mul3A_24 = arith.mulf %slice3A_18, %slice3A_18 : vector<1x512xf32>
    %add3A_25 = arith.addf %mul3A_23, %mul3A_24 : vector<1x512xf32>
    %mul3A_26 = arith.mulf %slice3A_19, %slice3A_19 : vector<1x512xf32>
    %add3A_27 = arith.addf %add3A_25, %mul3A_26 : vector<1x512xf32>
    %add3A_28 = vector.broadcast %add3A_22 : vector<256x1xf32> to vector<256x512xf32>
    %add3A_29 = vector.broadcast %add3A_27 : vector<1x512xf32> to vector<256x512xf32>
    %add3A_30 = arith.addf %add3A_28, %add3A_29 : vector<256x512xf32>
    %mul3A_31 = arith.constant 2.000000e+00 : f32
    %mul3A_32 = vector.broadcast %mul3A_31 : f32 to vector<256x512xf32>
    %mul3A_33 = arith.mulf %mul3A_32, %dot_general3A_14 : vector<256x512xf32>
    %sub3A = arith.subf %add3A_30, %mul3A_33 : vector<256x512xf32>
    %swap3A = arith.constant 0 : index
    %swap3A_34 = arith.constant 0 : index
    %swap3A_35 = arith.constant 0 : index
    %swap3A_36 = vector.load %arg6[%swap3A, %swap3A_34, %swap3A_35] : memref<1x256x512xf32, #tpu.memory_space<vmem>>, vector<1x256x512xf32>
    %swap3A_37 = vector.shape_cast %swap3A_36 : vector<1x256x512xf32> to vector<256x512xf32>
    %swap3A_38 = vector.shape_cast %sub3A : vector<256x512xf32> to vector<1x256x512xf32>
    tpu.vector_store %arg6[%swap3A, %swap3A_34, %swap3A_35], %swap3A_38 {strides = array<i32>} : memref<1x256x512xf32, #tpu.memory_space<vmem>>, vector<1x256x512xf32>,
    return
  }
  func.func @transform_0(%arg0: i32, %arg1: i32, %arg2: i32) -> (i32, i32, i32) {
    %c0_i32 = arith.constant 0 : i32
    %c0_i32_0 = arith.constant 0 : i32
    return %arg0, %arg1, %c0_i32 : i32, i32, i32
  }
  func.func @transform_1(%arg0: i32, %arg1: i32, %arg2: i32) -> (i32, i32, i32) {
    %c0_i32 = arith.constant 0 : i32
    %c0_i32_0 = arith.constant 0 : i32
    return %arg0, %arg2, %c0_i32 : i32, i32, i32
  }
  func.func @transform_2(%arg0: i32, %arg1: i32, %arg2: i32) -> (i32, i32, i32) {
    %c0_i32 = arith.constant 0 : i32
    %c0_i32_0 = arith.constant 0 : i32
    return %arg0, %c0_i32, %arg2 : i32, i32, i32
  }
  func.func @transform_3(%arg0: i32, %arg1: i32, %arg2: i32) -> (i32, i32, i32) {
    %c0_i32 = arith.constant 0 : i32
    return %arg0, %arg1, %arg2 : i32, i32, i32
  }
}

module attributes {stable_mosaic.version = 14 : i64} {
  func.func @_proj_body(%arg0: i32, %arg1: memref<512x768xf32, #tpu.memory_space<vmem>>, %arg2: memref<768x2304xf32, #tpu.memory_space<vmem>>, %arg3: memref<1x2304xf32, #tpu.memory_space<vmem>>, %arg4: memref<512x768xf32, #tpu.memory_space<vmem>>, %arg5: memref<512x1536xbf16, #tpu.memory_space<vmem>>) attributes {dimension_semantics = [#tpu.dimension_semantics<arbitrary>], iteration_bounds = array<i64: 16>, scalar_prefetch = 0 : i64, scratch_operands = 0 : i64, tpu.core_type = #tpu.core_type<tc>, window_params = [{transform_indices = @transform_0, window_bounds = array<i64: 512, 768>}, {pipeline_mode = #tpu.pipeline_mode<synchronous>, transform_indices = @transform_1, window_bounds = array<i64: 768, 2304>}, {pipeline_mode = #tpu.pipeline_mode<synchronous>, transform_indices = @transform_2, window_bounds = array<i64: 1, 2304>}, {transform_indices = @transform_3, window_bounds = array<i64: 512, 768>}, {transform_indices = @transform_4, window_bounds = array<i64: 512, 1536>}]} {
    %get3A = arith.constant 0 : index
    %get3A_0 = arith.constant 0 : index
    %get3A_1 = vector.load %arg1[%get3A, %get3A_0] : memref<512x768xf32, #tpu.memory_space<vmem>>, vector<512x768xf32>
    %get3A_2 = arith.constant 0 : index
    %get3A_3 = arith.constant 0 : index
    %get3A_4 = vector.load %arg2[%get3A_2, %get3A_3] : memref<768x2304xf32, #tpu.memory_space<vmem>>, vector<768x2304xf32>
    %dot_general3A = arith.constant dense<0.000000e+00> : vector<512x2304xf32>
    %dot_general3A_5 = tpu.matmul %get3A_1, %get3A_4, %dot_general3A {dimension_numbers = #tpu.dot_dimension_numbers<[1], [0], [0], [1], [0, 0, 1, 1], [], []>, transpose_lhs_hint = false} : vector<512x768xf32>, vector<768x2304xf32>, vector<512x2304xf32> -> vector<512x2304xf32>
    %get3A_6 = arith.constant 0 : index
    %get3A_7 = arith.constant 0 : index
    %get3A_8 = vector.load %arg3[%get3A_6, %get3A_7] : memref<1x2304xf32, #tpu.memory_space<vmem>>, vector<1x2304xf32>
    %add3A = vector.broadcast %get3A_8 : vector<1x2304xf32> to vector<512x2304xf32>
    %add3A_9 = arith.addf %dot_general3A_5, %add3A : vector<512x2304xf32>
    %slice3A = vector.extract_strided_slice %add3A_9 {offsets = [0, 0], sizes = [512, 768], strides = [1, 1]} : vector<512x2304xf32> to vector<512x768xf32>
    %swap3A = arith.constant 0 : index
    %swap3A_10 = arith.constant 0 : index
    %swap3A_11 = vector.load %arg4[%swap3A, %swap3A_10] : memref<512x768xf32, #tpu.memory_space<vmem>>, vector<512x768xf32>
    tpu.vector_store %arg4[%swap3A, %swap3A_10], %slice3A {strides = array<i32>} : memref<512x768xf32, #tpu.memory_space<vmem>>, vector<512x768xf32>,
    %slice3A_12 = vector.extract_strided_slice %add3A_9 {offsets = [0, 768], sizes = [512, 1536], strides = [1, 1]} : vector<512x2304xf32> to vector<512x1536xf32>
    %convert_element_type3A = arith.truncf %slice3A_12 : vector<512x1536xf32> to vector<512x1536xbf16>
    %swap3A_13 = arith.constant 0 : index
    %swap3A_14 = arith.constant 0 : index
    %swap3A_15 = vector.load %arg5[%swap3A_13, %swap3A_14] : memref<512x1536xbf16, #tpu.memory_space<vmem>>, vector<512x1536xbf16>
    tpu.vector_store %arg5[%swap3A_13, %swap3A_14], %convert_element_type3A {strides = array<i32>} : memref<512x1536xbf16, #tpu.memory_space<vmem>>, vector<512x1536xbf16>,
    return
  }
  func.func @transform_0(%arg0: i32) -> (i32, i32) {
    %c0_i32 = arith.constant 0 : i32
    %c0_i32_0 = arith.constant 0 : i32
    return %arg0, %c0_i32 : i32, i32
  }
  func.func @transform_1(%arg0: i32) -> (i32, i32) {
    %c0_i32 = arith.constant 0 : i32
    %c0_i32_0 = arith.constant 0 : i32
    %c0_i32_1 = arith.constant 0 : i32
    return %c0_i32, %c0_i32_0 : i32, i32
  }
  func.func @transform_2(%arg0: i32) -> (i32, i32) {
    %c0_i32 = arith.constant 0 : i32
    %c0_i32_0 = arith.constant 0 : i32
    %c0_i32_1 = arith.constant 0 : i32
    return %c0_i32, %c0_i32_0 : i32, i32
  }
  func.func @transform_3(%arg0: i32) -> (i32, i32) {
    %c0_i32 = arith.constant 0 : i32
    %c0_i32_0 = arith.constant 0 : i32
    return %arg0, %c0_i32 : i32, i32
  }
  func.func @transform_4(%arg0: i32) -> (i32, i32) {
    %c0_i32 = arith.constant 0 : i32
    %c0_i32_0 = arith.constant 0 : i32
    return %arg0, %c0_i32 : i32, i32
  }
}

module attributes {stable_mosaic.version = 14 : i64} {
  func.func @_final_body(%arg0: i32, %arg1: i32, %arg2: memref<1x512x768xf32, #tpu.memory_space<vmem>>, %arg3: memref<1x512x768xf32, #tpu.memory_space<vmem>>, %arg4: memref<768x768xf32, #tpu.memory_space<vmem>>, %arg5: memref<1x768xf32, #tpu.memory_space<vmem>>, %arg6: memref<768x1536xf32, #tpu.memory_space<vmem>>, %arg7: memref<1x768xf32, #tpu.memory_space<vmem>>, %arg8: memref<1x512x768xf32, #tpu.memory_space<vmem>>) attributes {dimension_semantics = [#tpu.dimension_semantics<arbitrary>, #tpu.dimension_semantics<arbitrary>], iteration_bounds = array<i64: 2, 8>, scalar_prefetch = 0 : i64, scratch_operands = 0 : i64, tpu.core_type = #tpu.core_type<tc>, window_params = [{transform_indices = @transform_0, window_bounds = array<i64: 1, 512, 768>}, {transform_indices = @transform_1, window_bounds = array<i64: 1, 512, 768>}, {pipeline_mode = #tpu.pipeline_mode<synchronous>, transform_indices = @transform_2, window_bounds = array<i64: 768, 768>}, {pipeline_mode = #tpu.pipeline_mode<synchronous>, transform_indices = @transform_3, window_bounds = array<i64: 1, 768>}, {pipeline_mode = #tpu.pipeline_mode<synchronous>, transform_indices = @transform_4, window_bounds = array<i64: 768, 1536>}, {pipeline_mode = #tpu.pipeline_mode<synchronous>, transform_indices = @transform_5, window_bounds = array<i64: 1, 768>}, {transform_indices = @transform_6, window_bounds = array<i64: 1, 512, 768>}]} {
    %get3A = arith.constant 0 : index
    %get3A_0 = arith.constant 0 : index
    %get3A_1 = arith.constant 0 : index
    %get3A_2 = vector.load %arg2[%get3A, %get3A_0, %get3A_1] : memref<1x512x768xf32, #tpu.memory_space<vmem>>, vector<1x512x768xf32>
    %get3A_3 = vector.shape_cast %get3A_2 : vector<1x512x768xf32> to vector<512x768xf32>
    %get3A_4 = arith.constant 0 : index
    %get3A_5 = arith.constant 0 : index
    %get3A_6 = arith.constant 0 : index
    %get3A_7 = vector.load %arg3[%get3A_4, %get3A_5, %get3A_6] : memref<1x512x768xf32, #tpu.memory_space<vmem>>, vector<1x512x768xf32>
    %get3A_8 = vector.shape_cast %get3A_7 : vector<1x512x768xf32> to vector<512x768xf32>
    %get3A_9 = arith.constant 0 : index
    %get3A_10 = arith.constant 0 : index
    %get3A_11 = vector.load %arg4[%get3A_9, %get3A_10] : memref<768x768xf32, #tpu.memory_space<vmem>>, vector<768x768xf32>
    %dot_general3A = arith.constant dense<0.000000e+00> : vector<512x768xf32>
    %dot_general3A_12 = tpu.matmul %get3A_8, %get3A_11, %dot_general3A {dimension_numbers = #tpu.dot_dimension_numbers<[1], [1], [0], [0], [0, 0, 1, 0], [], []>, transpose_lhs_hint = false} : vector<512x768xf32>, vector<768x768xf32>, vector<512x768xf32> -> vector<512x768xf32>
    %get3A_13 = arith.constant 0 : index
    %get3A_14 = arith.constant 0 : index
    %get3A_15 = vector.load %arg5[%get3A_13, %get3A_14] : memref<1x768xf32, #tpu.memory_space<vmem>>, vector<1x768xf32>
    %add3A = vector.broadcast %get3A_15 : vector<1x768xf32> to vector<512x768xf32>
    %add3A_16 = arith.addf %dot_general3A_12, %add3A : vector<512x768xf32>
    %get3A_17 = arith.constant 0 : index
    %get3A_18 = arith.constant 0 : index
    %get3A_19 = vector.load %arg6[%get3A_17, %get3A_18] : memref<768x1536xf32, #tpu.memory_space<vmem>>, vector<768x768xf32>
    %dot_general3A_20 = arith.constant dense<0.000000e+00> : vector<512x768xf32>
    %dot_general3A_21 = tpu.matmul %get3A_3, %get3A_19, %dot_general3A_20 {dimension_numbers = #tpu.dot_dimension_numbers<[1], [1], [0], [0], [0, 0, 1, 0], [], []>, transpose_lhs_hint = false} : vector<512x768xf32>, vector<768x768xf32>, vector<512x768xf32> -> vector<512x768xf32>
    %get3A_22 = arith.constant 0 : index
    %get3A_23 = arith.constant 768 : index
    %get3A_24 = vector.load %arg6[%get3A_22, %get3A_23] : memref<768x1536xf32, #tpu.memory_space<vmem>>, vector<768x768xf32>
    %dot_general3A_25 = arith.constant dense<0.000000e+00> : vector<512x768xf32>
    %dot_general3A_26 = tpu.matmul %add3A_16, %get3A_24, %dot_general3A_25 {dimension_numbers = #tpu.dot_dimension_numbers<[1], [1], [0], [0], [0, 0, 1, 0], [], []>, transpose_lhs_hint = false} : vector<512x768xf32>, vector<768x768xf32>, vector<512x768xf32> -> vector<512x768xf32>
    %add3A_27 = arith.addf %dot_general3A_21, %dot_general3A_26 : vector<512x768xf32>
    %get3A_28 = arith.constant 0 : index
    %get3A_29 = arith.constant 0 : index
    %get3A_30 = vector.load %arg7[%get3A_28, %get3A_29] : memref<1x768xf32, #tpu.memory_space<vmem>>, vector<1x768xf32>
    %add3A_31 = vector.broadcast %get3A_30 : vector<1x768xf32> to vector<512x768xf32>
    %add3A_32 = arith.addf %add3A_27, %add3A_31 : vector<512x768xf32>
    %swap3A = arith.constant 0 : index
    %swap3A_33 = arith.constant 0 : index
    %swap3A_34 = arith.constant 0 : index
    %swap3A_35 = vector.load %arg8[%swap3A, %swap3A_33, %swap3A_34] : memref<1x512x768xf32, #tpu.memory_space<vmem>>, vector<1x512x768xf32>
    %swap3A_36 = vector.shape_cast %swap3A_35 : vector<1x512x768xf32> to vector<512x768xf32>
    %swap3A_37 = vector.shape_cast %add3A_32 : vector<512x768xf32> to vector<1x512x768xf32>
    tpu.vector_store %arg8[%swap3A, %swap3A_33, %swap3A_34], %swap3A_37 {strides = array<i32>} : memref<1x512x768xf32, #tpu.memory_space<vmem>>, vector<1x512x768xf32>,
    return
  }
  func.func @transform_0(%arg0: i32, %arg1: i32) -> (i32, i32, i32) {
    %c0_i32 = arith.constant 0 : i32
    %c0_i32_0 = arith.constant 0 : i32
    return %arg0, %arg1, %c0_i32 : i32, i32, i32
  }
  func.func @transform_1(%arg0: i32, %arg1: i32) -> (i32, i32, i32) {
    %c0_i32 = arith.constant 0 : i32
    %c0_i32_0 = arith.constant 0 : i32
    return %arg0, %arg1, %c0_i32 : i32, i32, i32
  }
  func.func @transform_2(%arg0: i32, %arg1: i32) -> (i32, i32) {
    %c0_i32 = arith.constant 0 : i32
    %c0_i32_0 = arith.constant 0 : i32
    %c0_i32_1 = arith.constant 0 : i32
    return %c0_i32, %c0_i32_0 : i32, i32
  }
  func.func @transform_3(%arg0: i32, %arg1: i32) -> (i32, i32) {
    %c0_i32 = arith.constant 0 : i32
    %c0_i32_0 = arith.constant 0 : i32
    %c0_i32_1 = arith.constant 0 : i32
    return %c0_i32, %c0_i32_0 : i32, i32
  }
  func.func @transform_4(%arg0: i32, %arg1: i32) -> (i32, i32) {
    %c0_i32 = arith.constant 0 : i32
    %c0_i32_0 = arith.constant 0 : i32
    %c0_i32_1 = arith.constant 0 : i32
    return %c0_i32, %c0_i32_0 : i32, i32
  }
  func.func @transform_5(%arg0: i32, %arg1: i32) -> (i32, i32) {
    %c0_i32 = arith.constant 0 : i32
    %c0_i32_0 = arith.constant 0 : i32
    %c0_i32_1 = arith.constant 0 : i32
    return %c0_i32, %c0_i32_0 : i32, i32
  }
  func.func @transform_6(%arg0: i32, %arg1: i32) -> (i32, i32, i32) {
    %c0_i32 = arith.constant 0 : i32
    %c0_i32_0 = arith.constant 0 : i32
    return %arg0, %arg1, %c0_i32 : i32, i32, i32
  }
}

module attributes {stable_mosaic.version = 14 : i64} {
  func.func @_attn_body(%arg0: i32, %arg1: i32, %arg2: i32, %arg3: memref<1x512x768xf32, #tpu.memory_space<vmem>>, %arg4: memref<1x1024x768xbf16, #tpu.memory_space<vmem>>, %arg5: memref<1x1024x768xbf16, #tpu.memory_space<vmem>>, %arg6: memref<1x512x1024xf32, #tpu.memory_space<vmem>>, %arg7: memref<1x512x1xf32, #tpu.memory_space<vmem>>, %arg8: memref<1x768xf32, #tpu.memory_space<vmem>>, %arg9: memref<1x768xf32, #tpu.memory_space<vmem>>, %arg10: memref<1x768xf32, #tpu.memory_space<vmem>>, %arg11: memref<1x768xf32, #tpu.memory_space<vmem>>, %arg12: memref<1x512x768xf32, #tpu.memory_space<vmem>>, %arg13: memref<512x8xf32, #tpu.memory_space<vmem>>, %arg14: memref<512x8xf32, #tpu.memory_space<vmem>>, %arg15: memref<512x8xf32, #tpu.memory_space<vmem>>, %arg16: memref<512x768xf32, #tpu.memory_space<vmem>>) attributes {dimension_semantics = [#tpu.dimension_semantics<arbitrary>, #tpu.dimension_semantics<arbitrary>, #tpu.dimension_semantics<arbitrary>], iteration_bounds = array<i64: 2, 8, 4>, scalar_prefetch = 0 : i64, scratch_operands = 4 : i64, tpu.core_type = #tpu.core_type<tc>, window_params = [{transform_indices = @transform_0, window_bounds = array<i64: 1, 512, 768>}, {transform_indices = @transform_1, window_bounds = array<i64: 1, 1024, 768>}, {transform_indices = @transform_2, window_bounds = array<i64: 1, 1024, 768>}, {transform_indices = @transform_3, window_bounds = array<i64: 1, 512, 1024>}, {transform_indices = @transform_4, window_bounds = array<i64: 1, 512, 1>}, {pipeline_mode = #tpu.pipeline_mode<synchronous>, transform_indices = @transform_5, window_bounds = array<i64: 1, 768>}, {pipeline_mode = #tpu.pipeline_mode<synchronous>, transform_indices = @transform_6, window_bounds = array<i64: 1, 768>}, {pipeline_mode = #tpu.pipeline_mode<synchronous>, transform_indices = @transform_7, window_bounds = array<i64: 1, 768>}, {pipeline_mode = #tpu.pipeline_mode<synchronous>, transform_indices = @transform_8, window_bounds = array<i64: 1, 768>}, {transform_indices = @transform_9, window_bounds = array<i64: 1, 512, 768>}]} {
    %eq3A = arith.constant 0 : i32
    %eq3A_0 = arith.cmpi eq, %arg2, %eq3A : i32
    %convert_element_type3A = arith.extui %eq3A_0 : i1 to i32
    %cond3A = arith.constant 0 : i32
    %cond3A_1 = arith.cmpi ne, %convert_element_type3A, %cond3A : i32
    scf.if %cond3A_1 {
      %broadcast_in_dim3A_636 = arith.constant -1.000000e+30 : f32
      %broadcast_in_dim3A_637 = vector.broadcast %broadcast_in_dim3A_636 : f32 to vector<512x8xf32>
      %swap3A_638 = arith.constant 0 : index
      %swap3A_639 = arith.constant 0 : index
      %swap3A_640 = vector.load %arg13[%swap3A_638, %swap3A_639] : memref<512x8xf32, #tpu.memory_space<vmem>>, vector<512x8xf32>
      tpu.vector_store %arg13[%swap3A_638, %swap3A_639], %broadcast_in_dim3A_637 {strides = array<i32>} : memref<512x8xf32, #tpu.memory_space<vmem>>, vector<512x8xf32>,
      %broadcast_in_dim3A_641 = arith.constant 0.000000e+00 : f32
      %broadcast_in_dim3A_642 = vector.broadcast %broadcast_in_dim3A_641 : f32 to vector<512x8xf32>
      %swap3A_643 = arith.constant 0 : index
      %swap3A_644 = arith.constant 0 : index
      %swap3A_645 = vector.load %arg14[%swap3A_643, %swap3A_644] : memref<512x8xf32, #tpu.memory_space<vmem>>, vector<512x8xf32>
      tpu.vector_store %arg14[%swap3A_643, %swap3A_644], %broadcast_in_dim3A_642 {strides = array<i32>} : memref<512x8xf32, #tpu.memory_space<vmem>>, vector<512x8xf32>,
      %broadcast_in_dim3A_646 = arith.constant 0.000000e+00 : f32
      %broadcast_in_dim3A_647 = vector.broadcast %broadcast_in_dim3A_646 : f32 to vector<512x8xf32>
      %swap3A_648 = arith.constant 0 : index
      %swap3A_649 = arith.constant 0 : index
      %swap3A_650 = vector.load %arg15[%swap3A_648, %swap3A_649] : memref<512x8xf32, #tpu.memory_space<vmem>>, vector<512x8xf32>
      tpu.vector_store %arg15[%swap3A_648, %swap3A_649], %broadcast_in_dim3A_647 {strides = array<i32>} : memref<512x8xf32, #tpu.memory_space<vmem>>, vector<512x8xf32>,
      %broadcast_in_dim3A_651 = arith.constant 0.000000e+00 : f32
      %broadcast_in_dim3A_652 = vector.broadcast %broadcast_in_dim3A_651 : f32 to vector<512x768xf32>
      %swap3A_653 = arith.constant 0 : index
      %swap3A_654 = arith.constant 0 : index
      %swap3A_655 = vector.load %arg16[%swap3A_653, %swap3A_654] : memref<512x768xf32, #tpu.memory_space<vmem>>, vector<512x768xf32>
      tpu.vector_store %arg16[%swap3A_653, %swap3A_654], %broadcast_in_dim3A_652 {strides = array<i32>} : memref<512x768xf32, #tpu.memory_space<vmem>>, vector<512x768xf32>,
    } else {
    }
    %get3A = arith.constant 0 : index
    %get3A_2 = arith.constant 0 : index
    %get3A_3 = arith.constant 0 : index
    %get3A_4 = vector.load %arg3[%get3A, %get3A_2, %get3A_3] : memref<1x512x768xf32, #tpu.memory_space<vmem>>, vector<1x512x768xf32>
    %get3A_5 = vector.shape_cast %get3A_4 : vector<1x512x768xf32> to vector<512x768xf32>
    %get3A_6 = arith.constant 0 : index
    %get3A_7 = arith.constant 0 : index
    %get3A_8 = arith.constant 0 : index
    %get3A_9 = vector.load %arg4[%get3A_6, %get3A_7, %get3A_8] : memref<1x1024x768xbf16, #tpu.memory_space<vmem>>, vector<1x1024x768xbf16>
    %get3A_10 = vector.shape_cast %get3A_9 : vector<1x1024x768xbf16> to vector<1024x768xbf16>
    %get3A_11 = arith.constant 0 : index
    %get3A_12 = arith.constant 0 : index
    %get3A_13 = arith.constant 0 : index
    %get3A_14 = vector.load %arg5[%get3A_11, %get3A_12, %get3A_13] : memref<1x1024x768xbf16, #tpu.memory_space<vmem>>, vector<1x1024x768xbf16>
    %get3A_15 = vector.shape_cast %get3A_14 : vector<1x1024x768xbf16> to vector<1024x768xbf16>
    %get3A_16 = arith.constant 0 : index
    %get3A_17 = arith.constant 0 : index
    %get3A_18 = arith.constant 0 : index
    %get3A_19 = vector.load %arg6[%get3A_16, %get3A_17, %get3A_18] : memref<1x512x1024xf32, #tpu.memory_space<vmem>>, vector<1x512x1024xf32>
    %get3A_20 = vector.shape_cast %get3A_19 : vector<1x512x1024xf32> to vector<512x1024xf32>
    %max3A = arith.constant 0.000000e+00 : f32
    %max3A_21 = vector.broadcast %max3A : f32 to vector<512x1024xf32>
    %max3A_22 = arith.maximumf %get3A_20, %max3A_21 : vector<512x1024xf32>
    %get3A_23 = arith.constant 0 : index
    %get3A_24 = arith.constant 0 : index
    %get3A_25 = arith.constant 0 : index
    %get3A_26 = vector.load %arg7[%get3A_23, %get3A_24, %get3A_25] : memref<1x512x1xf32, #tpu.memory_space<vmem>>, vector<1x512x1xf32>
    %get3A_27 = vector.shape_cast %get3A_26 : vector<1x512x1xf32> to vector<512x1xf32>
    %le3A = vector.broadcast %get3A_27 : vector<512x1xf32> to vector<512x1024xf32>
    %le3A_28 = arith.cmpf ole, %max3A_22, %le3A : vector<512x1024xf32>
    %sqrt3A = math.sqrt %max3A_22 : vector<512x1024xf32>
    %get3A_29 = arith.constant 0 : index
    %get3A_30 = arith.constant 0 : index
    %get3A_31 = vector.load %arg8[%get3A_29, %get3A_30] : memref<1x768xf32, #tpu.memory_space<vmem>>, vector<1x768xf32>
    %get3A_32 = arith.constant 0 : index
    %get3A_33 = arith.constant 0 : index
    %get3A_34 = vector.load %arg9[%get3A_32, %get3A_33] : memref<1x768xf32, #tpu.memory_space<vmem>>, vector<1x768xf32>
    %slice3A = vector.extract_strided_slice %get3A_5 {offsets = [0, 0], sizes = [512, 96], strides = [1, 1]} : vector<512x768xf32> to vector<512x96xf32>
    %slice3A_35 = vector.extract_strided_slice %get3A_31 {offsets = [0, 0], sizes = [1, 96], strides = [1, 1]} : vector<1x768xf32> to vector<1x96xf32>
    %mul3A = vector.broadcast %slice3A_35 : vector<1x96xf32> to vector<512x96xf32>
    %mul3A_36 = arith.mulf %slice3A, %mul3A : vector<512x96xf32>
    %reduce_sum3A = arith.constant dense<0.000000e+00> : vector<512xf32>
    %reduce_sum3A_37 = vector.multi_reduction <add>, %mul3A_36, %reduce_sum3A [1] : vector<512x96xf32> to vector<512xf32>
    %broadcast_in_dim3A = vector.shape_cast %reduce_sum3A_37 : vector<512xf32> to vector<512x1xf32>
    %slice3A_38 = vector.extract_strided_slice %get3A_34 {offsets = [0, 0], sizes = [1, 96], strides = [1, 1]} : vector<1x768xf32> to vector<1x96xf32>
    %mul3A_39 = vector.broadcast %slice3A_38 : vector<1x96xf32> to vector<512x96xf32>
    %mul3A_40 = arith.mulf %slice3A, %mul3A_39 : vector<512x96xf32>
    %reduce_sum3A_41 = arith.constant dense<0.000000e+00> : vector<512xf32>
    %reduce_sum3A_42 = vector.multi_reduction <add>, %mul3A_40, %reduce_sum3A_41 [1] : vector<512x96xf32> to vector<512xf32>
    %broadcast_in_dim3A_43 = vector.shape_cast %reduce_sum3A_42 : vector<512xf32> to vector<512x1xf32>
    %convert_element_type3A_44 = arith.truncf %slice3A : vector<512x96xf32> to vector<512x96xbf16>
    %slice3A_45 = vector.extract_strided_slice %get3A_10 {offsets = [0, 0], sizes = [1024, 96], strides = [1, 1]} : vector<1024x768xbf16> to vector<1024x96xbf16>
    %dot_general3A = arith.constant dense<0.000000e+00> : vector<512x1024xf32>
    %dot_general3A_46 = tpu.matmul %convert_element_type3A_44, %slice3A_45, %dot_general3A {dimension_numbers = #tpu.dot_dimension_numbers<[1], [1], [0], [0], [0, 0, 1, 0], [], []>, transpose_lhs_hint = false} : vector<512x96xbf16>, vector<1024x96xbf16>, vector<512x1024xf32> -> vector<512x1024xf32>
    %mul3A_47 = vector.broadcast %broadcast_in_dim3A : vector<512x1xf32> to vector<512x1024xf32>
    %mul3A_48 = arith.mulf %sqrt3A, %mul3A_47 : vector<512x1024xf32>
    %add3A = arith.addf %dot_general3A_46, %mul3A_48 : vector<512x1024xf32>
    %add3A_49 = vector.broadcast %broadcast_in_dim3A_43 : vector<512x1xf32> to vector<512x1024xf32>
    %add3A_50 = arith.addf %add3A, %add3A_49 : vector<512x1024xf32>
    %jit3A = arith.constant -1.000000e+30 : f32
    %broadcast_in_dim3A_51 = vector.broadcast %jit3A : f32 to vector<512x1024xf32>
    %select_n3A = arith.select %le3A_28, %add3A_50, %broadcast_in_dim3A_51 : vector<512x1024xi1>, vector<512x1024xf32>
    %get3A_52 = arith.constant 0 : index
    %get3A_53 = arith.constant 0 : index
    %get3A_54 = vector.load %arg13[%get3A_52, %get3A_53] : memref<512x8xf32, #tpu.memory_space<vmem>>, vector<512x1xf32>
    %reduce_max3A = arith.constant dense<0xFF800000> : vector<512xf32>
    %reduce_max3A_55 = vector.multi_reduction <maximumf>, %select_n3A, %reduce_max3A [1] : vector<512x1024xf32> to vector<512xf32>
    %broadcast_in_dim3A_56 = vector.shape_cast %reduce_max3A_55 : vector<512xf32> to vector<512x1xf32>
    %max3A_57 = arith.maximumf %get3A_54, %broadcast_in_dim3A_56 : vector<512x1xf32>
    %sub3A = arith.subf %get3A_54, %max3A_57 : vector<512x1xf32>
    %exp3A = math.exp %sub3A : vector<512x1xf32>
    %sub3A_58 = vector.broadcast %max3A_57 : vector<512x1xf32> to vector<512x1024xf32>
    %sub3A_59 = arith.subf %select_n3A, %sub3A_58 : vector<512x1024xf32>
    %exp3A_60 = math.exp %sub3A_59 : vector<512x1024xf32>
    %swap3A = arith.constant 0 : index
    %swap3A_61 = arith.constant 0 : index
    %swap3A_62 = vector.load %arg13[%swap3A, %swap3A_61] : memref<512x8xf32, #tpu.memory_space<vmem>>, vector<512x1xf32>
    tpu.vector_store %arg13[%swap3A, %swap3A_61], %max3A_57 {strides = array<i32>} : memref<512x8xf32, #tpu.memory_space<vmem>>, vector<512x1xf32>,
    %get3A_63 = arith.constant 0 : index
    %get3A_64 = arith.constant 0 : index
    %get3A_65 = vector.load %arg14[%get3A_63, %get3A_64] : memref<512x8xf32, #tpu.memory_space<vmem>>, vector<512x1xf32>
    %mul3A_66 = arith.mulf %get3A_65, %exp3A : vector<512x1xf32>
    %reduce_sum3A_67 = arith.constant dense<0.000000e+00> : vector<512xf32>
    %reduce_sum3A_68 = vector.multi_reduction <add>, %exp3A_60, %reduce_sum3A_67 [1] : vector<512x1024xf32> to vector<512xf32>
    %broadcast_in_dim3A_69 = vector.shape_cast %reduce_sum3A_68 : vector<512xf32> to vector<512x1xf32>
    %add3A_70 = arith.addf %mul3A_66, %broadcast_in_dim3A_69 : vector<512x1xf32>
    %swap3A_71 = arith.constant 0 : index
    %swap3A_72 = arith.constant 0 : index
    %swap3A_73 = vector.load %arg14[%swap3A_71, %swap3A_72] : memref<512x8xf32, #tpu.memory_space<vmem>>, vector<512x1xf32>
    tpu.vector_store %arg14[%swap3A_71, %swap3A_72], %add3A_70 {strides = array<i32>} : memref<512x8xf32, #tpu.memory_space<vmem>>, vector<512x1xf32>,
    %get3A_74 = arith.constant 0 : index
    %get3A_75 = arith.constant 0 : index
    %get3A_76 = vector.load %arg15[%get3A_74, %get3A_75] : memref<512x8xf32, #tpu.memory_space<vmem>>, vector<512x1xf32>
    %mul3A_77 = arith.mulf %get3A_76, %exp3A : vector<512x1xf32>
    %mul3A_78 = arith.mulf %exp3A_60, %sqrt3A : vector<512x1024xf32>
    %reduce_sum3A_79 = arith.constant dense<0.000000e+00> : vector<512xf32>
    %reduce_sum3A_80 = vector.multi_reduction <add>, %mul3A_78, %reduce_sum3A_79 [1] : vector<512x1024xf32> to vector<512xf32>
    %broadcast_in_dim3A_81 = vector.shape_cast %reduce_sum3A_80 : vector<512xf32> to vector<512x1xf32>
    %add3A_82 = arith.addf %mul3A_77, %broadcast_in_dim3A_81 : vector<512x1xf32>
    %swap3A_83 = arith.constant 0 : index
    %swap3A_84 = arith.constant 0 : index
    %swap3A_85 = vector.load %arg15[%swap3A_83, %swap3A_84] : memref<512x8xf32, #tpu.memory_space<vmem>>, vector<512x1xf32>
    tpu.vector_store %arg15[%swap3A_83, %swap3A_84], %add3A_82 {strides = array<i32>} : memref<512x8xf32, #tpu.memory_space<vmem>>, vector<512x1xf32>,
    %get3A_86 = arith.constant 0 : index
    %get3A_87 = arith.constant 0 : index
    %get3A_88 = vector.load %arg16[%get3A_86, %get3A_87] : memref<512x768xf32, #tpu.memory_space<vmem>>, vector<512x96xf32>
    %mul3A_89 = vector.broadcast %exp3A : vector<512x1xf32> to vector<512x96xf32>
    %mul3A_90 = arith.mulf %get3A_88, %mul3A_89 : vector<512x96xf32>
    %convert_element_type3A_91 = arith.truncf %exp3A_60 : vector<512x1024xf32> to vector<512x1024xbf16>
    %slice3A_92 = vector.extract_strided_slice %get3A_15 {offsets = [0, 0], sizes = [1024, 96], strides = [1, 1]} : vector<1024x768xbf16> to vector<1024x96xbf16>
    %dot_general3A_93 = arith.constant dense<0.000000e+00> : vector<512x96xf32>
    %dot_general3A_94 = tpu.matmul %convert_element_type3A_91, %slice3A_92, %dot_general3A_93 {dimension_numbers = #tpu.dot_dimension_numbers<[1], [0], [0], [1], [0, 0, 1, 1], [], []>, transpose_lhs_hint = false} : vector<512x1024xbf16>, vector<1024x96xbf16>, vector<512x96xf32> -> vector<512x96xf32>
    %add3A_95 = arith.addf %mul3A_90, %dot_general3A_94 : vector<512x96xf32>
    %swap3A_96 = arith.constant 0 : index
    %swap3A_97 = arith.constant 0 : index
    %swap3A_98 = vector.load %arg16[%swap3A_96, %swap3A_97] : memref<512x768xf32, #tpu.memory_space<vmem>>, vector<512x96xf32>
    tpu.vector_store %arg16[%swap3A_96, %swap3A_97], %add3A_95 {strides = array<i32>} : memref<512x768xf32, #tpu.memory_space<vmem>>, vector<512x96xf32>,
    %slice3A_99 = vector.extract_strided_slice %get3A_5 {offsets = [0, 96], sizes = [512, 96], strides = [1, 1]} : vector<512x768xf32> to vector<512x96xf32>
    %slice3A_100 = vector.extract_strided_slice %get3A_31 {offsets = [0, 96], sizes = [1, 96], strides = [1, 1]} : vector<1x768xf32> to vector<1x96xf32>
    %mul3A_101 = vector.broadcast %slice3A_100 : vector<1x96xf32> to vector<512x96xf32>
    %mul3A_102 = arith.mulf %slice3A_99, %mul3A_101 : vector<512x96xf32>
    %reduce_sum3A_103 = arith.constant dense<0.000000e+00> : vector<512xf32>
    %reduce_sum3A_104 = vector.multi_reduction <add>, %mul3A_102, %reduce_sum3A_103 [1] : vector<512x96xf32> to vector<512xf32>
    %broadcast_in_dim3A_105 = vector.shape_cast %reduce_sum3A_104 : vector<512xf32> to vector<512x1xf32>
    %slice3A_106 = vector.extract_strided_slice %get3A_34 {offsets = [0, 96], sizes = [1, 96], strides = [1, 1]} : vector<1x768xf32> to vector<1x96xf32>
    %mul3A_107 = vector.broadcast %slice3A_106 : vector<1x96xf32> to vector<512x96xf32>
    %mul3A_108 = arith.mulf %slice3A_99, %mul3A_107 : vector<512x96xf32>
    %reduce_sum3A_109 = arith.constant dense<0.000000e+00> : vector<512xf32>
    %reduce_sum3A_110 = vector.multi_reduction <add>, %mul3A_108, %reduce_sum3A_109 [1] : vector<512x96xf32> to vector<512xf32>
    %broadcast_in_dim3A_111 = vector.shape_cast %reduce_sum3A_110 : vector<512xf32> to vector<512x1xf32>
    %convert_element_type3A_112 = arith.truncf %slice3A_99 : vector<512x96xf32> to vector<512x96xbf16>
    %slice3A_113 = vector.extract_strided_slice %get3A_10 {offsets = [0, 96], sizes = [1024, 96], strides = [1, 1]} : vector<1024x768xbf16> to vector<1024x96xbf16>
    %dot_general3A_114 = arith.constant dense<0.000000e+00> : vector<512x1024xf32>
    %dot_general3A_115 = tpu.matmul %convert_element_type3A_112, %slice3A_113, %dot_general3A_114 {dimension_numbers = #tpu.dot_dimension_numbers<[1], [1], [0], [0], [0, 0, 1, 0], [], []>, transpose_lhs_hint = false} : vector<512x96xbf16>, vector<1024x96xbf16>, vector<512x1024xf32> -> vector<512x1024xf32>
    %mul3A_116 = vector.broadcast %broadcast_in_dim3A_105 : vector<512x1xf32> to vector<512x1024xf32>
    %mul3A_117 = arith.mulf %sqrt3A, %mul3A_116 : vector<512x1024xf32>
    %add3A_118 = arith.addf %dot_general3A_115, %mul3A_117 : vector<512x1024xf32>
    %add3A_119 = vector.broadcast %broadcast_in_dim3A_111 : vector<512x1xf32> to vector<512x1024xf32>
    %add3A_120 = arith.addf %add3A_118, %add3A_119 : vector<512x1024xf32>
    %jit3A_121 = arith.constant -1.000000e+30 : f32
    %broadcast_in_dim3A_122 = vector.broadcast %jit3A_121 : f32 to vector<512x1024xf32>
    %select_n3A_123 = arith.select %le3A_28, %add3A_120, %broadcast_in_dim3A_122 : vector<512x1024xi1>, vector<512x1024xf32>
    %get3A_124 = arith.constant 0 : index
    %get3A_125 = arith.constant 1 : index
    %get3A_126 = vector.load %arg13[%get3A_124, %get3A_125] : memref<512x8xf32, #tpu.memory_space<vmem>>, vector<512x1xf32>
    %reduce_max3A_127 = arith.constant dense<0xFF800000> : vector<512xf32>
    %reduce_max3A_128 = vector.multi_reduction <maximumf>, %select_n3A_123, %reduce_max3A_127 [1] : vector<512x1024xf32> to vector<512xf32>
    %broadcast_in_dim3A_129 = vector.shape_cast %reduce_max3A_128 : vector<512xf32> to vector<512x1xf32>
    %max3A_130 = arith.maximumf %get3A_126, %broadcast_in_dim3A_129 : vector<512x1xf32>
    %sub3A_131 = arith.subf %get3A_126, %max3A_130 : vector<512x1xf32>
    %exp3A_132 = math.exp %sub3A_131 : vector<512x1xf32>
    %sub3A_133 = vector.broadcast %max3A_130 : vector<512x1xf32> to vector<512x1024xf32>
    %sub3A_134 = arith.subf %select_n3A_123, %sub3A_133 : vector<512x1024xf32>
    %exp3A_135 = math.exp %sub3A_134 : vector<512x1024xf32>
    %swap3A_136 = arith.constant 0 : index
    %swap3A_137 = arith.constant 1 : index
    %swap3A_138 = vector.load %arg13[%swap3A_136, %swap3A_137] : memref<512x8xf32, #tpu.memory_space<vmem>>, vector<512x1xf32>
    tpu.vector_store %arg13[%swap3A_136, %swap3A_137], %max3A_130 {strides = array<i32>} : memref<512x8xf32, #tpu.memory_space<vmem>>, vector<512x1xf32>,
    %get3A_139 = arith.constant 0 : index
    %get3A_140 = arith.constant 1 : index
    %get3A_141 = vector.load %arg14[%get3A_139, %get3A_140] : memref<512x8xf32, #tpu.memory_space<vmem>>, vector<512x1xf32>
    %mul3A_142 = arith.mulf %get3A_141, %exp3A_132 : vector<512x1xf32>
    %reduce_sum3A_143 = arith.constant dense<0.000000e+00> : vector<512xf32>
    %reduce_sum3A_144 = vector.multi_reduction <add>, %exp3A_135, %reduce_sum3A_143 [1] : vector<512x1024xf32> to vector<512xf32>
    %broadcast_in_dim3A_145 = vector.shape_cast %reduce_sum3A_144 : vector<512xf32> to vector<512x1xf32>
    %add3A_146 = arith.addf %mul3A_142, %broadcast_in_dim3A_145 : vector<512x1xf32>
    %swap3A_147 = arith.constant 0 : index
    %swap3A_148 = arith.constant 1 : index
    %swap3A_149 = vector.load %arg14[%swap3A_147, %swap3A_148] : memref<512x8xf32, #tpu.memory_space<vmem>>, vector<512x1xf32>
    tpu.vector_store %arg14[%swap3A_147, %swap3A_148], %add3A_146 {strides = array<i32>} : memref<512x8xf32, #tpu.memory_space<vmem>>, vector<512x1xf32>,
    %get3A_150 = arith.constant 0 : index
    %get3A_151 = arith.constant 1 : index
    %get3A_152 = vector.load %arg15[%get3A_150, %get3A_151] : memref<512x8xf32, #tpu.memory_space<vmem>>, vector<512x1xf32>
    %mul3A_153 = arith.mulf %get3A_152, %exp3A_132 : vector<512x1xf32>
    %mul3A_154 = arith.mulf %exp3A_135, %sqrt3A : vector<512x1024xf32>
    %reduce_sum3A_155 = arith.constant dense<0.000000e+00> : vector<512xf32>
    %reduce_sum3A_156 = vector.multi_reduction <add>, %mul3A_154, %reduce_sum3A_155 [1] : vector<512x1024xf32> to vector<512xf32>
    %broadcast_in_dim3A_157 = vector.shape_cast %reduce_sum3A_156 : vector<512xf32> to vector<512x1xf32>
    %add3A_158 = arith.addf %mul3A_153, %broadcast_in_dim3A_157 : vector<512x1xf32>
    %swap3A_159 = arith.constant 0 : index
    %swap3A_160 = arith.constant 1 : index
    %swap3A_161 = vector.load %arg15[%swap3A_159, %swap3A_160] : memref<512x8xf32, #tpu.memory_space<vmem>>, vector<512x1xf32>
    tpu.vector_store %arg15[%swap3A_159, %swap3A_160], %add3A_158 {strides = array<i32>} : memref<512x8xf32, #tpu.memory_space<vmem>>, vector<512x1xf32>,
    %get3A_162 = arith.constant 0 : index
    %get3A_163 = arith.constant 96 : index
    %get3A_164 = vector.load %arg16[%get3A_162, %get3A_163] : memref<512x768xf32, #tpu.memory_space<vmem>>, vector<512x96xf32>
    %mul3A_165 = vector.broadcast %exp3A_132 : vector<512x1xf32> to vector<512x96xf32>
    %mul3A_166 = arith.mulf %get3A_164, %mul3A_165 : vector<512x96xf32>
    %convert_element_type3A_167 = arith.truncf %exp3A_135 : vector<512x1024xf32> to vector<512x1024xbf16>
    %slice3A_168 = vector.extract_strided_slice %get3A_15 {offsets = [0, 96], sizes = [1024, 96], strides = [1, 1]} : vector<1024x768xbf16> to vector<1024x96xbf16>
    %dot_general3A_169 = arith.constant dense<0.000000e+00> : vector<512x96xf32>
    %dot_general3A_170 = tpu.matmul %convert_element_type3A_167, %slice3A_168, %dot_general3A_169 {dimension_numbers = #tpu.dot_dimension_numbers<[1], [0], [0], [1], [0, 0, 1, 1], [], []>, transpose_lhs_hint = false} : vector<512x1024xbf16>, vector<1024x96xbf16>, vector<512x96xf32> -> vector<512x96xf32>
    %add3A_171 = arith.addf %mul3A_166, %dot_general3A_170 : vector<512x96xf32>
    %swap3A_172 = arith.constant 0 : index
    %swap3A_173 = arith.constant 96 : index
    %swap3A_174 = vector.load %arg16[%swap3A_172, %swap3A_173] : memref<512x768xf32, #tpu.memory_space<vmem>>, vector<512x96xf32>
    tpu.vector_store %arg16[%swap3A_172, %swap3A_173], %add3A_171 {strides = array<i32>} : memref<512x768xf32, #tpu.memory_space<vmem>>, vector<512x96xf32>,
    %slice3A_175 = vector.extract_strided_slice %get3A_5 {offsets = [0, 192], sizes = [512, 96], strides = [1, 1]} : vector<512x768xf32> to vector<512x96xf32>
    %slice3A_176 = vector.extract_strided_slice %get3A_31 {offsets = [0, 192], sizes = [1, 96], strides = [1, 1]} : vector<1x768xf32> to vector<1x96xf32>
    %mul3A_177 = vector.broadcast %slice3A_176 : vector<1x96xf32> to vector<512x96xf32>
    %mul3A_178 = arith.mulf %slice3A_175, %mul3A_177 : vector<512x96xf32>
    %reduce_sum3A_179 = arith.constant dense<0.000000e+00> : vector<512xf32>
    %reduce_sum3A_180 = vector.multi_reduction <add>, %mul3A_178, %reduce_sum3A_179 [1] : vector<512x96xf32> to vector<512xf32>
    %broadcast_in_dim3A_181 = vector.shape_cast %reduce_sum3A_180 : vector<512xf32> to vector<512x1xf32>
    %slice3A_182 = vector.extract_strided_slice %get3A_34 {offsets = [0, 192], sizes = [1, 96], strides = [1, 1]} : vector<1x768xf32> to vector<1x96xf32>
    %mul3A_183 = vector.broadcast %slice3A_182 : vector<1x96xf32> to vector<512x96xf32>
    %mul3A_184 = arith.mulf %slice3A_175, %mul3A_183 : vector<512x96xf32>
    %reduce_sum3A_185 = arith.constant dense<0.000000e+00> : vector<512xf32>
    %reduce_sum3A_186 = vector.multi_reduction <add>, %mul3A_184, %reduce_sum3A_185 [1] : vector<512x96xf32> to vector<512xf32>
    %broadcast_in_dim3A_187 = vector.shape_cast %reduce_sum3A_186 : vector<512xf32> to vector<512x1xf32>
    %convert_element_type3A_188 = arith.truncf %slice3A_175 : vector<512x96xf32> to vector<512x96xbf16>
    %slice3A_189 = vector.extract_strided_slice %get3A_10 {offsets = [0, 192], sizes = [1024, 96], strides = [1, 1]} : vector<1024x768xbf16> to vector<1024x96xbf16>
    %dot_general3A_190 = arith.constant dense<0.000000e+00> : vector<512x1024xf32>
    %dot_general3A_191 = tpu.matmul %convert_element_type3A_188, %slice3A_189, %dot_general3A_190 {dimension_numbers = #tpu.dot_dimension_numbers<[1], [1], [0], [0], [0, 0, 1, 0], [], []>, transpose_lhs_hint = false} : vector<512x96xbf16>, vector<1024x96xbf16>, vector<512x1024xf32> -> vector<512x1024xf32>
    %mul3A_192 = vector.broadcast %broadcast_in_dim3A_181 : vector<512x1xf32> to vector<512x1024xf32>
    %mul3A_193 = arith.mulf %sqrt3A, %mul3A_192 : vector<512x1024xf32>
    %add3A_194 = arith.addf %dot_general3A_191, %mul3A_193 : vector<512x1024xf32>
    %add3A_195 = vector.broadcast %broadcast_in_dim3A_187 : vector<512x1xf32> to vector<512x1024xf32>
    %add3A_196 = arith.addf %add3A_194, %add3A_195 : vector<512x1024xf32>
    %jit3A_197 = arith.constant -1.000000e+30 : f32
    %broadcast_in_dim3A_198 = vector.broadcast %jit3A_197 : f32 to vector<512x1024xf32>
    %select_n3A_199 = arith.select %le3A_28, %add3A_196, %broadcast_in_dim3A_198 : vector<512x1024xi1>, vector<512x1024xf32>
    %get3A_200 = arith.constant 0 : index
    %get3A_201 = arith.constant 2 : index
    %get3A_202 = vector.load %arg13[%get3A_200, %get3A_201] : memref<512x8xf32, #tpu.memory_space<vmem>>, vector<512x1xf32>
    %reduce_max3A_203 = arith.constant dense<0xFF800000> : vector<512xf32>
    %reduce_max3A_204 = vector.multi_reduction <maximumf>, %select_n3A_199, %reduce_max3A_203 [1] : vector<512x1024xf32> to vector<512xf32>
    %broadcast_in_dim3A_205 = vector.shape_cast %reduce_max3A_204 : vector<512xf32> to vector<512x1xf32>
    %max3A_206 = arith.maximumf %get3A_202, %broadcast_in_dim3A_205 : vector<512x1xf32>
    %sub3A_207 = arith.subf %get3A_202, %max3A_206 : vector<512x1xf32>
    %exp3A_208 = math.exp %sub3A_207 : vector<512x1xf32>
    %sub3A_209 = vector.broadcast %max3A_206 : vector<512x1xf32> to vector<512x1024xf32>
    %sub3A_210 = arith.subf %select_n3A_199, %sub3A_209 : vector<512x1024xf32>
    %exp3A_211 = math.exp %sub3A_210 : vector<512x1024xf32>
    %swap3A_212 = arith.constant 0 : index
    %swap3A_213 = arith.constant 2 : index
    %swap3A_214 = vector.load %arg13[%swap3A_212, %swap3A_213] : memref<512x8xf32, #tpu.memory_space<vmem>>, vector<512x1xf32>
    tpu.vector_store %arg13[%swap3A_212, %swap3A_213], %max3A_206 {strides = array<i32>} : memref<512x8xf32, #tpu.memory_space<vmem>>, vector<512x1xf32>,
    %get3A_215 = arith.constant 0 : index
    %get3A_216 = arith.constant 2 : index
    %get3A_217 = vector.load %arg14[%get3A_215, %get3A_216] : memref<512x8xf32, #tpu.memory_space<vmem>>, vector<512x1xf32>
    %mul3A_218 = arith.mulf %get3A_217, %exp3A_208 : vector<512x1xf32>
    %reduce_sum3A_219 = arith.constant dense<0.000000e+00> : vector<512xf32>
    %reduce_sum3A_220 = vector.multi_reduction <add>, %exp3A_211, %reduce_sum3A_219 [1] : vector<512x1024xf32> to vector<512xf32>
    %broadcast_in_dim3A_221 = vector.shape_cast %reduce_sum3A_220 : vector<512xf32> to vector<512x1xf32>
    %add3A_222 = arith.addf %mul3A_218, %broadcast_in_dim3A_221 : vector<512x1xf32>
    %swap3A_223 = arith.constant 0 : index
    %swap3A_224 = arith.constant 2 : index
    %swap3A_225 = vector.load %arg14[%swap3A_223, %swap3A_224] : memref<512x8xf32, #tpu.memory_space<vmem>>, vector<512x1xf32>
    tpu.vector_store %arg14[%swap3A_223, %swap3A_224], %add3A_222 {strides = array<i32>} : memref<512x8xf32, #tpu.memory_space<vmem>>, vector<512x1xf32>,
    %get3A_226 = arith.constant 0 : index
    %get3A_227 = arith.constant 2 : index
    %get3A_228 = vector.load %arg15[%get3A_226, %get3A_227] : memref<512x8xf32, #tpu.memory_space<vmem>>, vector<512x1xf32>
    %mul3A_229 = arith.mulf %get3A_228, %exp3A_208 : vector<512x1xf32>
    %mul3A_230 = arith.mulf %exp3A_211, %sqrt3A : vector<512x1024xf32>
    %reduce_sum3A_231 = arith.constant dense<0.000000e+00> : vector<512xf32>
    %reduce_sum3A_232 = vector.multi_reduction <add>, %mul3A_230, %reduce_sum3A_231 [1] : vector<512x1024xf32> to vector<512xf32>
    %broadcast_in_dim3A_233 = vector.shape_cast %reduce_sum3A_232 : vector<512xf32> to vector<512x1xf32>
    %add3A_234 = arith.addf %mul3A_229, %broadcast_in_dim3A_233 : vector<512x1xf32>
    %swap3A_235 = arith.constant 0 : index
    %swap3A_236 = arith.constant 2 : index
    %swap3A_237 = vector.load %arg15[%swap3A_235, %swap3A_236] : memref<512x8xf32, #tpu.memory_space<vmem>>, vector<512x1xf32>
    tpu.vector_store %arg15[%swap3A_235, %swap3A_236], %add3A_234 {strides = array<i32>} : memref<512x8xf32, #tpu.memory_space<vmem>>, vector<512x1xf32>,
    %get3A_238 = arith.constant 0 : index
    %get3A_239 = arith.constant 192 : index
    %get3A_240 = vector.load %arg16[%get3A_238, %get3A_239] : memref<512x768xf32, #tpu.memory_space<vmem>>, vector<512x96xf32>
    %mul3A_241 = vector.broadcast %exp3A_208 : vector<512x1xf32> to vector<512x96xf32>
    %mul3A_242 = arith.mulf %get3A_240, %mul3A_241 : vector<512x96xf32>
    %convert_element_type3A_243 = arith.truncf %exp3A_211 : vector<512x1024xf32> to vector<512x1024xbf16>
    %slice3A_244 = vector.extract_strided_slice %get3A_15 {offsets = [0, 192], sizes = [1024, 96], strides = [1, 1]} : vector<1024x768xbf16> to vector<1024x96xbf16>
    %dot_general3A_245 = arith.constant dense<0.000000e+00> : vector<512x96xf32>
    %dot_general3A_246 = tpu.matmul %convert_element_type3A_243, %slice3A_244, %dot_general3A_245 {dimension_numbers = #tpu.dot_dimension_numbers<[1], [0], [0], [1], [0, 0, 1, 1], [], []>, transpose_lhs_hint = false} : vector<512x1024xbf16>, vector<1024x96xbf16>, vector<512x96xf32> -> vector<512x96xf32>
    %add3A_247 = arith.addf %mul3A_242, %dot_general3A_246 : vector<512x96xf32>
    %swap3A_248 = arith.constant 0 : index
    %swap3A_249 = arith.constant 192 : index
    %swap3A_250 = vector.load %arg16[%swap3A_248, %swap3A_249] : memref<512x768xf32, #tpu.memory_space<vmem>>, vector<512x96xf32>
    tpu.vector_store %arg16[%swap3A_248, %swap3A_249], %add3A_247 {strides = array<i32>} : memref<512x768xf32, #tpu.memory_space<vmem>>, vector<512x96xf32>,
    %slice3A_251 = vector.extract_strided_slice %get3A_5 {offsets = [0, 288], sizes = [512, 96], strides = [1, 1]} : vector<512x768xf32> to vector<512x96xf32>
    %slice3A_252 = vector.extract_strided_slice %get3A_31 {offsets = [0, 288], sizes = [1, 96], strides = [1, 1]} : vector<1x768xf32> to vector<1x96xf32>
    %mul3A_253 = vector.broadcast %slice3A_252 : vector<1x96xf32> to vector<512x96xf32>
    %mul3A_254 = arith.mulf %slice3A_251, %mul3A_253 : vector<512x96xf32>
    %reduce_sum3A_255 = arith.constant dense<0.000000e+00> : vector<512xf32>
    %reduce_sum3A_256 = vector.multi_reduction <add>, %mul3A_254, %reduce_sum3A_255 [1] : vector<512x96xf32> to vector<512xf32>
    %broadcast_in_dim3A_257 = vector.shape_cast %reduce_sum3A_256 : vector<512xf32> to vector<512x1xf32>
    %slice3A_258 = vector.extract_strided_slice %get3A_34 {offsets = [0, 288], sizes = [1, 96], strides = [1, 1]} : vector<1x768xf32> to vector<1x96xf32>
    %mul3A_259 = vector.broadcast %slice3A_258 : vector<1x96xf32> to vector<512x96xf32>
    %mul3A_260 = arith.mulf %slice3A_251, %mul3A_259 : vector<512x96xf32>
    %reduce_sum3A_261 = arith.constant dense<0.000000e+00> : vector<512xf32>
    %reduce_sum3A_262 = vector.multi_reduction <add>, %mul3A_260, %reduce_sum3A_261 [1] : vector<512x96xf32> to vector<512xf32>
    %broadcast_in_dim3A_263 = vector.shape_cast %reduce_sum3A_262 : vector<512xf32> to vector<512x1xf32>
    %convert_element_type3A_264 = arith.truncf %slice3A_251 : vector<512x96xf32> to vector<512x96xbf16>
    %slice3A_265 = vector.extract_strided_slice %get3A_10 {offsets = [0, 288], sizes = [1024, 96], strides = [1, 1]} : vector<1024x768xbf16> to vector<1024x96xbf16>
    %dot_general3A_266 = arith.constant dense<0.000000e+00> : vector<512x1024xf32>
    %dot_general3A_267 = tpu.matmul %convert_element_type3A_264, %slice3A_265, %dot_general3A_266 {dimension_numbers = #tpu.dot_dimension_numbers<[1], [1], [0], [0], [0, 0, 1, 0], [], []>, transpose_lhs_hint = false} : vector<512x96xbf16>, vector<1024x96xbf16>, vector<512x1024xf32> -> vector<512x1024xf32>
    %mul3A_268 = vector.broadcast %broadcast_in_dim3A_257 : vector<512x1xf32> to vector<512x1024xf32>
    %mul3A_269 = arith.mulf %sqrt3A, %mul3A_268 : vector<512x1024xf32>
    %add3A_270 = arith.addf %dot_general3A_267, %mul3A_269 : vector<512x1024xf32>
    %add3A_271 = vector.broadcast %broadcast_in_dim3A_263 : vector<512x1xf32> to vector<512x1024xf32>
    %add3A_272 = arith.addf %add3A_270, %add3A_271 : vector<512x1024xf32>
    %jit3A_273 = arith.constant -1.000000e+30 : f32
    %broadcast_in_dim3A_274 = vector.broadcast %jit3A_273 : f32 to vector<512x1024xf32>
    %select_n3A_275 = arith.select %le3A_28, %add3A_272, %broadcast_in_dim3A_274 : vector<512x1024xi1>, vector<512x1024xf32>
    %get3A_276 = arith.constant 0 : index
    %get3A_277 = arith.constant 3 : index
    %get3A_278 = vector.load %arg13[%get3A_276, %get3A_277] : memref<512x8xf32, #tpu.memory_space<vmem>>, vector<512x1xf32>
    %reduce_max3A_279 = arith.constant dense<0xFF800000> : vector<512xf32>
    %reduce_max3A_280 = vector.multi_reduction <maximumf>, %select_n3A_275, %reduce_max3A_279 [1] : vector<512x1024xf32> to vector<512xf32>
    %broadcast_in_dim3A_281 = vector.shape_cast %reduce_max3A_280 : vector<512xf32> to vector<512x1xf32>
    %max3A_282 = arith.maximumf %get3A_278, %broadcast_in_dim3A_281 : vector<512x1xf32>
    %sub3A_283 = arith.subf %get3A_278, %max3A_282 : vector<512x1xf32>
    %exp3A_284 = math.exp %sub3A_283 : vector<512x1xf32>
    %sub3A_285 = vector.broadcast %max3A_282 : vector<512x1xf32> to vector<512x1024xf32>
    %sub3A_286 = arith.subf %select_n3A_275, %sub3A_285 : vector<512x1024xf32>
    %exp3A_287 = math.exp %sub3A_286 : vector<512x1024xf32>
    %swap3A_288 = arith.constant 0 : index
    %swap3A_289 = arith.constant 3 : index
    %swap3A_290 = vector.load %arg13[%swap3A_288, %swap3A_289] : memref<512x8xf32, #tpu.memory_space<vmem>>, vector<512x1xf32>
    tpu.vector_store %arg13[%swap3A_288, %swap3A_289], %max3A_282 {strides = array<i32>} : memref<512x8xf32, #tpu.memory_space<vmem>>, vector<512x1xf32>,
    %get3A_291 = arith.constant 0 : index
    %get3A_292 = arith.constant 3 : index
    %get3A_293 = vector.load %arg14[%get3A_291, %get3A_292] : memref<512x8xf32, #tpu.memory_space<vmem>>, vector<512x1xf32>
    %mul3A_294 = arith.mulf %get3A_293, %exp3A_284 : vector<512x1xf32>
    %reduce_sum3A_295 = arith.constant dense<0.000000e+00> : vector<512xf32>
    %reduce_sum3A_296 = vector.multi_reduction <add>, %exp3A_287, %reduce_sum3A_295 [1] : vector<512x1024xf32> to vector<512xf32>
    %broadcast_in_dim3A_297 = vector.shape_cast %reduce_sum3A_296 : vector<512xf32> to vector<512x1xf32>
    %add3A_298 = arith.addf %mul3A_294, %broadcast_in_dim3A_297 : vector<512x1xf32>
    %swap3A_299 = arith.constant 0 : index
    %swap3A_300 = arith.constant 3 : index
    %swap3A_301 = vector.load %arg14[%swap3A_299, %swap3A_300] : memref<512x8xf32, #tpu.memory_space<vmem>>, vector<512x1xf32>
    tpu.vector_store %arg14[%swap3A_299, %swap3A_300], %add3A_298 {strides = array<i32>} : memref<512x8xf32, #tpu.memory_space<vmem>>, vector<512x1xf32>,
    %get3A_302 = arith.constant 0 : index
    %get3A_303 = arith.constant 3 : index
    %get3A_304 = vector.load %arg15[%get3A_302, %get3A_303] : memref<512x8xf32, #tpu.memory_space<vmem>>, vector<512x1xf32>
    %mul3A_305 = arith.mulf %get3A_304, %exp3A_284 : vector<512x1xf32>
    %mul3A_306 = arith.mulf %exp3A_287, %sqrt3A : vector<512x1024xf32>
    %reduce_sum3A_307 = arith.constant dense<0.000000e+00> : vector<512xf32>
    %reduce_sum3A_308 = vector.multi_reduction <add>, %mul3A_306, %reduce_sum3A_307 [1] : vector<512x1024xf32> to vector<512xf32>
    %broadcast_in_dim3A_309 = vector.shape_cast %reduce_sum3A_308 : vector<512xf32> to vector<512x1xf32>
    %add3A_310 = arith.addf %mul3A_305, %broadcast_in_dim3A_309 : vector<512x1xf32>
    %swap3A_311 = arith.constant 0 : index
    %swap3A_312 = arith.constant 3 : index
    %swap3A_313 = vector.load %arg15[%swap3A_311, %swap3A_312] : memref<512x8xf32, #tpu.memory_space<vmem>>, vector<512x1xf32>
    tpu.vector_store %arg15[%swap3A_311, %swap3A_312], %add3A_310 {strides = array<i32>} : memref<512x8xf32, #tpu.memory_space<vmem>>, vector<512x1xf32>,
    %get3A_314 = arith.constant 0 : index
    %get3A_315 = arith.constant 288 : index
    %get3A_316 = vector.load %arg16[%get3A_314, %get3A_315] : memref<512x768xf32, #tpu.memory_space<vmem>>, vector<512x96xf32>
    %mul3A_317 = vector.broadcast %exp3A_284 : vector<512x1xf32> to vector<512x96xf32>
    %mul3A_318 = arith.mulf %get3A_316, %mul3A_317 : vector<512x96xf32>
    %convert_element_type3A_319 = arith.truncf %exp3A_287 : vector<512x1024xf32> to vector<512x1024xbf16>
    %slice3A_320 = vector.extract_strided_slice %get3A_15 {offsets = [0, 288], sizes = [1024, 96], strides = [1, 1]} : vector<1024x768xbf16> to vector<1024x96xbf16>
    %dot_general3A_321 = arith.constant dense<0.000000e+00> : vector<512x96xf32>
    %dot_general3A_322 = tpu.matmul %convert_element_type3A_319, %slice3A_320, %dot_general3A_321 {dimension_numbers = #tpu.dot_dimension_numbers<[1], [0], [0], [1], [0, 0, 1, 1], [], []>, transpose_lhs_hint = false} : vector<512x1024xbf16>, vector<1024x96xbf16>, vector<512x96xf32> -> vector<512x96xf32>
    %add3A_323 = arith.addf %mul3A_318, %dot_general3A_322 : vector<512x96xf32>
    %swap3A_324 = arith.constant 0 : index
    %swap3A_325 = arith.constant 288 : index
    %swap3A_326 = vector.load %arg16[%swap3A_324, %swap3A_325] : memref<512x768xf32, #tpu.memory_space<vmem>>, vector<512x96xf32>
    tpu.vector_store %arg16[%swap3A_324, %swap3A_325], %add3A_323 {strides = array<i32>} : memref<512x768xf32, #tpu.memory_space<vmem>>, vector<512x96xf32>,
    %slice3A_327 = vector.extract_strided_slice %get3A_5 {offsets = [0, 384], sizes = [512, 96], strides = [1, 1]} : vector<512x768xf32> to vector<512x96xf32>
    %slice3A_328 = vector.extract_strided_slice %get3A_31 {offsets = [0, 384], sizes = [1, 96], strides = [1, 1]} : vector<1x768xf32> to vector<1x96xf32>
    %mul3A_329 = vector.broadcast %slice3A_328 : vector<1x96xf32> to vector<512x96xf32>
    %mul3A_330 = arith.mulf %slice3A_327, %mul3A_329 : vector<512x96xf32>
    %reduce_sum3A_331 = arith.constant dense<0.000000e+00> : vector<512xf32>
    %reduce_sum3A_332 = vector.multi_reduction <add>, %mul3A_330, %reduce_sum3A_331 [1] : vector<512x96xf32> to vector<512xf32>
    %broadcast_in_dim3A_333 = vector.shape_cast %reduce_sum3A_332 : vector<512xf32> to vector<512x1xf32>
    %slice3A_334 = vector.extract_strided_slice %get3A_34 {offsets = [0, 384], sizes = [1, 96], strides = [1, 1]} : vector<1x768xf32> to vector<1x96xf32>
    %mul3A_335 = vector.broadcast %slice3A_334 : vector<1x96xf32> to vector<512x96xf32>
    %mul3A_336 = arith.mulf %slice3A_327, %mul3A_335 : vector<512x96xf32>
    %reduce_sum3A_337 = arith.constant dense<0.000000e+00> : vector<512xf32>
    %reduce_sum3A_338 = vector.multi_reduction <add>, %mul3A_336, %reduce_sum3A_337 [1] : vector<512x96xf32> to vector<512xf32>
    %broadcast_in_dim3A_339 = vector.shape_cast %reduce_sum3A_338 : vector<512xf32> to vector<512x1xf32>
    %convert_element_type3A_340 = arith.truncf %slice3A_327 : vector<512x96xf32> to vector<512x96xbf16>
    %slice3A_341 = vector.extract_strided_slice %get3A_10 {offsets = [0, 384], sizes = [1024, 96], strides = [1, 1]} : vector<1024x768xbf16> to vector<1024x96xbf16>
    %dot_general3A_342 = arith.constant dense<0.000000e+00> : vector<512x1024xf32>
    %dot_general3A_343 = tpu.matmul %convert_element_type3A_340, %slice3A_341, %dot_general3A_342 {dimension_numbers = #tpu.dot_dimension_numbers<[1], [1], [0], [0], [0, 0, 1, 0], [], []>, transpose_lhs_hint = false} : vector<512x96xbf16>, vector<1024x96xbf16>, vector<512x1024xf32> -> vector<512x1024xf32>
    %mul3A_344 = vector.broadcast %broadcast_in_dim3A_333 : vector<512x1xf32> to vector<512x1024xf32>
    %mul3A_345 = arith.mulf %sqrt3A, %mul3A_344 : vector<512x1024xf32>
    %add3A_346 = arith.addf %dot_general3A_343, %mul3A_345 : vector<512x1024xf32>
    %add3A_347 = vector.broadcast %broadcast_in_dim3A_339 : vector<512x1xf32> to vector<512x1024xf32>
    %add3A_348 = arith.addf %add3A_346, %add3A_347 : vector<512x1024xf32>
    %jit3A_349 = arith.constant -1.000000e+30 : f32
    %broadcast_in_dim3A_350 = vector.broadcast %jit3A_349 : f32 to vector<512x1024xf32>
    %select_n3A_351 = arith.select %le3A_28, %add3A_348, %broadcast_in_dim3A_350 : vector<512x1024xi1>, vector<512x1024xf32>
    %get3A_352 = arith.constant 0 : index
    %get3A_353 = arith.constant 4 : index
    %get3A_354 = vector.load %arg13[%get3A_352, %get3A_353] : memref<512x8xf32, #tpu.memory_space<vmem>>, vector<512x1xf32>
    %reduce_max3A_355 = arith.constant dense<0xFF800000> : vector<512xf32>
    %reduce_max3A_356 = vector.multi_reduction <maximumf>, %select_n3A_351, %reduce_max3A_355 [1] : vector<512x1024xf32> to vector<512xf32>
    %broadcast_in_dim3A_357 = vector.shape_cast %reduce_max3A_356 : vector<512xf32> to vector<512x1xf32>
    %max3A_358 = arith.maximumf %get3A_354, %broadcast_in_dim3A_357 : vector<512x1xf32>
    %sub3A_359 = arith.subf %get3A_354, %max3A_358 : vector<512x1xf32>
    %exp3A_360 = math.exp %sub3A_359 : vector<512x1xf32>
    %sub3A_361 = vector.broadcast %max3A_358 : vector<512x1xf32> to vector<512x1024xf32>
    %sub3A_362 = arith.subf %select_n3A_351, %sub3A_361 : vector<512x1024xf32>
    %exp3A_363 = math.exp %sub3A_362 : vector<512x1024xf32>
    %swap3A_364 = arith.constant 0 : index
    %swap3A_365 = arith.constant 4 : index
    %swap3A_366 = vector.load %arg13[%swap3A_364, %swap3A_365] : memref<512x8xf32, #tpu.memory_space<vmem>>, vector<512x1xf32>
    tpu.vector_store %arg13[%swap3A_364, %swap3A_365], %max3A_358 {strides = array<i32>} : memref<512x8xf32, #tpu.memory_space<vmem>>, vector<512x1xf32>,
    %get3A_367 = arith.constant 0 : index
    %get3A_368 = arith.constant 4 : index
    %get3A_369 = vector.load %arg14[%get3A_367, %get3A_368] : memref<512x8xf32, #tpu.memory_space<vmem>>, vector<512x1xf32>
    %mul3A_370 = arith.mulf %get3A_369, %exp3A_360 : vector<512x1xf32>
    %reduce_sum3A_371 = arith.constant dense<0.000000e+00> : vector<512xf32>
    %reduce_sum3A_372 = vector.multi_reduction <add>, %exp3A_363, %reduce_sum3A_371 [1] : vector<512x1024xf32> to vector<512xf32>
    %broadcast_in_dim3A_373 = vector.shape_cast %reduce_sum3A_372 : vector<512xf32> to vector<512x1xf32>
    %add3A_374 = arith.addf %mul3A_370, %broadcast_in_dim3A_373 : vector<512x1xf32>
    %swap3A_375 = arith.constant 0 : index
    %swap3A_376 = arith.constant 4 : index
    %swap3A_377 = vector.load %arg14[%swap3A_375, %swap3A_376] : memref<512x8xf32, #tpu.memory_space<vmem>>, vector<512x1xf32>
    tpu.vector_store %arg14[%swap3A_375, %swap3A_376], %add3A_374 {strides = array<i32>} : memref<512x8xf32, #tpu.memory_space<vmem>>, vector<512x1xf32>,
    %get3A_378 = arith.constant 0 : index
    %get3A_379 = arith.constant 4 : index
    %get3A_380 = vector.load %arg15[%get3A_378, %get3A_379] : memref<512x8xf32, #tpu.memory_space<vmem>>, vector<512x1xf32>
    %mul3A_381 = arith.mulf %get3A_380, %exp3A_360 : vector<512x1xf32>
    %mul3A_382 = arith.mulf %exp3A_363, %sqrt3A : vector<512x1024xf32>
    %reduce_sum3A_383 = arith.constant dense<0.000000e+00> : vector<512xf32>
    %reduce_sum3A_384 = vector.multi_reduction <add>, %mul3A_382, %reduce_sum3A_383 [1] : vector<512x1024xf32> to vector<512xf32>
    %broadcast_in_dim3A_385 = vector.shape_cast %reduce_sum3A_384 : vector<512xf32> to vector<512x1xf32>
    %add3A_386 = arith.addf %mul3A_381, %broadcast_in_dim3A_385 : vector<512x1xf32>
    %swap3A_387 = arith.constant 0 : index
    %swap3A_388 = arith.constant 4 : index
    %swap3A_389 = vector.load %arg15[%swap3A_387, %swap3A_388] : memref<512x8xf32, #tpu.memory_space<vmem>>, vector<512x1xf32>
    tpu.vector_store %arg15[%swap3A_387, %swap3A_388], %add3A_386 {strides = array<i32>} : memref<512x8xf32, #tpu.memory_space<vmem>>, vector<512x1xf32>,
    %get3A_390 = arith.constant 0 : index
    %get3A_391 = arith.constant 384 : index
    %get3A_392 = vector.load %arg16[%get3A_390, %get3A_391] : memref<512x768xf32, #tpu.memory_space<vmem>>, vector<512x96xf32>
    %mul3A_393 = vector.broadcast %exp3A_360 : vector<512x1xf32> to vector<512x96xf32>
    %mul3A_394 = arith.mulf %get3A_392, %mul3A_393 : vector<512x96xf32>
    %convert_element_type3A_395 = arith.truncf %exp3A_363 : vector<512x1024xf32> to vector<512x1024xbf16>
    %slice3A_396 = vector.extract_strided_slice %get3A_15 {offsets = [0, 384], sizes = [1024, 96], strides = [1, 1]} : vector<1024x768xbf16> to vector<1024x96xbf16>
    %dot_general3A_397 = arith.constant dense<0.000000e+00> : vector<512x96xf32>
    %dot_general3A_398 = tpu.matmul %convert_element_type3A_395, %slice3A_396, %dot_general3A_397 {dimension_numbers = #tpu.dot_dimension_numbers<[1], [0], [0], [1], [0, 0, 1, 1], [], []>, transpose_lhs_hint = false} : vector<512x1024xbf16>, vector<1024x96xbf16>, vector<512x96xf32> -> vector<512x96xf32>
    %add3A_399 = arith.addf %mul3A_394, %dot_general3A_398 : vector<512x96xf32>
    %swap3A_400 = arith.constant 0 : index
    %swap3A_401 = arith.constant 384 : index
    %swap3A_402 = vector.load %arg16[%swap3A_400, %swap3A_401] : memref<512x768xf32, #tpu.memory_space<vmem>>, vector<512x96xf32>
    tpu.vector_store %arg16[%swap3A_400, %swap3A_401], %add3A_399 {strides = array<i32>} : memref<512x768xf32, #tpu.memory_space<vmem>>, vector<512x96xf32>,
    %slice3A_403 = vector.extract_strided_slice %get3A_5 {offsets = [0, 480], sizes = [512, 96], strides = [1, 1]} : vector<512x768xf32> to vector<512x96xf32>
    %slice3A_404 = vector.extract_strided_slice %get3A_31 {offsets = [0, 480], sizes = [1, 96], strides = [1, 1]} : vector<1x768xf32> to vector<1x96xf32>
    %mul3A_405 = vector.broadcast %slice3A_404 : vector<1x96xf32> to vector<512x96xf32>
    %mul3A_406 = arith.mulf %slice3A_403, %mul3A_405 : vector<512x96xf32>
    %reduce_sum3A_407 = arith.constant dense<0.000000e+00> : vector<512xf32>
    %reduce_sum3A_408 = vector.multi_reduction <add>, %mul3A_406, %reduce_sum3A_407 [1] : vector<512x96xf32> to vector<512xf32>
    %broadcast_in_dim3A_409 = vector.shape_cast %reduce_sum3A_408 : vector<512xf32> to vector<512x1xf32>
    %slice3A_410 = vector.extract_strided_slice %get3A_34 {offsets = [0, 480], sizes = [1, 96], strides = [1, 1]} : vector<1x768xf32> to vector<1x96xf32>
    %mul3A_411 = vector.broadcast %slice3A_410 : vector<1x96xf32> to vector<512x96xf32>
    %mul3A_412 = arith.mulf %slice3A_403, %mul3A_411 : vector<512x96xf32>
    %reduce_sum3A_413 = arith.constant dense<0.000000e+00> : vector<512xf32>
    %reduce_sum3A_414 = vector.multi_reduction <add>, %mul3A_412, %reduce_sum3A_413 [1] : vector<512x96xf32> to vector<512xf32>
    %broadcast_in_dim3A_415 = vector.shape_cast %reduce_sum3A_414 : vector<512xf32> to vector<512x1xf32>
    %convert_element_type3A_416 = arith.truncf %slice3A_403 : vector<512x96xf32> to vector<512x96xbf16>
    %slice3A_417 = vector.extract_strided_slice %get3A_10 {offsets = [0, 480], sizes = [1024, 96], strides = [1, 1]} : vector<1024x768xbf16> to vector<1024x96xbf16>
    %dot_general3A_418 = arith.constant dense<0.000000e+00> : vector<512x1024xf32>
    %dot_general3A_419 = tpu.matmul %convert_element_type3A_416, %slice3A_417, %dot_general3A_418 {dimension_numbers = #tpu.dot_dimension_numbers<[1], [1], [0], [0], [0, 0, 1, 0], [], []>, transpose_lhs_hint = false} : vector<512x96xbf16>, vector<1024x96xbf16>, vector<512x1024xf32> -> vector<512x1024xf32>
    %mul3A_420 = vector.broadcast %broadcast_in_dim3A_409 : vector<512x1xf32> to vector<512x1024xf32>
    %mul3A_421 = arith.mulf %sqrt3A, %mul3A_420 : vector<512x1024xf32>
    %add3A_422 = arith.addf %dot_general3A_419, %mul3A_421 : vector<512x1024xf32>
    %add3A_423 = vector.broadcast %broadcast_in_dim3A_415 : vector<512x1xf32> to vector<512x1024xf32>
    %add3A_424 = arith.addf %add3A_422, %add3A_423 : vector<512x1024xf32>
    %jit3A_425 = arith.constant -1.000000e+30 : f32
    %broadcast_in_dim3A_426 = vector.broadcast %jit3A_425 : f32 to vector<512x1024xf32>
    %select_n3A_427 = arith.select %le3A_28, %add3A_424, %broadcast_in_dim3A_426 : vector<512x1024xi1>, vector<512x1024xf32>
    %get3A_428 = arith.constant 0 : index
    %get3A_429 = arith.constant 5 : index
    %get3A_430 = vector.load %arg13[%get3A_428, %get3A_429] : memref<512x8xf32, #tpu.memory_space<vmem>>, vector<512x1xf32>
    %reduce_max3A_431 = arith.constant dense<0xFF800000> : vector<512xf32>
    %reduce_max3A_432 = vector.multi_reduction <maximumf>, %select_n3A_427, %reduce_max3A_431 [1] : vector<512x1024xf32> to vector<512xf32>
    %broadcast_in_dim3A_433 = vector.shape_cast %reduce_max3A_432 : vector<512xf32> to vector<512x1xf32>
    %max3A_434 = arith.maximumf %get3A_430, %broadcast_in_dim3A_433 : vector<512x1xf32>
    %sub3A_435 = arith.subf %get3A_430, %max3A_434 : vector<512x1xf32>
    %exp3A_436 = math.exp %sub3A_435 : vector<512x1xf32>
    %sub3A_437 = vector.broadcast %max3A_434 : vector<512x1xf32> to vector<512x1024xf32>
    %sub3A_438 = arith.subf %select_n3A_427, %sub3A_437 : vector<512x1024xf32>
    %exp3A_439 = math.exp %sub3A_438 : vector<512x1024xf32>
    %swap3A_440 = arith.constant 0 : index
    %swap3A_441 = arith.constant 5 : index
    %swap3A_442 = vector.load %arg13[%swap3A_440, %swap3A_441] : memref<512x8xf32, #tpu.memory_space<vmem>>, vector<512x1xf32>
    tpu.vector_store %arg13[%swap3A_440, %swap3A_441], %max3A_434 {strides = array<i32>} : memref<512x8xf32, #tpu.memory_space<vmem>>, vector<512x1xf32>,
    %get3A_443 = arith.constant 0 : index
    %get3A_444 = arith.constant 5 : index
    %get3A_445 = vector.load %arg14[%get3A_443, %get3A_444] : memref<512x8xf32, #tpu.memory_space<vmem>>, vector<512x1xf32>
    %mul3A_446 = arith.mulf %get3A_445, %exp3A_436 : vector<512x1xf32>
    %reduce_sum3A_447 = arith.constant dense<0.000000e+00> : vector<512xf32>
    %reduce_sum3A_448 = vector.multi_reduction <add>, %exp3A_439, %reduce_sum3A_447 [1] : vector<512x1024xf32> to vector<512xf32>
    %broadcast_in_dim3A_449 = vector.shape_cast %reduce_sum3A_448 : vector<512xf32> to vector<512x1xf32>
    %add3A_450 = arith.addf %mul3A_446, %broadcast_in_dim3A_449 : vector<512x1xf32>
    %swap3A_451 = arith.constant 0 : index
    %swap3A_452 = arith.constant 5 : index
    %swap3A_453 = vector.load %arg14[%swap3A_451, %swap3A_452] : memref<512x8xf32, #tpu.memory_space<vmem>>, vector<512x1xf32>
    tpu.vector_store %arg14[%swap3A_451, %swap3A_452], %add3A_450 {strides = array<i32>} : memref<512x8xf32, #tpu.memory_space<vmem>>, vector<512x1xf32>,
    %get3A_454 = arith.constant 0 : index
    %get3A_455 = arith.constant 5 : index
    %get3A_456 = vector.load %arg15[%get3A_454, %get3A_455] : memref<512x8xf32, #tpu.memory_space<vmem>>, vector<512x1xf32>
    %mul3A_457 = arith.mulf %get3A_456, %exp3A_436 : vector<512x1xf32>
    %mul3A_458 = arith.mulf %exp3A_439, %sqrt3A : vector<512x1024xf32>
    %reduce_sum3A_459 = arith.constant dense<0.000000e+00> : vector<512xf32>
    %reduce_sum3A_460 = vector.multi_reduction <add>, %mul3A_458, %reduce_sum3A_459 [1] : vector<512x1024xf32> to vector<512xf32>
    %broadcast_in_dim3A_461 = vector.shape_cast %reduce_sum3A_460 : vector<512xf32> to vector<512x1xf32>
    %add3A_462 = arith.addf %mul3A_457, %broadcast_in_dim3A_461 : vector<512x1xf32>
    %swap3A_463 = arith.constant 0 : index
    %swap3A_464 = arith.constant 5 : index
    %swap3A_465 = vector.load %arg15[%swap3A_463, %swap3A_464] : memref<512x8xf32, #tpu.memory_space<vmem>>, vector<512x1xf32>
    tpu.vector_store %arg15[%swap3A_463, %swap3A_464], %add3A_462 {strides = array<i32>} : memref<512x8xf32, #tpu.memory_space<vmem>>, vector<512x1xf32>,
    %get3A_466 = arith.constant 0 : index
    %get3A_467 = arith.constant 480 : index
    %get3A_468 = vector.load %arg16[%get3A_466, %get3A_467] : memref<512x768xf32, #tpu.memory_space<vmem>>, vector<512x96xf32>
    %mul3A_469 = vector.broadcast %exp3A_436 : vector<512x1xf32> to vector<512x96xf32>
    %mul3A_470 = arith.mulf %get3A_468, %mul3A_469 : vector<512x96xf32>
    %convert_element_type3A_471 = arith.truncf %exp3A_439 : vector<512x1024xf32> to vector<512x1024xbf16>
    %slice3A_472 = vector.extract_strided_slice %get3A_15 {offsets = [0, 480], sizes = [1024, 96], strides = [1, 1]} : vector<1024x768xbf16> to vector<1024x96xbf16>
    %dot_general3A_473 = arith.constant dense<0.000000e+00> : vector<512x96xf32>
    %dot_general3A_474 = tpu.matmul %convert_element_type3A_471, %slice3A_472, %dot_general3A_473 {dimension_numbers = #tpu.dot_dimension_numbers<[1], [0], [0], [1], [0, 0, 1, 1], [], []>, transpose_lhs_hint = false} : vector<512x1024xbf16>, vector<1024x96xbf16>, vector<512x96xf32> -> vector<512x96xf32>
    %add3A_475 = arith.addf %mul3A_470, %dot_general3A_474 : vector<512x96xf32>
    %swap3A_476 = arith.constant 0 : index
    %swap3A_477 = arith.constant 480 : index
    %swap3A_478 = vector.load %arg16[%swap3A_476, %swap3A_477] : memref<512x768xf32, #tpu.memory_space<vmem>>, vector<512x96xf32>
    tpu.vector_store %arg16[%swap3A_476, %swap3A_477], %add3A_475 {strides = array<i32>} : memref<512x768xf32, #tpu.memory_space<vmem>>, vector<512x96xf32>,
    %slice3A_479 = vector.extract_strided_slice %get3A_5 {offsets = [0, 576], sizes = [512, 96], strides = [1, 1]} : vector<512x768xf32> to vector<512x96xf32>
    %slice3A_480 = vector.extract_strided_slice %get3A_31 {offsets = [0, 576], sizes = [1, 96], strides = [1, 1]} : vector<1x768xf32> to vector<1x96xf32>
    %mul3A_481 = vector.broadcast %slice3A_480 : vector<1x96xf32> to vector<512x96xf32>
    %mul3A_482 = arith.mulf %slice3A_479, %mul3A_481 : vector<512x96xf32>
    %reduce_sum3A_483 = arith.constant dense<0.000000e+00> : vector<512xf32>
    %reduce_sum3A_484 = vector.multi_reduction <add>, %mul3A_482, %reduce_sum3A_483 [1] : vector<512x96xf32> to vector<512xf32>
    %broadcast_in_dim3A_485 = vector.shape_cast %reduce_sum3A_484 : vector<512xf32> to vector<512x1xf32>
    %slice3A_486 = vector.extract_strided_slice %get3A_34 {offsets = [0, 576], sizes = [1, 96], strides = [1, 1]} : vector<1x768xf32> to vector<1x96xf32>
    %mul3A_487 = vector.broadcast %slice3A_486 : vector<1x96xf32> to vector<512x96xf32>
    %mul3A_488 = arith.mulf %slice3A_479, %mul3A_487 : vector<512x96xf32>
    %reduce_sum3A_489 = arith.constant dense<0.000000e+00> : vector<512xf32>
    %reduce_sum3A_490 = vector.multi_reduction <add>, %mul3A_488, %reduce_sum3A_489 [1] : vector<512x96xf32> to vector<512xf32>
    %broadcast_in_dim3A_491 = vector.shape_cast %reduce_sum3A_490 : vector<512xf32> to vector<512x1xf32>
    %convert_element_type3A_492 = arith.truncf %slice3A_479 : vector<512x96xf32> to vector<512x96xbf16>
    %slice3A_493 = vector.extract_strided_slice %get3A_10 {offsets = [0, 576], sizes = [1024, 96], strides = [1, 1]} : vector<1024x768xbf16> to vector<1024x96xbf16>
    %dot_general3A_494 = arith.constant dense<0.000000e+00> : vector<512x1024xf32>
    %dot_general3A_495 = tpu.matmul %convert_element_type3A_492, %slice3A_493, %dot_general3A_494 {dimension_numbers = #tpu.dot_dimension_numbers<[1], [1], [0], [0], [0, 0, 1, 0], [], []>, transpose_lhs_hint = false} : vector<512x96xbf16>, vector<1024x96xbf16>, vector<512x1024xf32> -> vector<512x1024xf32>
    %mul3A_496 = vector.broadcast %broadcast_in_dim3A_485 : vector<512x1xf32> to vector<512x1024xf32>
    %mul3A_497 = arith.mulf %sqrt3A, %mul3A_496 : vector<512x1024xf32>
    %add3A_498 = arith.addf %dot_general3A_495, %mul3A_497 : vector<512x1024xf32>
    %add3A_499 = vector.broadcast %broadcast_in_dim3A_491 : vector<512x1xf32> to vector<512x1024xf32>
    %add3A_500 = arith.addf %add3A_498, %add3A_499 : vector<512x1024xf32>
    %jit3A_501 = arith.constant -1.000000e+30 : f32
    %broadcast_in_dim3A_502 = vector.broadcast %jit3A_501 : f32 to vector<512x1024xf32>
    %select_n3A_503 = arith.select %le3A_28, %add3A_500, %broadcast_in_dim3A_502 : vector<512x1024xi1>, vector<512x1024xf32>
    %get3A_504 = arith.constant 0 : index
    %get3A_505 = arith.constant 6 : index
    %get3A_506 = vector.load %arg13[%get3A_504, %get3A_505] : memref<512x8xf32, #tpu.memory_space<vmem>>, vector<512x1xf32>
    %reduce_max3A_507 = arith.constant dense<0xFF800000> : vector<512xf32>
    %reduce_max3A_508 = vector.multi_reduction <maximumf>, %select_n3A_503, %reduce_max3A_507 [1] : vector<512x1024xf32> to vector<512xf32>
    %broadcast_in_dim3A_509 = vector.shape_cast %reduce_max3A_508 : vector<512xf32> to vector<512x1xf32>
    %max3A_510 = arith.maximumf %get3A_506, %broadcast_in_dim3A_509 : vector<512x1xf32>
    %sub3A_511 = arith.subf %get3A_506, %max3A_510 : vector<512x1xf32>
    %exp3A_512 = math.exp %sub3A_511 : vector<512x1xf32>
    %sub3A_513 = vector.broadcast %max3A_510 : vector<512x1xf32> to vector<512x1024xf32>
    %sub3A_514 = arith.subf %select_n3A_503, %sub3A_513 : vector<512x1024xf32>
    %exp3A_515 = math.exp %sub3A_514 : vector<512x1024xf32>
    %swap3A_516 = arith.constant 0 : index
    %swap3A_517 = arith.constant 6 : index
    %swap3A_518 = vector.load %arg13[%swap3A_516, %swap3A_517] : memref<512x8xf32, #tpu.memory_space<vmem>>, vector<512x1xf32>
    tpu.vector_store %arg13[%swap3A_516, %swap3A_517], %max3A_510 {strides = array<i32>} : memref<512x8xf32, #tpu.memory_space<vmem>>, vector<512x1xf32>,
    %get3A_519 = arith.constant 0 : index
    %get3A_520 = arith.constant 6 : index
    %get3A_521 = vector.load %arg14[%get3A_519, %get3A_520] : memref<512x8xf32, #tpu.memory_space<vmem>>, vector<512x1xf32>
    %mul3A_522 = arith.mulf %get3A_521, %exp3A_512 : vector<512x1xf32>
    %reduce_sum3A_523 = arith.constant dense<0.000000e+00> : vector<512xf32>
    %reduce_sum3A_524 = vector.multi_reduction <add>, %exp3A_515, %reduce_sum3A_523 [1] : vector<512x1024xf32> to vector<512xf32>
    %broadcast_in_dim3A_525 = vector.shape_cast %reduce_sum3A_524 : vector<512xf32> to vector<512x1xf32>
    %add3A_526 = arith.addf %mul3A_522, %broadcast_in_dim3A_525 : vector<512x1xf32>
    %swap3A_527 = arith.constant 0 : index
    %swap3A_528 = arith.constant 6 : index
    %swap3A_529 = vector.load %arg14[%swap3A_527, %swap3A_528] : memref<512x8xf32, #tpu.memory_space<vmem>>, vector<512x1xf32>
    tpu.vector_store %arg14[%swap3A_527, %swap3A_528], %add3A_526 {strides = array<i32>} : memref<512x8xf32, #tpu.memory_space<vmem>>, vector<512x1xf32>,
    %get3A_530 = arith.constant 0 : index
    %get3A_531 = arith.constant 6 : index
    %get3A_532 = vector.load %arg15[%get3A_530, %get3A_531] : memref<512x8xf32, #tpu.memory_space<vmem>>, vector<512x1xf32>
    %mul3A_533 = arith.mulf %get3A_532, %exp3A_512 : vector<512x1xf32>
    %mul3A_534 = arith.mulf %exp3A_515, %sqrt3A : vector<512x1024xf32>
    %reduce_sum3A_535 = arith.constant dense<0.000000e+00> : vector<512xf32>
    %reduce_sum3A_536 = vector.multi_reduction <add>, %mul3A_534, %reduce_sum3A_535 [1] : vector<512x1024xf32> to vector<512xf32>
    %broadcast_in_dim3A_537 = vector.shape_cast %reduce_sum3A_536 : vector<512xf32> to vector<512x1xf32>
    %add3A_538 = arith.addf %mul3A_533, %broadcast_in_dim3A_537 : vector<512x1xf32>
    %swap3A_539 = arith.constant 0 : index
    %swap3A_540 = arith.constant 6 : index
    %swap3A_541 = vector.load %arg15[%swap3A_539, %swap3A_540] : memref<512x8xf32, #tpu.memory_space<vmem>>, vector<512x1xf32>
    tpu.vector_store %arg15[%swap3A_539, %swap3A_540], %add3A_538 {strides = array<i32>} : memref<512x8xf32, #tpu.memory_space<vmem>>, vector<512x1xf32>,
    %get3A_542 = arith.constant 0 : index
    %get3A_543 = arith.constant 576 : index
    %get3A_544 = vector.load %arg16[%get3A_542, %get3A_543] : memref<512x768xf32, #tpu.memory_space<vmem>>, vector<512x96xf32>
    %mul3A_545 = vector.broadcast %exp3A_512 : vector<512x1xf32> to vector<512x96xf32>
    %mul3A_546 = arith.mulf %get3A_544, %mul3A_545 : vector<512x96xf32>
    %convert_element_type3A_547 = arith.truncf %exp3A_515 : vector<512x1024xf32> to vector<512x1024xbf16>
    %slice3A_548 = vector.extract_strided_slice %get3A_15 {offsets = [0, 576], sizes = [1024, 96], strides = [1, 1]} : vector<1024x768xbf16> to vector<1024x96xbf16>
    %dot_general3A_549 = arith.constant dense<0.000000e+00> : vector<512x96xf32>
    %dot_general3A_550 = tpu.matmul %convert_element_type3A_547, %slice3A_548, %dot_general3A_549 {dimension_numbers = #tpu.dot_dimension_numbers<[1], [0], [0], [1], [0, 0, 1, 1], [], []>, transpose_lhs_hint = false} : vector<512x1024xbf16>, vector<1024x96xbf16>, vector<512x96xf32> -> vector<512x96xf32>
    %add3A_551 = arith.addf %mul3A_546, %dot_general3A_550 : vector<512x96xf32>
    %swap3A_552 = arith.constant 0 : index
    %swap3A_553 = arith.constant 576 : index
    %swap3A_554 = vector.load %arg16[%swap3A_552, %swap3A_553] : memref<512x768xf32, #tpu.memory_space<vmem>>, vector<512x96xf32>
    tpu.vector_store %arg16[%swap3A_552, %swap3A_553], %add3A_551 {strides = array<i32>} : memref<512x768xf32, #tpu.memory_space<vmem>>, vector<512x96xf32>,
    %slice3A_555 = vector.extract_strided_slice %get3A_5 {offsets = [0, 672], sizes = [512, 96], strides = [1, 1]} : vector<512x768xf32> to vector<512x96xf32>
    %slice3A_556 = vector.extract_strided_slice %get3A_31 {offsets = [0, 672], sizes = [1, 96], strides = [1, 1]} : vector<1x768xf32> to vector<1x96xf32>
    %mul3A_557 = vector.broadcast %slice3A_556 : vector<1x96xf32> to vector<512x96xf32>
    %mul3A_558 = arith.mulf %slice3A_555, %mul3A_557 : vector<512x96xf32>
    %reduce_sum3A_559 = arith.constant dense<0.000000e+00> : vector<512xf32>
    %reduce_sum3A_560 = vector.multi_reduction <add>, %mul3A_558, %reduce_sum3A_559 [1] : vector<512x96xf32> to vector<512xf32>
    %broadcast_in_dim3A_561 = vector.shape_cast %reduce_sum3A_560 : vector<512xf32> to vector<512x1xf32>
    %slice3A_562 = vector.extract_strided_slice %get3A_34 {offsets = [0, 672], sizes = [1, 96], strides = [1, 1]} : vector<1x768xf32> to vector<1x96xf32>
    %mul3A_563 = vector.broadcast %slice3A_562 : vector<1x96xf32> to vector<512x96xf32>
    %mul3A_564 = arith.mulf %slice3A_555, %mul3A_563 : vector<512x96xf32>
    %reduce_sum3A_565 = arith.constant dense<0.000000e+00> : vector<512xf32>
    %reduce_sum3A_566 = vector.multi_reduction <add>, %mul3A_564, %reduce_sum3A_565 [1] : vector<512x96xf32> to vector<512xf32>
    %broadcast_in_dim3A_567 = vector.shape_cast %reduce_sum3A_566 : vector<512xf32> to vector<512x1xf32>
    %convert_element_type3A_568 = arith.truncf %slice3A_555 : vector<512x96xf32> to vector<512x96xbf16>
    %slice3A_569 = vector.extract_strided_slice %get3A_10 {offsets = [0, 672], sizes = [1024, 96], strides = [1, 1]} : vector<1024x768xbf16> to vector<1024x96xbf16>
    %dot_general3A_570 = arith.constant dense<0.000000e+00> : vector<512x1024xf32>
    %dot_general3A_571 = tpu.matmul %convert_element_type3A_568, %slice3A_569, %dot_general3A_570 {dimension_numbers = #tpu.dot_dimension_numbers<[1], [1], [0], [0], [0, 0, 1, 0], [], []>, transpose_lhs_hint = false} : vector<512x96xbf16>, vector<1024x96xbf16>, vector<512x1024xf32> -> vector<512x1024xf32>
    %mul3A_572 = vector.broadcast %broadcast_in_dim3A_561 : vector<512x1xf32> to vector<512x1024xf32>
    %mul3A_573 = arith.mulf %sqrt3A, %mul3A_572 : vector<512x1024xf32>
    %add3A_574 = arith.addf %dot_general3A_571, %mul3A_573 : vector<512x1024xf32>
    %add3A_575 = vector.broadcast %broadcast_in_dim3A_567 : vector<512x1xf32> to vector<512x1024xf32>
    %add3A_576 = arith.addf %add3A_574, %add3A_575 : vector<512x1024xf32>
    %jit3A_577 = arith.constant -1.000000e+30 : f32
    %broadcast_in_dim3A_578 = vector.broadcast %jit3A_577 : f32 to vector<512x1024xf32>
    %select_n3A_579 = arith.select %le3A_28, %add3A_576, %broadcast_in_dim3A_578 : vector<512x1024xi1>, vector<512x1024xf32>
    %get3A_580 = arith.constant 0 : index
    %get3A_581 = arith.constant 7 : index
    %get3A_582 = vector.load %arg13[%get3A_580, %get3A_581] : memref<512x8xf32, #tpu.memory_space<vmem>>, vector<512x1xf32>
    %reduce_max3A_583 = arith.constant dense<0xFF800000> : vector<512xf32>
    %reduce_max3A_584 = vector.multi_reduction <maximumf>, %select_n3A_579, %reduce_max3A_583 [1] : vector<512x1024xf32> to vector<512xf32>
    %broadcast_in_dim3A_585 = vector.shape_cast %reduce_max3A_584 : vector<512xf32> to vector<512x1xf32>
    %max3A_586 = arith.maximumf %get3A_582, %broadcast_in_dim3A_585 : vector<512x1xf32>
    %sub3A_587 = arith.subf %get3A_582, %max3A_586 : vector<512x1xf32>
    %exp3A_588 = math.exp %sub3A_587 : vector<512x1xf32>
    %sub3A_589 = vector.broadcast %max3A_586 : vector<512x1xf32> to vector<512x1024xf32>
    %sub3A_590 = arith.subf %select_n3A_579, %sub3A_589 : vector<512x1024xf32>
    %exp3A_591 = math.exp %sub3A_590 : vector<512x1024xf32>
    %swap3A_592 = arith.constant 0 : index
    %swap3A_593 = arith.constant 7 : index
    %swap3A_594 = vector.load %arg13[%swap3A_592, %swap3A_593] : memref<512x8xf32, #tpu.memory_space<vmem>>, vector<512x1xf32>
    tpu.vector_store %arg13[%swap3A_592, %swap3A_593], %max3A_586 {strides = array<i32>} : memref<512x8xf32, #tpu.memory_space<vmem>>, vector<512x1xf32>,
    %get3A_595 = arith.constant 0 : index
    %get3A_596 = arith.constant 7 : index
    %get3A_597 = vector.load %arg14[%get3A_595, %get3A_596] : memref<512x8xf32, #tpu.memory_space<vmem>>, vector<512x1xf32>
    %mul3A_598 = arith.mulf %get3A_597, %exp3A_588 : vector<512x1xf32>
    %reduce_sum3A_599 = arith.constant dense<0.000000e+00> : vector<512xf32>
    %reduce_sum3A_600 = vector.multi_reduction <add>, %exp3A_591, %reduce_sum3A_599 [1] : vector<512x1024xf32> to vector<512xf32>
    %broadcast_in_dim3A_601 = vector.shape_cast %reduce_sum3A_600 : vector<512xf32> to vector<512x1xf32>
    %add3A_602 = arith.addf %mul3A_598, %broadcast_in_dim3A_601 : vector<512x1xf32>
    %swap3A_603 = arith.constant 0 : index
    %swap3A_604 = arith.constant 7 : index
    %swap3A_605 = vector.load %arg14[%swap3A_603, %swap3A_604] : memref<512x8xf32, #tpu.memory_space<vmem>>, vector<512x1xf32>
    tpu.vector_store %arg14[%swap3A_603, %swap3A_604], %add3A_602 {strides = array<i32>} : memref<512x8xf32, #tpu.memory_space<vmem>>, vector<512x1xf32>,
    %get3A_606 = arith.constant 0 : index
    %get3A_607 = arith.constant 7 : index
    %get3A_608 = vector.load %arg15[%get3A_606, %get3A_607] : memref<512x8xf32, #tpu.memory_space<vmem>>, vector<512x1xf32>
    %mul3A_609 = arith.mulf %get3A_608, %exp3A_588 : vector<512x1xf32>
    %mul3A_610 = arith.mulf %exp3A_591, %sqrt3A : vector<512x1024xf32>
    %reduce_sum3A_611 = arith.constant dense<0.000000e+00> : vector<512xf32>
    %reduce_sum3A_612 = vector.multi_reduction <add>, %mul3A_610, %reduce_sum3A_611 [1] : vector<512x1024xf32> to vector<512xf32>
    %broadcast_in_dim3A_613 = vector.shape_cast %reduce_sum3A_612 : vector<512xf32> to vector<512x1xf32>
    %add3A_614 = arith.addf %mul3A_609, %broadcast_in_dim3A_613 : vector<512x1xf32>
    %swap3A_615 = arith.constant 0 : index
    %swap3A_616 = arith.constant 7 : index
    %swap3A_617 = vector.load %arg15[%swap3A_615, %swap3A_616] : memref<512x8xf32, #tpu.memory_space<vmem>>, vector<512x1xf32>
    tpu.vector_store %arg15[%swap3A_615, %swap3A_616], %add3A_614 {strides = array<i32>} : memref<512x8xf32, #tpu.memory_space<vmem>>, vector<512x1xf32>,
    %get3A_618 = arith.constant 0 : index
    %get3A_619 = arith.constant 672 : index
    %get3A_620 = vector.load %arg16[%get3A_618, %get3A_619] : memref<512x768xf32, #tpu.memory_space<vmem>>, vector<512x96xf32>
    %mul3A_621 = vector.broadcast %exp3A_588 : vector<512x1xf32> to vector<512x96xf32>
    %mul3A_622 = arith.mulf %get3A_620, %mul3A_621 : vector<512x96xf32>
    %convert_element_type3A_623 = arith.truncf %exp3A_591 : vector<512x1024xf32> to vector<512x1024xbf16>
    %slice3A_624 = vector.extract_strided_slice %get3A_15 {offsets = [0, 672], sizes = [1024, 96], strides = [1, 1]} : vector<1024x768xbf16> to vector<1024x96xbf16>
    %dot_general3A_625 = arith.constant dense<0.000000e+00> : vector<512x96xf32>
    %dot_general3A_626 = tpu.matmul %convert_element_type3A_623, %slice3A_624, %dot_general3A_625 {dimension_numbers = #tpu.dot_dimension_numbers<[1], [0], [0], [1], [0, 0, 1, 1], [], []>, transpose_lhs_hint = false} : vector<512x1024xbf16>, vector<1024x96xbf16>, vector<512x96xf32> -> vector<512x96xf32>
    %add3A_627 = arith.addf %mul3A_622, %dot_general3A_626 : vector<512x96xf32>
    %swap3A_628 = arith.constant 0 : index
    %swap3A_629 = arith.constant 672 : index
    %swap3A_630 = vector.load %arg16[%swap3A_628, %swap3A_629] : memref<512x768xf32, #tpu.memory_space<vmem>>, vector<512x96xf32>
    tpu.vector_store %arg16[%swap3A_628, %swap3A_629], %add3A_627 {strides = array<i32>} : memref<512x768xf32, #tpu.memory_space<vmem>>, vector<512x96xf32>,
    %eq3A_631 = arith.constant 3 : i32
    %eq3A_632 = arith.cmpi eq, %arg2, %eq3A_631 : i32
    %convert_element_type3A_633 = arith.extui %eq3A_632 : i1 to i32
    %cond3A_634 = arith.constant 0 : i32
    %cond3A_635 = arith.cmpi ne, %convert_element_type3A_633, %cond3A_634 : i32
    scf.if %cond3A_635 {
      %get3A_636 = arith.constant 0 : index
      %get3A_637 = arith.constant 0 : index
      %get3A_638 = vector.load %arg10[%get3A_636, %get3A_637] : memref<1x768xf32, #tpu.memory_space<vmem>>, vector<1x768xf32>
      %get3A_639 = arith.constant 0 : index
      %get3A_640 = arith.constant 0 : index
      %get3A_641 = vector.load %arg11[%get3A_639, %get3A_640] : memref<1x768xf32, #tpu.memory_space<vmem>>, vector<1x768xf32>
      %get3A_642 = arith.constant 0 : index
      %get3A_643 = arith.constant 0 : index
      %get3A_644 = vector.load %arg14[%get3A_642, %get3A_643] : memref<512x8xf32, #tpu.memory_space<vmem>>, vector<512x1xf32>
      %get3A_645 = arith.constant 0 : index
      %get3A_646 = arith.constant 0 : index
      %get3A_647 = vector.load %arg16[%get3A_645, %get3A_646] : memref<512x768xf32, #tpu.memory_space<vmem>>, vector<512x96xf32>
      %get3A_648 = arith.constant 0 : index
      %get3A_649 = arith.constant 0 : index
      %get3A_650 = vector.load %arg15[%get3A_648, %get3A_649] : memref<512x8xf32, #tpu.memory_space<vmem>>, vector<512x1xf32>
      %slice3A_651 = vector.extract_strided_slice %get3A_638 {offsets = [0, 0], sizes = [1, 96], strides = [1, 1]} : vector<1x768xf32> to vector<1x96xf32>
      %mul3A_652 = vector.broadcast %get3A_650 : vector<512x1xf32> to vector<512x96xf32>
      %mul3A_653 = vector.broadcast %slice3A_651 : vector<1x96xf32> to vector<512x96xf32>
      %mul3A_654 = arith.mulf %mul3A_652, %mul3A_653 : vector<512x96xf32>
      %add3A_655 = arith.addf %get3A_647, %mul3A_654 : vector<512x96xf32>
      %div3A = vector.broadcast %get3A_644 : vector<512x1xf32> to vector<512x96xf32>
      %div3A_656 = arith.divf %add3A_655, %div3A : vector<512x96xf32>
      %slice3A_657 = vector.extract_strided_slice %get3A_641 {offsets = [0, 0], sizes = [1, 96], strides = [1, 1]} : vector<1x768xf32> to vector<1x96xf32>
      %add3A_658 = vector.broadcast %slice3A_657 : vector<1x96xf32> to vector<512x96xf32>
      %add3A_659 = arith.addf %div3A_656, %add3A_658 : vector<512x96xf32>
      %get3A_660 = arith.constant 0 : index
      %get3A_661 = arith.constant 1 : index
      %get3A_662 = vector.load %arg14[%get3A_660, %get3A_661] : memref<512x8xf32, #tpu.memory_space<vmem>>, vector<512x1xf32>
      %get3A_663 = arith.constant 0 : index
      %get3A_664 = arith.constant 96 : index
      %get3A_665 = vector.load %arg16[%get3A_663, %get3A_664] : memref<512x768xf32, #tpu.memory_space<vmem>>, vector<512x96xf32>
      %get3A_666 = arith.constant 0 : index
      %get3A_667 = arith.constant 1 : index
      %get3A_668 = vector.load %arg15[%get3A_666, %get3A_667] : memref<512x8xf32, #tpu.memory_space<vmem>>, vector<512x1xf32>
      %slice3A_669 = vector.extract_strided_slice %get3A_638 {offsets = [0, 96], sizes = [1, 96], strides = [1, 1]} : vector<1x768xf32> to vector<1x96xf32>
      %mul3A_670 = vector.broadcast %get3A_668 : vector<512x1xf32> to vector<512x96xf32>
      %mul3A_671 = vector.broadcast %slice3A_669 : vector<1x96xf32> to vector<512x96xf32>
      %mul3A_672 = arith.mulf %mul3A_670, %mul3A_671 : vector<512x96xf32>
      %add3A_673 = arith.addf %get3A_665, %mul3A_672 : vector<512x96xf32>
      %div3A_674 = vector.broadcast %get3A_662 : vector<512x1xf32> to vector<512x96xf32>
      %div3A_675 = arith.divf %add3A_673, %div3A_674 : vector<512x96xf32>
      %slice3A_676 = vector.extract_strided_slice %get3A_641 {offsets = [0, 96], sizes = [1, 96], strides = [1, 1]} : vector<1x768xf32> to vector<1x96xf32>
      %add3A_677 = vector.broadcast %slice3A_676 : vector<1x96xf32> to vector<512x96xf32>
      %add3A_678 = arith.addf %div3A_675, %add3A_677 : vector<512x96xf32>
      %get3A_679 = arith.constant 0 : index
      %get3A_680 = arith.constant 2 : index
      %get3A_681 = vector.load %arg14[%get3A_679, %get3A_680] : memref<512x8xf32, #tpu.memory_space<vmem>>, vector<512x1xf32>
      %get3A_682 = arith.constant 0 : index
      %get3A_683 = arith.constant 192 : index
      %get3A_684 = vector.load %arg16[%get3A_682, %get3A_683] : memref<512x768xf32, #tpu.memory_space<vmem>>, vector<512x96xf32>
      %get3A_685 = arith.constant 0 : index
      %get3A_686 = arith.constant 2 : index
      %get3A_687 = vector.load %arg15[%get3A_685, %get3A_686] : memref<512x8xf32, #tpu.memory_space<vmem>>, vector<512x1xf32>
      %slice3A_688 = vector.extract_strided_slice %get3A_638 {offsets = [0, 192], sizes = [1, 96], strides = [1, 1]} : vector<1x768xf32> to vector<1x96xf32>
      %mul3A_689 = vector.broadcast %get3A_687 : vector<512x1xf32> to vector<512x96xf32>
      %mul3A_690 = vector.broadcast %slice3A_688 : vector<1x96xf32> to vector<512x96xf32>
      %mul3A_691 = arith.mulf %mul3A_689, %mul3A_690 : vector<512x96xf32>
      %add3A_692 = arith.addf %get3A_684, %mul3A_691 : vector<512x96xf32>
      %div3A_693 = vector.broadcast %get3A_681 : vector<512x1xf32> to vector<512x96xf32>
      %div3A_694 = arith.divf %add3A_692, %div3A_693 : vector<512x96xf32>
      %slice3A_695 = vector.extract_strided_slice %get3A_641 {offsets = [0, 192], sizes = [1, 96], strides = [1, 1]} : vector<1x768xf32> to vector<1x96xf32>
      %add3A_696 = vector.broadcast %slice3A_695 : vector<1x96xf32> to vector<512x96xf32>
      %add3A_697 = arith.addf %div3A_694, %add3A_696 : vector<512x96xf32>
      %get3A_698 = arith.constant 0 : index
      %get3A_699 = arith.constant 3 : index
      %get3A_700 = vector.load %arg14[%get3A_698, %get3A_699] : memref<512x8xf32, #tpu.memory_space<vmem>>, vector<512x1xf32>
      %get3A_701 = arith.constant 0 : index
      %get3A_702 = arith.constant 288 : index
      %get3A_703 = vector.load %arg16[%get3A_701, %get3A_702] : memref<512x768xf32, #tpu.memory_space<vmem>>, vector<512x96xf32>
      %get3A_704 = arith.constant 0 : index
      %get3A_705 = arith.constant 3 : index
      %get3A_706 = vector.load %arg15[%get3A_704, %get3A_705] : memref<512x8xf32, #tpu.memory_space<vmem>>, vector<512x1xf32>
      %slice3A_707 = vector.extract_strided_slice %get3A_638 {offsets = [0, 288], sizes = [1, 96], strides = [1, 1]} : vector<1x768xf32> to vector<1x96xf32>
      %mul3A_708 = vector.broadcast %get3A_706 : vector<512x1xf32> to vector<512x96xf32>
      %mul3A_709 = vector.broadcast %slice3A_707 : vector<1x96xf32> to vector<512x96xf32>
      %mul3A_710 = arith.mulf %mul3A_708, %mul3A_709 : vector<512x96xf32>
      %add3A_711 = arith.addf %get3A_703, %mul3A_710 : vector<512x96xf32>
      %div3A_712 = vector.broadcast %get3A_700 : vector<512x1xf32> to vector<512x96xf32>
      %div3A_713 = arith.divf %add3A_711, %div3A_712 : vector<512x96xf32>
      %slice3A_714 = vector.extract_strided_slice %get3A_641 {offsets = [0, 288], sizes = [1, 96], strides = [1, 1]} : vector<1x768xf32> to vector<1x96xf32>
      %add3A_715 = vector.broadcast %slice3A_714 : vector<1x96xf32> to vector<512x96xf32>
      %add3A_716 = arith.addf %div3A_713, %add3A_715 : vector<512x96xf32>
      %get3A_717 = arith.constant 0 : index
      %get3A_718 = arith.constant 4 : index
      %get3A_719 = vector.load %arg14[%get3A_717, %get3A_718] : memref<512x8xf32, #tpu.memory_space<vmem>>, vector<512x1xf32>
      %get3A_720 = arith.constant 0 : index
      %get3A_721 = arith.constant 384 : index
      %get3A_722 = vector.load %arg16[%get3A_720, %get3A_721] : memref<512x768xf32, #tpu.memory_space<vmem>>, vector<512x96xf32>
      %get3A_723 = arith.constant 0 : index
      %get3A_724 = arith.constant 4 : index
      %get3A_725 = vector.load %arg15[%get3A_723, %get3A_724] : memref<512x8xf32, #tpu.memory_space<vmem>>, vector<512x1xf32>
      %slice3A_726 = vector.extract_strided_slice %get3A_638 {offsets = [0, 384], sizes = [1, 96], strides = [1, 1]} : vector<1x768xf32> to vector<1x96xf32>
      %mul3A_727 = vector.broadcast %get3A_725 : vector<512x1xf32> to vector<512x96xf32>
      %mul3A_728 = vector.broadcast %slice3A_726 : vector<1x96xf32> to vector<512x96xf32>
      %mul3A_729 = arith.mulf %mul3A_727, %mul3A_728 : vector<512x96xf32>
      %add3A_730 = arith.addf %get3A_722, %mul3A_729 : vector<512x96xf32>
      %div3A_731 = vector.broadcast %get3A_719 : vector<512x1xf32> to vector<512x96xf32>
      %div3A_732 = arith.divf %add3A_730, %div3A_731 : vector<512x96xf32>
      %slice3A_733 = vector.extract_strided_slice %get3A_641 {offsets = [0, 384], sizes = [1, 96], strides = [1, 1]} : vector<1x768xf32> to vector<1x96xf32>
      %add3A_734 = vector.broadcast %slice3A_733 : vector<1x96xf32> to vector<512x96xf32>
      %add3A_735 = arith.addf %div3A_732, %add3A_734 : vector<512x96xf32>
      %get3A_736 = arith.constant 0 : index
      %get3A_737 = arith.constant 5 : index
      %get3A_738 = vector.load %arg14[%get3A_736, %get3A_737] : memref<512x8xf32, #tpu.memory_space<vmem>>, vector<512x1xf32>
      %get3A_739 = arith.constant 0 : index
      %get3A_740 = arith.constant 480 : index
      %get3A_741 = vector.load %arg16[%get3A_739, %get3A_740] : memref<512x768xf32, #tpu.memory_space<vmem>>, vector<512x96xf32>
      %get3A_742 = arith.constant 0 : index
      %get3A_743 = arith.constant 5 : index
      %get3A_744 = vector.load %arg15[%get3A_742, %get3A_743] : memref<512x8xf32, #tpu.memory_space<vmem>>, vector<512x1xf32>
      %slice3A_745 = vector.extract_strided_slice %get3A_638 {offsets = [0, 480], sizes = [1, 96], strides = [1, 1]} : vector<1x768xf32> to vector<1x96xf32>
      %mul3A_746 = vector.broadcast %get3A_744 : vector<512x1xf32> to vector<512x96xf32>
      %mul3A_747 = vector.broadcast %slice3A_745 : vector<1x96xf32> to vector<512x96xf32>
      %mul3A_748 = arith.mulf %mul3A_746, %mul3A_747 : vector<512x96xf32>
      %add3A_749 = arith.addf %get3A_741, %mul3A_748 : vector<512x96xf32>
      %div3A_750 = vector.broadcast %get3A_738 : vector<512x1xf32> to vector<512x96xf32>
      %div3A_751 = arith.divf %add3A_749, %div3A_750 : vector<512x96xf32>
      %slice3A_752 = vector.extract_strided_slice %get3A_641 {offsets = [0, 480], sizes = [1, 96], strides = [1, 1]} : vector<1x768xf32> to vector<1x96xf32>
      %add3A_753 = vector.broadcast %slice3A_752 : vector<1x96xf32> to vector<512x96xf32>
      %add3A_754 = arith.addf %div3A_751, %add3A_753 : vector<512x96xf32>
      %get3A_755 = arith.constant 0 : index
      %get3A_756 = arith.constant 6 : index
      %get3A_757 = vector.load %arg14[%get3A_755, %get3A_756] : memref<512x8xf32, #tpu.memory_space<vmem>>, vector<512x1xf32>
      %get3A_758 = arith.constant 0 : index
      %get3A_759 = arith.constant 576 : index
      %get3A_760 = vector.load %arg16[%get3A_758, %get3A_759] : memref<512x768xf32, #tpu.memory_space<vmem>>, vector<512x96xf32>
      %get3A_761 = arith.constant 0 : index
      %get3A_762 = arith.constant 6 : index
      %get3A_763 = vector.load %arg15[%get3A_761, %get3A_762] : memref<512x8xf32, #tpu.memory_space<vmem>>, vector<512x1xf32>
      %slice3A_764 = vector.extract_strided_slice %get3A_638 {offsets = [0, 576], sizes = [1, 96], strides = [1, 1]} : vector<1x768xf32> to vector<1x96xf32>
      %mul3A_765 = vector.broadcast %get3A_763 : vector<512x1xf32> to vector<512x96xf32>
      %mul3A_766 = vector.broadcast %slice3A_764 : vector<1x96xf32> to vector<512x96xf32>
      %mul3A_767 = arith.mulf %mul3A_765, %mul3A_766 : vector<512x96xf32>
      %add3A_768 = arith.addf %get3A_760, %mul3A_767 : vector<512x96xf32>
      %div3A_769 = vector.broadcast %get3A_757 : vector<512x1xf32> to vector<512x96xf32>
      %div3A_770 = arith.divf %add3A_768, %div3A_769 : vector<512x96xf32>
      %slice3A_771 = vector.extract_strided_slice %get3A_641 {offsets = [0, 576], sizes = [1, 96], strides = [1, 1]} : vector<1x768xf32> to vector<1x96xf32>
      %add3A_772 = vector.broadcast %slice3A_771 : vector<1x96xf32> to vector<512x96xf32>
      %add3A_773 = arith.addf %div3A_770, %add3A_772 : vector<512x96xf32>
      %get3A_774 = arith.constant 0 : index
      %get3A_775 = arith.constant 7 : index
      %get3A_776 = vector.load %arg14[%get3A_774, %get3A_775] : memref<512x8xf32, #tpu.memory_space<vmem>>, vector<512x1xf32>
      %get3A_777 = arith.constant 0 : index
      %get3A_778 = arith.constant 672 : index
      %get3A_779 = vector.load %arg16[%get3A_777, %get3A_778] : memref<512x768xf32, #tpu.memory_space<vmem>>, vector<512x96xf32>
      %get3A_780 = arith.constant 0 : index
      %get3A_781 = arith.constant 7 : index
      %get3A_782 = vector.load %arg15[%get3A_780, %get3A_781] : memref<512x8xf32, #tpu.memory_space<vmem>>, vector<512x1xf32>
      %slice3A_783 = vector.extract_strided_slice %get3A_638 {offsets = [0, 672], sizes = [1, 96], strides = [1, 1]} : vector<1x768xf32> to vector<1x96xf32>
      %mul3A_784 = vector.broadcast %get3A_782 : vector<512x1xf32> to vector<512x96xf32>
      %mul3A_785 = vector.broadcast %slice3A_783 : vector<1x96xf32> to vector<512x96xf32>
      %mul3A_786 = arith.mulf %mul3A_784, %mul3A_785 : vector<512x96xf32>
      %add3A_787 = arith.addf %get3A_779, %mul3A_786 : vector<512x96xf32>
      %div3A_788 = vector.broadcast %get3A_776 : vector<512x1xf32> to vector<512x96xf32>
      %div3A_789 = arith.divf %add3A_787, %div3A_788 : vector<512x96xf32>
      %slice3A_790 = vector.extract_strided_slice %get3A_641 {offsets = [0, 672], sizes = [1, 96], strides = [1, 1]} : vector<1x768xf32> to vector<1x96xf32>
      %add3A_791 = vector.broadcast %slice3A_790 : vector<1x96xf32> to vector<512x96xf32>
      %add3A_792 = arith.addf %div3A_789, %add3A_791 : vector<512x96xf32>
      %concatenate3A = tpu.concatenate %add3A_659, %add3A_678, %add3A_697, %add3A_716, %add3A_735, %add3A_754, %add3A_773, %add3A_792 in 1 : vector<512x96xf32>, vector<512x96xf32>, vector<512x96xf32>, vector<512x96xf32>, vector<512x96xf32>, vector<512x96xf32>, vector<512x96xf32>, vector<512x96xf32> -> vector<512x768xf32>
      %swap3A_793 = arith.constant 0 : index
      %swap3A_794 = arith.constant 0 : index
      %swap3A_795 = arith.constant 0 : index
      %swap3A_796 = vector.load %arg12[%swap3A_793, %swap3A_794, %swap3A_795] : memref<1x512x768xf32, #tpu.memory_space<vmem>>, vector<1x512x768xf32>
      %swap3A_797 = vector.shape_cast %swap3A_796 : vector<1x512x768xf32> to vector<512x768xf32>
      %swap3A_798 = vector.shape_cast %concatenate3A : vector<512x768xf32> to vector<1x512x768xf32>
      tpu.vector_store %arg12[%swap3A_793, %swap3A_794, %swap3A_795], %swap3A_798 {strides = array<i32>} : memref<1x512x768xf32, #tpu.memory_space<vmem>>, vector<1x512x768xf32>,
    } else {
    }
    return
  }
  func.func @transform_0(%arg0: i32, %arg1: i32, %arg2: i32) -> (i32, i32, i32) {
    %c0_i32 = arith.constant 0 : i32
    %c0_i32_0 = arith.constant 0 : i32
    return %arg0, %arg1, %c0_i32 : i32, i32, i32
  }
  func.func @transform_1(%arg0: i32, %arg1: i32, %arg2: i32) -> (i32, i32, i32) {
    %c0_i32 = arith.constant 0 : i32
    %c0_i32_0 = arith.constant 0 : i32
    return %arg0, %arg2, %c0_i32 : i32, i32, i32
  }
  func.func @transform_2(%arg0: i32, %arg1: i32, %arg2: i32) -> (i32, i32, i32) {
    %c1_i32 = arith.constant 1 : i32
    %c0_i32 = arith.constant 0 : i32
    return %arg0, %arg2, %c1_i32 : i32, i32, i32
  }
  func.func @transform_3(%arg0: i32, %arg1: i32, %arg2: i32) -> (i32, i32, i32) {
    %c0_i32 = arith.constant 0 : i32
    return %arg0, %arg1, %arg2 : i32, i32, i32
  }
  func.func @transform_4(%arg0: i32, %arg1: i32, %arg2: i32) -> (i32, i32, i32) {
    %c0_i32 = arith.constant 0 : i32
    %c0_i32_0 = arith.constant 0 : i32
    return %arg0, %arg1, %c0_i32 : i32, i32, i32
  }
  func.func @transform_5(%arg0: i32, %arg1: i32, %arg2: i32) -> (i32, i32) {
    %c0_i32 = arith.constant 0 : i32
    %c0_i32_0 = arith.constant 0 : i32
    %c0_i32_1 = arith.constant 0 : i32
    return %c0_i32, %c0_i32_0 : i32, i32
  }
  func.func @transform_6(%arg0: i32, %arg1: i32, %arg2: i32) -> (i32, i32) {
    %c0_i32 = arith.constant 0 : i32
    %c0_i32_0 = arith.constant 0 : i32
    %c0_i32_1 = arith.constant 0 : i32
    return %c0_i32, %c0_i32_0 : i32, i32
  }
  func.func @transform_7(%arg0: i32, %arg1: i32, %arg2: i32) -> (i32, i32) {
    %c0_i32 = arith.constant 0 : i32
    %c0_i32_0 = arith.constant 0 : i32
    %c0_i32_1 = arith.constant 0 : i32
    return %c0_i32, %c0_i32_0 : i32, i32
  }
  func.func @transform_8(%arg0: i32, %arg1: i32, %arg2: i32) -> (i32, i32) {
    %c0_i32 = arith.constant 0 : i32
    %c0_i32_0 = arith.constant 0 : i32
    %c0_i32_1 = arith.constant 0 : i32
    return %c0_i32, %c0_i32_0 : i32, i32
  }
  func.func @transform_9(%arg0: i32, %arg1: i32, %arg2: i32) -> (i32, i32, i32) {
    %c0_i32 = arith.constant 0 : i32
    %c0_i32_0 = arith.constant 0 : i32
    return %arg0, %arg1, %c0_i32 : i32, i32, i32
  }
}

</mosaic_0001>

<sc_bundles>
// kernel: kernel.7.cloned.1.call-start
scs
__scs_entry_jumppad:
0x0: {  	(pc) =	sbr.rel $0x88, $3  }
0x1: {  	(tag) =	ssettag $0x0;
	lr =	simm.s32 $0x1  }
0x2: {  	[smem:$0x3F97] =	sst lr;
	_ =	strace $0xD0000000  }
0x3: {  	_ = 	snop  }
0x4: {  	_ = 	snop  }
0x5: {  	_ = 	snop  }
0x6: {  	_ = 	snop  }
0x7: {  	_ = 	snop  }
__scs_overlays_trampoline_lowered:
0x8: {  	[smem:$0x3FA6] =	sst s0  }
0x9: {  	[smem:$0x3FA7] =	sst s1  }
0xa: {  	[smem:$0x3FA8] =	sst s2  }
0xb: {  	[smem:$0x3FA9] =	sst s3  }
0xc: {  	[smem:$0x3FAA] =	sst s4  }
0xd: {  	[smem:$0x3FAB] =	sst s5  }
0xe: {  	[smem:$0x3FAC] =	sst s6  }
0xf: {  	[smem:$0x3FAD] =	sst s7  }
0x10: {  	[smem:$0x3FAE] =	sst s8  }
0x11: {  	[smem:$0x3FAF] =	sst s9;
	s0 =	simm.s32 @!p0 $0x0  }
0x12: {  	s1 =	sld [smem:$0x3F95];
	s0 =	simm.s32 @p0 $0x1  }
0x13: {  	[smem:$0x3FB0] =	sst s0;
	s0 =	simm.s32 @!p1 $0x0  }
0x14: {  	s2 =	sld [smem:$0x3F94];
	s0 =	simm.s32 @p1 $0x1  }
0x15: {  	[smem:$0x3FB1] =	sst s0;
	s0 =	simm.s32 @!p2 $0x0  }
0x16: {  	s3 =	sld [smem:$0x3FDB];
	s0 =	simm.s32 @p2 $0x1  }
0x17: {  	s4 =	simm.s32 $0x1BF5;
	[smem:$0x3FB3] =	sst s0  }
0x18: {  	s0 =	sld [smem:$0x3F96];
	_ =	swait.ge [sflag:s4], $0x0  }
0x19: {  	s7 =	sld [smem:$0x3F97]  }
0x1a: {  	s8 =	sadd.s32 $0xFFFFE003, lr  }
0x1b: {  	s9 =	sadd.s32 $0xFFFFFEF7, lr;
	s5 =	simm.s32 $0xFFFFFFFF;
	p2 =	slt.u32 s8, $0xFFFFF086  }
0x1c: {  	p1 =	slt.u32 s9, $0xF7A;
	s5 =	simm.s32 @!p2 $0x0  }
0x1d: {  	s5 =	simm.s32 @p1 $0x1;
	p0 =	seq.s32 s7, s2  }
0x1e: {  	s7 =	smul.u32 @!p0 $0xF7A, s2;
	p2 =	seq.s32 @!p0 s5, $0x0  }
0x1f: {  	s9 =	smul.u32 $0xF7A, s1;
	s8 =	simm.s32 @!p0 $0x1BF5;
	p2 =	por !p2, p0  }
0x20: {  	[sflag:s8] =	ssyncset.s32 @!p0 $0xFFFFF086;
	s6 =	sadd.s32 @!p0 s3, s7;
	s7 =	simm.s32 @!p0 $0x108  }
0x21: {  	s3 =	sadd.s32 s3, s9;
	s6 =	sadd.s32 @!p0 $0x88, s6;
	s7 =	simm.s32 @p2 $0x1082  }
0x22: {  	[simem:s7], [sflag:s8] =	dma.local @!p0 [hbm:s6], $0xF7A  }
0x23: {  	s9 =	sor.u32 $0xD0000000, s2;
	s6 =	simm.s32 $0x108;
	_ =	swait.ge @!p0 [sflag:s8], $0x0  }
0x24: {  	s3 =	sadd.s32 $0x88, s3;
	s6 =	simm.s32 @!p1 $0x1082;
	[sflag:s4] =	ssyncset.s32 $0xFFFFF086  }
0x25: {  	[simem:s6], [sflag:s4] =	dma.local [hbm:s3], $0xF7A  }
0x26: {  	[smem:$0x3F97] =	sst s1;
	(tag) =	ssettag s2;
	_ =	strace s9  }
0x27: {  	s1 =	sld [smem:$0x3FA7]  }
0x28: {  	s2 =	sld [smem:$0x3FA8]  }
0x29: {  	s4 =	sld [smem:$0x3FAA]  }
0x2a: {  	p0 =	seq.s32 s5, $0x0;
	s5 =	sld [smem:$0x3FAB]  }
0x2b: {  	s6 =	sld [smem:$0x3FAC]  }
0x2c: {  	s7 =	sld [smem:$0x3FAD]  }
0x2d: {  	s3 =	simm.s32 $0x108;
	s8 =	sld [smem:$0x3FAE]  }
0x2e: {  	s3 =	simm.s32 @!p0 $0x1082;
	s9 =	sld [smem:$0x3FAF]  }
0x2f: {  	lr =	sadd.s32 s0, s3;
	s0 =	sld [smem:$0x3FA6]  }
0x30: {  	s3 =	sld [smem:$0x3FA9]  }
0x31: {  	[smem:$0x3FB2] =	sst s10  }
0x32: {  	s10 =	sld [smem:$0x3FB0];
	_ =	sdelay $0x3  }
0x33: {  	p0 =	seq.s32 s10, $0x1;
	s10 =	sld [smem:$0x3FB2];
	_ =	sdelay $0x3  }
0x34: {  	[smem:$0x3FB2] =	sst s10  }
0x35: {  	s10 =	sld [smem:$0x3FB1];
	_ =	sdelay $0x3  }
0x36: {  	p1 =	seq.s32 s10, $0x1;
	s10 =	sld [smem:$0x3FB2];
	_ =	sdelay $0x3  }
0x37: {  	[smem:$0x3FB2] =	sst s10  }
0x38: {  	s10 =	sld [smem:$0x3FB3]  }
0x39: {  	_ = 	snop;
	(pc) =	sbr.ind lr, $3  }
0x3a: {  	_ = 	snop  }
0x3b: {  	_ = 	snop  }
0x3c: {  	p2 =	seq.s32 s10, $0x1;
	s10 =	sld [smem:$0x3FB2]  }
0x3d: {  	_ =	shalt  }
0x3e: {  	_ =	shalt  }
0x3f: {  	_ =	shalt  }
0x40: {  	_ =	shalt  }
0x41: {  	_ =	shalt  }
0x42: {  	_ =	shalt  }
0x43: {  	_ =	shalt  }
0x44: {  	_ =	shalt  }
0x45: {  	_ =	shalt  }
0x46: {  	_ =	shalt  }
0x47: {  	_ =	shalt  }
0x48: {  	_ =	shalt  }
0x49: {  	_ =	shalt  }
0x4a: {  	_ =	shalt  }
0x4b: {  	_ =	shalt  }
0x4c: {  	_ =	shalt  }
0x4d: {  	_ =	shalt  }
0x4e: {  	_ =	shalt  }
0x4f: {  	_ =	shalt  }
0x50: {  	_ =	shalt  }
0x51: {  	_ =	shalt  }
0x52: {  	_ =	shalt  }
0x53: {  	_ =	shalt  }
0x54: {  	_ =	shalt  }
0x55: {  	_ =	shalt  }
0x56: {  	_ =	shalt  }
0x57: {  	_ =	shalt  }
0x58: {  	_ =	shalt  }
0x59: {  	_ =	shalt  }
0x5a: {  	_ =	shalt  }
0x5b: {  	_ =	shalt  }
0x5c: {  	_ =	shalt  }
0x5d: {  	_ =	shalt  }
0x5e: {  	_ =	shalt  }
0x5f: {  	_ =	shalt  }
0x60: {  	_ =	shalt  }
0x61: {  	_ =	shalt  }
0x62: {  	_ =	shalt  }
0x63: {  	_ =	shalt  }
0x64: {  	_ =	shalt  }
0x65: {  	_ =	shalt  }
0x66: {  	_ =	shalt  }
0x67: {  	_ =	shalt  }
0x68: {  	_ =	shalt  }
0x69: {  	_ =	shalt  }
0x6a: {  	_ =	shalt  }
0x6b: {  	_ =	shalt  }
0x6c: {  	_ =	shalt  }
0x6d: {  	_ =	shalt  }
0x6e: {  	_ =	shalt  }
0x6f: {  	_ =	shalt  }
0x70: {  	_ =	shalt  }
0x71: {  	_ =	shalt  }
0x72: {  	_ =	shalt  }
0x73: {  	_ =	shalt  }
0x74: {  	_ =	shalt  }
0x75: {  	_ =	shalt  }
0x76: {  	_ =	shalt  }
0x77: {  	_ =	shalt  }
0x78: {  	_ =	shalt  }
0x79: {  	_ =	shalt  }
0x7a: {  	_ =	shalt  }
0x7b: {  	_ =	shalt  }
0x7c: {  	_ =	shalt  }
0x7d: {  	_ =	shalt  }
0x7e: {  	_ =	shalt  }
0x7f: {  	_ =	shalt  }
0x80: {  	_ =	shalt  }
0x81: {  	_ =	shalt  }
0x82: {  	_ =	shalt  }
0x83: {  	_ =	shalt  }
0x84: {  	_ =	shalt  }
0x85: {  	_ =	shalt  }
0x86: {  	_ =	shalt  }
0x87: {  	_ =	shalt  }
.Lfunc_end0:
.L_simem_size_0:
called_computation_lowered:
.L_overlay_start_0:
0x88: {  	s2 =	sld [smem:$0x3FD9]  }
0x89: {  	s3 =	sld [smem:$0x3FFE];
	_ =	sdelay $0x1  }
0x8a: {  	s1 =	srdreg.scid  }
0x8b: {  	s0 =	sand.u32 $0x1, s1  }
0x8c: {  	s16 =	sshll.u32 s0, $0xA;
	s2 =	sadd.s32 s3, s2  }
0x8d: {  	s2 =	sadd.s32 s2, s16  }
0x8e: {  	[smem:$0x3FBE] =	sst s2  }
0x8f: {  	_ = 	snop  }
0x90: {  	(tm) =	ssettm $0x1  }
0x91: {  	s17 =	sld [smem:$0x3FFB];
	_ =	sdelay $0x3  }
0x92: {  	_ =	strace s17  }
0x93: {  	s2 =	sld [smem:$0x3FFC];
	_ =	sdelay $0x3  }
0x94: {  	_ =	strace s2  }
0x95: {  	s2 =	sld [smem:$0x3FFD];
	_ =	sdelay $0x3  }
0x96: {  	_ =	strace s2  }
0x97: {  	_ =	strace $0x8FFFFFFF  }
0x98: {  	s18 =	sld [smem:$0x3FDB];
	_ =	sdelay $0x1  }
0x99: {  	s19 =	simm.s32 $_scs_section_size  }
0x9a: {  	s4 =	simm.s32 $_size__tile_overlayer_lowered;
	s5 =	simm.s32 $_tile_overlayer_lowered  }
0x9b: {  	s22 =	simm.s32 $0x1BFF;
	s21 =	sshll.u32 s5, $0x1;
	s2 =	sadd.s32 s19, s18  }
0x9c: {  	s6 =	simm.s32 $0x0;
	s20 =	sshll.u32 s4, $0x1;
	s4 =	sadd.s32 s21, s2  }
0x9d: {  	[timem:s6], [sflag:s22] =	dma.local [hbm:s4], s20  }
0x9e: {  	_ =	swait.ge [sflag:s22], s20  }
0x9f: {  	s3 =	ssub.s32 $0x0, s20;
	[sflag:s22] =	ssyncset.done $0x0  }
0xa0: {  	[sflag:s22] =	ssyncadd.s32 s3;
	_ =	sdelay $0x1  }
0xa1: {  	s23 =	simm.s32 $0x1B8B  }
0xa2: {  	_ =	swait.ge [sflag:s23], $0x1  }
0xa3: {  	[sflag:s23] =	ssyncset.done $0x0  }
0xa4: {  	s25 =	simm.s32 $0x1B8E;
	s24 =	sld [smem:$0x3FFE];
	[sflag:s23] =	ssyncadd.s32 $0xFFFFFFFF  }
0xa5: {  	s26 =	simm.s32 $execute0_lowered;
	[smem:$0x3FD2] =	sst s25  }
0xa6: {  	s4 =	sshll.u32 s26, $0x1;
	_ =	strace $0x80000046;
	[dreg:$0x1] =	wrdreg $0xFFFFFFFF  }
0xa7: {  	s28 =	simm.s32 $_size_execute0_lowered;
	s2 =	sadd.s32 s2, s4;
	[dreg:$0x0] =	wrdreg $0x0  }
0xa8: {  	s4 =	sshll.u32 s28, $0x1;
	[dreg:$0x2] =	wrdreg s2  }
0xa9: {  	[dreg:$0x3] =	wrdreg s4  }
0xaa: {  	[dreg:$0x4] =	wrdreg $0xC0  }
0xab: {  	_ =	task [dreg:s6], $0x5FFFF  }
0xac: {  	[dreg:$0x1] =	wrdreg $0xFFFFFFFF  }
0xad: {  	[dreg:$0x0] =	wrdreg $0x60  }
0xae: {  	[dreg:$0x2] =	wrdreg s24  }
0xaf: {  	[dreg:$0x3] =	wrdreg $0x9  }
0xb0: {  	_ =	task.clear_ibuf [dreg:s6], $0x4FFFF;
	_ =	strace $0x90000046  }
0xb1: {  	s29 =	simm.s32 $0x9;
	_ =	strace $0x80000048  }
0xb2: {  	_ =	swait.ge [sflag:s29], $0x1  }
0xb3: {  	[sflag:s29] =	ssyncadd.s32 $0xFFFFFFFF  }
0xb4: {  	_ =	strace $0x90000048  }
0xb5: {  	_ =	sfence  }
0xb6: {  	s30 =	sld [smem:$0x0];
	_ =	sdelay $0x2  }
0xb7: {  	s31 =	sshll.u32 s1, $0xD;
	s1 =	sshrl.u32 s1, $0x2  }
0xb8: {  	s3 =	sand.u32 $0x4000, s31;
	s1 =	sadd.s32 s1, s30  }
0xb9: {  	s0 =	sor.u32 s3, s0;
	s1 =	sshll.u32 s1, $0x11  }
0xba: {  	s0 =	sor.u32 s1, s0  }
0xbb: {  	s0 =	sadd.s32 $0x8F2B, s0  }
0xbc: {  	[sflag:s0] =	ssyncadd.remote.s32 $0x1  }
0xbd: {  	_ =	sfence.sel $0xFFFF  }
0xbe: {  	[dreg:$0x0] =	wrdreg $0xFFFFFFFF;
	(pc) =	sbr.abs _section_cstart, $3  }
0xbf: {  	[dreg:$0x1] =	wrdreg $0xFFFFFFFF  }
0xc0: {  	_ =	task.clear_ibuf [dreg:s6], $0x2FFFF;
	_ =	strace $0x9FFFFFFF  }
0xc1: {  	(tm) =	ssettm $0x7FFFFFFF  }
tec
execute0_lowered:
.L_overlay_start_1:
0x0: {  	(tag) =	ssettag $0x1  }
0x1: {  	s0 =	srdreg.scid  }
0x2: {  	s4 =	rddreg [dreg:$0x0];
	s1 =	stileid.u32;
	s2 =	simm.s32 $0x0  }
0x3: {  	s8 =	simm.s32 $0x400;
	s9 =	simm.s32 $0x1;
	s10 =	simm.s32 $0x1000  }
0x4: {  	s11 =	simm.s32 $0x2000;
	s12 =	simm.s32 $0x0;
	s5 =	sand.u32 $0x1, s0  }
0x5: {  	s0 =	rddreg [dreg:$0x1];
	s3 =	sshll.u32 s1, $0x9;
	s6 =	sshll.u32 s5, $0x8  }
0x6: {  	[smem:$0x7FF] =	sst s2;
	s5 =	ssub.s32 $0x2, s5;
	s3 =	sor.u32 s6, s3  }
0x7: {  	_ =	strace $0x80000047;
	s7 =	sshrl.u32 s5, $0x1;
	s6 =	sshrl.u32 s3, $0x3  }
0x8: {  	v0 =	vlaneseq.u32;
	s7 =	ssub.s32 s5, s7;
	s6 =	sadd.s32 s6, s4;
	s4 =	sadd.s32 $0x1800, s4  }
0x9: {  	v1 =	vimm.s32 $0x0;
	v3 =	vimm.s32 $0x1;
	v2 =	vmul.u32 $0x100, v0;
	s5 =	sadd.s32 $0x401800, s6;
	s6 =	smax.u32 s7, $0x1;
	s7 =	simm.s32 $0x80  }
.LBB2_1:
0xa: {  	s13 =	simm.s32 $0x0  }
.LBB2_2:
0xb: {  	s14 =	sadd.s32 s3, s13;
	s15 =	sshll.u32 s13, $0x4  }
0xc: {  	s14 =	sshll.u32 s14, $0x9;
	s15 =	sand.u32 $0x70, s15  }
0xd: {  	s14 =	sand.u32 $0x3FF000, s14;
	s15 =	sadd.s32 s4, s15  }
0xe: {  	s15 =	sadd.s32 s14, s15;
	s14 =	simm.s32 $0x0  }
0xf: {  	[tilespmem:s14], [sflag:$0x1] =	stream.strided.gather [hbm4b:s15+s7], $0x1000, s8, s7, $0x38;
	[tilespmem:$0x2100] =	vst v63  }
0x10: {  	_ =	swait.ge [sflag:s9], $0x1000  }
0x11: {  	[sflag:s9] =	ssyncset.done $0x0  }
0x12: {  	s16 =	simm.s32 $0x0;
	s15 =	simm.s32 $0x40;
	[sflag:s9] =	ssyncadd.s32 $0xFFFFF000  }
.LBB2_3:
0x13: {  	p0 =	sne.s32 s15, $0x3FC0;
	[tilespmem:s16+$0x1000] =	vst v1;
	s16 =	smov.u32 s15;
	s15 =	sadd.s32 $0x40, s15  }
.Ltmp0:
0x14: {  	(pc) =	sbr.rel @p0 .LBB2_3-.Ltmp0, $2  }
0x15: {  	_ =	sdelay $0x2  }
0x16: {  	s16 =	sshra.s32 s16, $0x2  }
0x17: {  	[tilespmem:s16+$0x1000] =	vst v1  }
.LBB2_5:
0x18: {  	s15 =	sshra.s32 s14, $0x2  }
0x19: {  	v4 =	vld [tilespmem:s15+$0x0];
	_ =	sdelay $0x4  }
0x1a: {  	v4 =	vmax.f32 v4, $0.0e+00  }
0x1b: {  	v5 =	vshrl.u32 v4, $0x17  }
0x1c: {  	vm0 =	vgt.s32 v4, $0xFFFFFFFF;
	v4 =	vand.u32 $0xFF, v5  }
0x1d: {  	p0 =	sne.s32 s14, $0x3FC0;
	v4 =	vor.u32 v2, v4  }
.Ltmp1:
0x1e: {  	_ = 	snop;
	(pc) =	sbr.rel @p0 .LBB2_5-.Ltmp1, $2  }
0x1f: {  	_ =	sdelay $0x2  }
0x20: {  	s14 =	sadd.s32 $0x40, s14;
	[tilespmem:v4+s10+$0x0] =	vst.idx.add.s32.msk vm0, v3  }
0x21: {  	s14 =	simm.s32 $0x0  }
0x22: {  	s16 =	sand.u32 $0xF0, s14  }
0x23: {  	v4 =	vld [tilespmem:s16+$0x1000]  }
0x24: {  	v5 =	vld [tilespmem:s16+$0x1100]  }
0x25: {  	v6 =	vld [tilespmem:s16+$0x1200]  }
0x26: {  	v7 =	vld [tilespmem:s16+$0x1300]  }
0x27: {  	v8 =	vld [tilespmem:s16+$0x1400]  }
0x28: {  	v9 =	vld [tilespmem:s16+$0x1500]  }
0x29: {  	v10 =	vld [tilespmem:s16+$0x1600];
	v4 =	vadd.s32 v4, v5  }
0x2a: {  	v11 =	vld [tilespmem:s16+$0x1700];
	v4 =	vadd.s32 v4, v6  }
0x2b: {  	v12 =	vld [tilespmem:s16+$0x1800];
	v4 =	vadd.s32 v4, v7  }
0x2c: {  	v5 =	vld [tilespmem:s16+$0x1900];
	v4 =	vadd.s32 v4, v8  }
0x2d: {  	v6 =	vld [tilespmem:s16+$0x1A00];
	v4 =	vadd.s32 v4, v9  }
0x2e: {  	v7 =	vld [tilespmem:s16+$0x1B00];
	v4 =	vadd.s32 v4, v10  }
0x2f: {  	v8 =	vld [tilespmem:s16+$0x1C00];
	v4 =	vadd.s32 v4, v11  }
0x30: {  	v9 =	vld [tilespmem:s16+$0x1D00];
	v4 =	vadd.s32 v4, v12  }
0x31: {  	s15 =	simm.s32 $0x10;
	v10 =	vld [tilespmem:s16+$0x1E00];
	v4 =	vadd.s32 v4, v5  }
0x32: {  	s17 =	sand.u32 $0xF0, s15;
	v11 =	vld [tilespmem:s16+$0x1F00];
	v4 =	vadd.s32 v4, v6  }
0x33: {  	v12 =	vld [tilespmem:s17+$0x1000];
	v4 =	vadd.s32 v4, v7  }
0x34: {  	v5 =	vld [tilespmem:s17+$0x1100];
	v4 =	vadd.s32 v4, v8  }
0x35: {  	v6 =	vld [tilespmem:s17+$0x1200];
	v4 =	vadd.s32 v4, v9  }
0x36: {  	v7 =	vld [tilespmem:s17+$0x1300];
	v4 =	vadd.s32 v4, v10  }
0x37: {  	v8 =	vld [tilespmem:s17+$0x1400];
	v4 =	vadd.s32 v4, v11  }
0x38: {  	v9 =	vld [tilespmem:s17+$0x1500];
	(xrf0) =	vadd.scan.msk.s32 $0xffff, v4  }
0x39: {  	v10 =	vld [tilespmem:s17+$0x1600];
	v5 =	vadd.s32 v12, v5  }
0x3a: {  	v11 =	vld [tilespmem:s17+$0x1700];
	v5 =	vadd.s32 v5, v6  }
0x3b: {  	v12 =	vld [tilespmem:s17+$0x1800];
	v5 =	vadd.s32 v5, v7  }
0x3c: {  	v6 =	vld [tilespmem:s17+$0x1900];
	v5 =	vadd.s32 v5, v8  }
0x3d: {  	v13 =	vld [tilespmem:s17+$0x1A00];
	v5 =	vadd.s32 v5, v9  }
0x3e: {  	v14 =	vld [tilespmem:s17+$0x1B00];
	v7 =	vimm.s32 $0x0;
	v5 =	vadd.s32 v5, v10;
	v8, _, _ =	vpop (xrf0)  }
0x3f: {  	v9 =	vld [tilespmem:s17+$0x1C00];
	v5 =	vadd.s32 v5, v11;
	v10 =	vadd.s32 v7, v8  }
0x40: {  	v15 =	vld [tilespmem:s17+$0x1D00];
	v5 =	vadd.s32 v5, v12;
	vm0 =	vgt.s32 v10, $0x3F  }
0x41: {  	v16 =	vld [tilespmem:s17+$0x1E00];
	s16 =	simm.s32 $0x20;
	v5 =	vadd.s32 v5, v6;
	v11 =	vmpcnt.ones.xlane vm0  }
0x42: {  	v17 =	vld [tilespmem:s17+$0x1F00];
	s18 =	sand.u32 $0xF0, s16;
	v5 =	vadd.s32 v5, v13;
	v4 =	vsub.s32 v10, v4;
	v18 =	vmctz.xlane vm0  }
0x43: {  	v6 =	vld [tilespmem:s18+$0x1000];
	v5 =	vadd.s32 v5, v14;
	vm0 =	veq.s32 v7, $0x0;
	vm1 =	vgt.s32 v11, $0x0  }
0x44: {  	v13 =	vld [tilespmem:s18+$0x1100];
	v5 =	vadd.s32 v5, v9;
	vm0 =	vmand vm0, vm1;
	vm1 =	veq.s32 v18, v0  }
0x45: {  	v14 =	vld [tilespmem:s18+$0x1200];
	v5 =	vadd.s32 v5, v15;
	v9 =	vnsel vm1, $0x0, v4  }
0x46: {  	v10 =	vld [tilespmem:s18+$0x1300];
	v5 =	vadd.s32 v5, v16;
	(xrf0) =	vadd.scan.msk.s32 $0xffff, v9  }
0x47: {  	v11 =	vld [tilespmem:s18+$0x1400];
	v9 =	vadd.s32 v5, v17  }
0x48: {  	v12 =	vld [tilespmem:s18+$0x1500];
	(xrf0) =	vadd.scan.msk.s32 $0xffff, v9  }
0x49: {  	v15 =	vadd.s32 s14, v18;
	v6 =	vadd.s32 v6, v13;
	v13 =	vld [tilespmem:s18+$0x1600];
	v4 =	vsel vm0, $0x1, v7  }
0x4a: {  	s19 =	simm.s32 $0x40;
	s17 =	simm.s32 $0x30;
	v5 =	vsel vm0, v15, v7;
	v15 =	vadd.s32 v6, v14;
	v14 =	vld [tilespmem:s18+$0x1700];
	v6 =	vimm.s32 $0x0  }
.LBB2_7:
0x4b: {  	p0 =	sne.s32 s19, $0xF0;
	v10 =	vadd.s32 v15, v10;
	v15 =	vld [tilespmem:s18+$0x1800]  }
0x4c: {  	v16 =	vbroadcast v8, $0xF;
	v10 =	vadd.s32 v10, v11;
	v11 =	vld [tilespmem:s18+$0x1900];
	v8, _, _ =	vpop (xrf0)  }
0x4d: {  	v10 =	vadd.s32 v10, v12;
	v12 =	vld [tilespmem:s18+$0x1A00];
	v17 =	vbroadcast v8, $0xF  }
0x4e: {  	v7 =	vadd.s32 v7, v16;
	v10 =	vadd.s32 v10, v13;
	v13 =	vld [tilespmem:s18+$0x1B00];
	v8, _, _ =	vpop (xrf0)  }
0x4f: {  	v10 =	vadd.s32 v10, v14;
	v14 =	vld [tilespmem:s18+$0x1C00];
	v16 =	vadd.s32 v7, v8;
	v6 =	vsel vm0, v17, v6  }
0x50: {  	v10 =	vadd.s32 v10, v15;
	v15 =	vld [tilespmem:s18+$0x1D00];
	vm0 =	vgt.s32 v16, $0x3F;
	v9 =	vsub.s32 v16, v9  }
0x51: {  	v10 =	vadd.s32 v10, v11;
	v11 =	vld [tilespmem:s18+$0x1E00];
	v16 =	vmpcnt.ones.xlane vm0;
	v17 =	vmctz.xlane vm0  }
0x52: {  	v10 =	vadd.s32 v10, v12;
	v12 =	vld [tilespmem:s18+$0x1F00];
	s18 =	sand.u32 $0xF0, s17  }
0x53: {  	vm0 =	veq.s32 v4, $0x0;
	v18 =	vld [tilespmem:s18+$0x1000];
	v10 =	vadd.s32 v10, v13;
	vm1 =	vgt.s32 v16, $0x0  }
0x54: {  	v13 =	vld [tilespmem:s18+$0x1100];
	v10 =	vadd.s32 v10, v14;
	vm0 =	vmand vm0, vm1;
	vm1 =	veq.s32 v17, v0  }
0x55: {  	v14 =	vld [tilespmem:s18+$0x1200];
	v15 =	vadd.s32 v10, v15;
	v9 =	vnsel vm1, $0x0, v9;
	v4 =	vsel vm0, $0x1, v4  }
.Ltmp2:
0x56: {  	v16 =	vadd.s32 s15, v17;
	s15 =	smov.u32 s16;
	s16 =	smov.u32 s17;
	v10 =	vld [tilespmem:s18+$0x1300];
	v15 =	vadd.s32 v15, v11;
	(xrf0) =	vadd.scan.msk.s32 $0xffff, v9;
	(pc) =	sbr.rel @p0 .LBB2_7-.Ltmp2, $4  }
0x57: {  	s17 =	smov.u32 s19;
	v5 =	vsel vm0, v16, v5;
	v11 =	vld [tilespmem:s18+$0x1400];
	v9 =	vadd.s32 v15, v12  }
0x58: {  	v12 =	vld [tilespmem:s18+$0x1500];
	(xrf0) =	vadd.scan.msk.s32 $0xffff, v9  }
0x59: {  	v15 =	vadd.s32 v18, v13;
	v13 =	vld [tilespmem:s18+$0x1600]  }
0x5a: {  	s19 =	sadd.s32 $0x10, s19;
	v15 =	vadd.s32 v15, v14;
	v14 =	vld [tilespmem:s18+$0x1700]  }
0x5b: {  	v16 =	vld [tilespmem:s18+$0x1800]  }
0x5c: {  	v17 =	vld [tilespmem:s18+$0x1900]  }
0x5d: {  	v10 =	vadd.s32 v15, v10;
	v23 =	vld [tilespmem:s18+$0x1A00]  }
0x5e: {  	v24 =	vld [tilespmem:s18+$0x1B00];
	v10 =	vadd.s32 v10, v11  }
0x5f: {  	v25 =	vld [tilespmem:s18+$0x1C00];
	v10 =	vadd.s32 v10, v12  }
0x60: {  	v8 =	vbroadcast v8, $0xF;
	v26 =	vld [tilespmem:s18+$0x1D00];
	v10 =	vadd.s32 v10, v13  }
0x61: {  	v27 =	vld [tilespmem:s18+$0x1E00];
	v18, _, _ =	vpop (xrf0);
	v10 =	vadd.s32 v10, v14  }
0x62: {  	s19 =	sand.u32 $0xF0, s17;
	v29 =	vld [tilespmem:s18+$0x1F00];
	v7 =	vadd.s32 v7, v8;
	v19, _, _ =	vpop (xrf0);
	v28 =	vadd.s32 v10, v16  }
0x63: {  	v31 =	vld [tilespmem:s19+$0x1000];
	v30 =	vadd.s32 v7, v19;
	v8 =	vadd.s32 v28, v17  }
0x64: {  	v32 =	vld [tilespmem:s19+$0x1100];
	vm1 =	vgt.s32 v30, $0x3F;
	v8 =	vadd.s32 v8, v23  }
0x65: {  	v33 =	vld [tilespmem:s19+$0x1200];
	v20 =	vmctz.xlane vm1;
	v8 =	vadd.s32 v8, v24  }
0x66: {  	v34 =	vld [tilespmem:s19+$0x1300];
	v8 =	vadd.s32 v8, v25  }
0x67: {  	v35 =	vld [tilespmem:s19+$0x1400];
	v9 =	vsub.s32 v30, v9;
	vm2 =	veq.s32 v20, v0;
	v8 =	vadd.s32 v8, v26  }
0x68: {  	v36 =	vld [tilespmem:s19+$0x1500];
	v9 =	vnsel vm2, $0x0, v9;
	v8 =	vadd.s32 v8, v27  }
0x69: {  	v38 =	vld [tilespmem:s19+$0x1600];
	v37 =	vadd.s32 v31, v32;
	(xrf0) =	vadd.scan.msk.s32 $0xffff, v9;
	v8 =	vadd.s32 v8, v29  }
0x6a: {  	v39 =	vld [tilespmem:s19+$0x1700];
	v9 =	vadd.s32 v37, v33;
	(xrf0) =	vadd.scan.msk.s32 $0xffff, v8  }
0x6b: {  	v40 =	vld [tilespmem:s19+$0x1800];
	v9 =	vadd.s32 v9, v34  }
0x6c: {  	v41 =	vld [tilespmem:s19+$0x1900];
	v9 =	vadd.s32 v9, v35  }
0x6d: {  	v42 =	vld [tilespmem:s19+$0x1A00];
	v9 =	vadd.s32 v9, v36  }
0x6e: {  	v44 =	vld [tilespmem:s19+$0x1B00];
	v43 =	vbroadcast v19, $0xF;
	v9 =	vadd.s32 v9, v38  }
0x6f: {  	v46 =	vld [tilespmem:s19+$0x1C00];
	v9 =	vadd.s32 v9, v39;
	v45, _, _ =	vpop (xrf0)  }
0x70: {  	v48 =	vld [tilespmem:s19+$0x1D00];
	v7 =	vadd.s32 v7, v43;
	v9 =	vadd.s32 v9, v40;
	v47, _, _ =	vpop (xrf0)  }
0x71: {  	v49 =	vld [tilespmem:s19+$0x1E00];
	v9 =	vadd.s32 v9, v41;
	v15 =	vadd.s32 v7, v47  }
0x72: {  	v50 =	vld [tilespmem:s19+$0x1F00];
	v9 =	vadd.s32 v9, v42;
	vm15 =	vgt.s32 v15, $0x3F  }
0x73: {  	v9 =	vadd.s32 v9, v44;
	v51 =	vmctz.xlane vm15  }
0x74: {  	v9 =	vadd.s32 v9, v46  }
0x75: {  	v8 =	vsub.s32 v15, v8;
	v9 =	vadd.s32 v9, v48;
	vm3 =	veq.s32 v51, v0  }
0x76: {  	v9 =	vadd.s32 v9, v49;
	v8 =	vnsel vm3, $0x0, v8  }
0x77: {  	v52 =	vadd.s32 v9, v50;
	(xrf0) =	vadd.scan.msk.s32 $0xffff, v8  }
0x78: {  	(xrf0) =	vadd.scan.msk.s32 $0xffff, v52;
	_ =	sdelay $0x3  }
0x79: {  	v53 =	vbroadcast v47, $0xF  }
0x7a: {  	v54, _, _ =	vpop (xrf0)  }
0x7b: {  	v7 =	vadd.s32 v7, v53;
	v55, _, _ =	vpop (xrf0)  }
0x7c: {  	v7 =	vadd.s32 v7, v55  }
0x7d: {  	vm8 =	vgt.s32 v7, $0x3F  }
0x7e: {  	v56 =	vmctz.xlane vm8;
	_ =	sdelay $0x1  }
0x7f: {  	v57 =	vmpcnt.ones.xlane vm1;
	v7 =	vsub.s32 v7, v52;
	vm9 =	veq.s32 v56, v0  }
0x80: {  	v7 =	vnsel vm9, $0x0, v7  }
0x81: {  	vm10 =	veq.s32 v4, $0x0;
	vm4 =	vgt.s32 v57, $0x0;
	(xrf0) =	vadd.scan.msk.s32 $0xffff, v7  }
0x82: {  	v59 =	vadd.s32 s15, v20;
	vm1 =	vmand vm10, vm4  }
0x83: {  	v4 =	vsel vm1, $0x1, v4;
	v58 =	vmpcnt.ones.xlane vm15;
	v61 =	vmpcnt.ones.xlane vm8  }
0x84: {  	v5 =	vsel vm1, v59, v5;
	vm11 =	veq.s32 v4, $0x0;
	v7 =	vbroadcast v18, $0xF  }
0x85: {  	v60 =	vbroadcast v45, $0xF;
	vm12 =	vgt.s32 v58, $0x0;
	vm14 =	vgt.s32 v61, $0x0  }
0x86: {  	v6 =	vsel vm0, v7, v6;
	vm0 =	vmand vm11, vm12;
	v7 =	vadd.s32 s16, v51  }
0x87: {  	v4 =	vsel vm0, $0x1, v4;
	v5 =	vsel vm0, v7, v5;
	v7 =	vbroadcast v54, $0xF;
	v62, _, _ =	vpop (xrf0)  }
0x88: {  	v6 =	vsel vm1, v60, v6;
	vm13 =	veq.s32 v4, $0x0;
	v63 =	vbroadcast v62, $0xF  }
0x89: {  	v4 =	vadd.s32 s17, v56;
	v6 =	vsel vm0, v7, v6;
	vm15 =	vmand vm13, vm14  }
0x8a: {  	v4 =	vsel vm15, v4, v5;
	v5 =	vsel vm15, v63, v6  }
.LBB2_9:
0x8b: {  	p0 =	sne.s32 s14, $0x3FC0  }
.Ltmp3:
0x8c: {  	_ = 	snop;
	(pc) =	sbr.rel @p0 .LBB2_9-.Ltmp3, $3  }
0x8d: {  	_ =	sdelay $0x1  }
0x8e: {  	s15 =	sshra.s32 s14, $0x2  }
0x8f: {  	s14 =	sadd.s32 $0x40, s14;
	[tilespmem:s15+$0x1000] =	vst v1  }
0x90: {  	s15 =	simm.s32 $0x0;
	s14 =	simm.s32 $0x40  }
.LBB2_11:
0x91: {  	p0 =	sne.s32 s14, $0x3FC0;
	v6 =	vld [tilespmem:s15+$0x0];
	_ =	sdelay $0x4  }
0x92: {  	v6 =	vmax.f32 v6, $0.0e+00  }
0x93: {  	v7 =	vshrl.u32 v6, $0xF;
	v6 =	vshrl.u32 v6, $0x17  }
0x94: {  	vm0 =	veq.s32 v6, v4;
	v6 =	vand.u32 $0xFF, v7  }
0x95: {  	v6 =	vor.u32 v2, v6  }
.Ltmp4:
0x96: {  	(pc) =	sbr.rel @p0 .LBB2_11-.Ltmp4, $2  }
0x97: {  	_ =	sdelay $0x2  }
0x98: {  	s15 =	sshra.s32 s14, $0x2;
	s14 =	sadd.s32 $0x40, s14;
	[tilespmem:v6+s10+$0x0] =	vst.idx.add.s32.msk vm0, v3  }
0x99: {  	v6 =	vld [tilespmem:s15+$0x0];
	_ =	sdelay $0x4  }
0x9a: {  	v6 =	vmax.f32 v6, $0.0e+00  }
0x9b: {  	v7 =	vshrl.u32 v6, $0xF;
	v6 =	vshrl.u32 v6, $0x17  }
0x9c: {  	vm0 =	veq.s32 v6, v4;
	v6 =	vand.u32 $0xFF, v7  }
0x9d: {  	v6 =	vor.u32 v2, v6;
	_ =	sdelay $0x3  }
0x9e: {  	s16 =	simm.s32 $0x0  }
0x9f: {  	s31 =	sand.u32 $0xF0, s16;
	[tilespmem:v6+s10+$0x0] =	vst.idx.add.s32.msk vm0, v3  }
0xa0: {  	v6 =	vld [tilespmem:s31+$0x1000]  }
0xa1: {  	v7 =	vld [tilespmem:s31+$0x1100]  }
0xa2: {  	v8 =	vld [tilespmem:s31+$0x1200]  }
0xa3: {  	v9 =	vld [tilespmem:s31+$0x1300]  }
0xa4: {  	v10 =	vld [tilespmem:s31+$0x1400]  }
0xa5: {  	v11 =	vld [tilespmem:s31+$0x1500]  }
0xa6: {  	v12 =	vld [tilespmem:s31+$0x1600];
	v6 =	vadd.s32 v6, v7  }
0xa7: {  	v13 =	vld [tilespmem:s31+$0x1700];
	v6 =	vadd.s32 v6, v8  }
0xa8: {  	v14 =	vld [tilespmem:s31+$0x1800];
	v6 =	vadd.s32 v6, v9  }
0xa9: {  	v7 =	vld [tilespmem:s31+$0x1900];
	v6 =	vadd.s32 v6, v10  }
0xaa: {  	v8 =	vld [tilespmem:s31+$0x1A00];
	v6 =	vadd.s32 v6, v11  }
0xab: {  	v9 =	vld [tilespmem:s31+$0x1B00];
	v6 =	vadd.s32 v6, v12  }
0xac: {  	v10 =	vld [tilespmem:s31+$0x1C00];
	v6 =	vadd.s32 v6, v13  }
0xad: {  	v11 =	vld [tilespmem:s31+$0x1D00];
	v6 =	vadd.s32 v6, v14  }
0xae: {  	s14 =	simm.s32 $0x10;
	v12 =	vld [tilespmem:s31+$0x1E00];
	v6 =	vadd.s32 v6, v7  }
0xaf: {  	s18 =	sand.u32 $0xF0, s14;
	v13 =	vld [tilespmem:s31+$0x1F00];
	v6 =	vadd.s32 v6, v8  }
0xb0: {  	v14 =	vld [tilespmem:s18+$0x1000];
	v6 =	vadd.s32 v6, v9  }
0xb1: {  	v7 =	vld [tilespmem:s18+$0x1100];
	v6 =	vadd.s32 v6, v10  }
0xb2: {  	v8 =	vld [tilespmem:s18+$0x1200];
	v6 =	vadd.s32 v6, v11  }
0xb3: {  	v9 =	vld [tilespmem:s18+$0x1300];
	v6 =	vadd.s32 v6, v12  }
0xb4: {  	v10 =	vld [tilespmem:s18+$0x1400];
	v6 =	vadd.s32 v6, v13  }
0xb5: {  	v11 =	vld [tilespmem:s18+$0x1500];
	(xrf0) =	vadd.scan.msk.s32 $0xffff, v6  }
0xb6: {  	v12 =	vld [tilespmem:s18+$0x1600];
	v7 =	vadd.s32 v14, v7  }
0xb7: {  	v13 =	vld [tilespmem:s18+$0x1700];
	v7 =	vadd.s32 v7, v8  }
0xb8: {  	v14 =	vld [tilespmem:s18+$0x1800];
	v7 =	vadd.s32 v7, v9  }
0xb9: {  	v8 =	vld [tilespmem:s18+$0x1900];
	v7 =	vadd.s32 v7, v10  }
0xba: {  	v15 =	vld [tilespmem:s18+$0x1A00];
	v7 =	vadd.s32 v7, v11  }
0xbb: {  	v16 =	vld [tilespmem:s18+$0x1B00];
	v9 =	vimm.s32 $0x0;
	v7 =	vadd.s32 v7, v12;
	v10, _, _ =	vpop (xrf0)  }
0xbc: {  	v5 =	vsub.s32 $0x40, v5;
	v11 =	vld [tilespmem:s18+$0x1C00];
	v7 =	vadd.s32 v7, v13;
	v12 =	vadd.s32 v9, v10  }
0xbd: {  	v17 =	vld [tilespmem:s18+$0x1D00];
	v7 =	vadd.s32 v7, v14;
	vm0 =	vge.s32 v12, v5  }
0xbe: {  	s15 =	simm.s32 $0x20;
	v18 =	vld [tilespmem:s18+$0x1E00];
	v7 =	vadd.s32 v7, v8;
	v13 =	vmpcnt.ones.xlane vm0  }
0xbf: {  	s17 =	sand.u32 $0xF0, s15;
	v19 =	vld [tilespmem:s18+$0x1F00];
	v7 =	vadd.s32 v7, v15;
	v6 =	vsub.s32 v12, v6;
	v20 =	vmctz.xlane vm0  }
0xc0: {  	v8 =	vld [tilespmem:s17+$0x1000];
	v7 =	vadd.s32 v7, v16;
	vm0 =	veq.s32 v9, $0x0;
	vm1 =	vgt.s32 v13, $0x0  }
0xc1: {  	v15 =	vld [tilespmem:s17+$0x1100];
	v7 =	vadd.s32 v7, v11;
	vm0 =	vmand vm0, vm1;
	vm1 =	veq.s32 v20, v0  }
0xc2: {  	v16 =	vld [tilespmem:s17+$0x1200];
	v7 =	vadd.s32 v7, v17;
	v11 =	vnsel vm1, $0x0, v6  }
0xc3: {  	v12 =	vld [tilespmem:s17+$0x1300];
	v7 =	vadd.s32 v7, v18;
	(xrf0) =	vadd.scan.msk.s32 $0xffff, v11  }
0xc4: {  	v13 =	vld [tilespmem:s17+$0x1400];
	v11 =	vadd.s32 v7, v19  }
0xc5: {  	v14 =	vld [tilespmem:s17+$0x1500];
	(xrf0) =	vadd.scan.msk.s32 $0xffff, v11  }
0xc6: {  	v17 =	vadd.s32 s16, v20;
	v8 =	vadd.s32 v8, v15;
	v15 =	vld [tilespmem:s17+$0x1600];
	v6 =	vsel vm0, $0x1, v9  }
0xc7: {  	s18 =	simm.s32 $0x40;
	s16 =	simm.s32 $0x30;
	v7 =	vsel vm0, v17, v9;
	v17 =	vadd.s32 v8, v16;
	v16 =	vld [tilespmem:s17+$0x1700];
	v8 =	vimm.s32 $0x0  }
.LBB2_13:
0xc8: {  	p0 =	sne.s32 s18, $0xF0;
	v12 =	vadd.s32 v17, v12;
	v17 =	vld [tilespmem:s17+$0x1800]  }
0xc9: {  	v18 =	vbroadcast v10, $0xF;
	v12 =	vadd.s32 v12, v13;
	v13 =	vld [tilespmem:s17+$0x1900];
	v10, _, _ =	vpop (xrf0)  }
0xca: {  	v12 =	vadd.s32 v12, v14;
	v14 =	vld [tilespmem:s17+$0x1A00];
	v19 =	vbroadcast v10, $0xF  }
0xcb: {  	v9 =	vadd.s32 v9, v18;
	v12 =	vadd.s32 v12, v15;
	v15 =	vld [tilespmem:s17+$0x1B00];
	v10, _, _ =	vpop (xrf0)  }
0xcc: {  	v12 =	vadd.s32 v12, v16;
	v16 =	vld [tilespmem:s17+$0x1C00];
	v18 =	vadd.s32 v9, v10;
	v8 =	vsel vm0, v19, v8  }
0xcd: {  	v12 =	vadd.s32 v12, v17;
	v17 =	vld [tilespmem:s17+$0x1D00];
	vm0 =	vge.s32 v18, v5;
	v11 =	vsub.s32 v18, v11  }
0xce: {  	v12 =	vadd.s32 v12, v13;
	v13 =	vld [tilespmem:s17+$0x1E00];
	v18 =	vmpcnt.ones.xlane vm0;
	v19 =	vmctz.xlane vm0  }
0xcf: {  	v12 =	vadd.s32 v12, v14;
	v14 =	vld [tilespmem:s17+$0x1F00];
	s17 =	sand.u32 $0xF0, s16  }
0xd0: {  	vm0 =	veq.s32 v6, $0x0;
	v20 =	vld [tilespmem:s17+$0x1000];
	v12 =	vadd.s32 v12, v15;
	vm1 =	vgt.s32 v18, $0x0  }
0xd1: {  	v15 =	vld [tilespmem:s17+$0x1100];
	v12 =	vadd.s32 v12, v16;
	vm0 =	vmand vm0, vm1;
	vm1 =	veq.s32 v19, v0  }
0xd2: {  	v16 =	vld [tilespmem:s17+$0x1200];
	v17 =	vadd.s32 v12, v17;
	v11 =	vnsel vm1, $0x0, v11;
	v6 =	vsel vm0, $0x1, v6  }
.Ltmp5:
0xd3: {  	v18 =	vadd.s32 s14, v19;
	s14 =	smov.u32 s15;
	s15 =	smov.u32 s16;
	v12 =	vld [tilespmem:s17+$0x1300];
	v17 =	vadd.s32 v17, v13;
	(xrf0) =	vadd.scan.msk.s32 $0xffff, v11;
	(pc) =	sbr.rel @p0 .LBB2_13-.Ltmp5, $4  }
0xd4: {  	s16 =	smov.u32 s18;
	v7 =	vsel vm0, v18, v7;
	v13 =	vld [tilespmem:s17+$0x1400];
	v11 =	vadd.s32 v17, v14  }
0xd5: {  	v14 =	vld [tilespmem:s17+$0x1500];
	(xrf0) =	vadd.scan.msk.s32 $0xffff, v11  }
0xd6: {  	v17 =	vadd.s32 v20, v15;
	v15 =	vld [tilespmem:s17+$0x1600]  }
0xd7: {  	s18 =	sadd.s32 $0x10, s18;
	v17 =	vadd.s32 v17, v16;
	v16 =	vld [tilespmem:s17+$0x1700]  }
0xd8: {  	v18 =	vld [tilespmem:s17+$0x1800]  }
0xd9: {  	v19 =	vld [tilespmem:s17+$0x1900]  }
0xda: {  	v12 =	vadd.s32 v17, v12;
	v60 =	vld [tilespmem:s17+$0x1A00]  }
0xdb: {  	v61 =	vld [tilespmem:s17+$0x1B00];
	v12 =	vadd.s32 v12, v13  }
0xdc: {  	v62 =	vld [tilespmem:s17+$0x1C00];
	v12 =	vadd.s32 v12, v14  }
0xdd: {  	v10 =	vbroadcast v10, $0xF;
	v63 =	vld [tilespmem:s17+$0x1D00];
	v12 =	vadd.s32 v12, v15  }
0xde: {  	v24 =	vld [tilespmem:s17+$0x1E00];
	v20, _, _ =	vpop (xrf0);
	v12 =	vadd.s32 v12, v16  }
0xdf: {  	s18 =	sand.u32 $0xF0, s16;
	v26 =	vld [tilespmem:s17+$0x1F00];
	v9 =	vadd.s32 v9, v10;
	v21, _, _ =	vpop (xrf0);
	v25 =	vadd.s32 v12, v18  }
0xe0: {  	v28 =	vld [tilespmem:s18+$0x1000];
	v27 =	vadd.s32 v9, v21;
	v10 =	vadd.s32 v25, v19  }
0xe1: {  	v29 =	vld [tilespmem:s18+$0x1100];
	vm1 =	vge.s32 v27, v5;
	v10 =	vadd.s32 v10, v60  }
0xe2: {  	v30 =	vld [tilespmem:s18+$0x1200];
	v22 =	vmctz.xlane vm1;
	v10 =	vadd.s32 v10, v61  }
0xe3: {  	v31 =	vld [tilespmem:s18+$0x1300];
	v10 =	vadd.s32 v10, v62  }
0xe4: {  	v32 =	vld [tilespmem:s18+$0x1400];
	v11 =	vsub.s32 v27, v11;
	vm2 =	veq.s32 v22, v0;
	v10 =	vadd.s32 v10, v63  }
0xe5: {  	v33 =	vld [tilespmem:s18+$0x1500];
	v11 =	vnsel vm2, $0x0, v11;
	v10 =	vadd.s32 v10, v24  }
0xe6: {  	v35 =	vld [tilespmem:s18+$0x1600];
	v34 =	vadd.s32 v28, v29;
	(xrf0) =	vadd.scan.msk.s32 $0xffff, v11;
	v10 =	vadd.s32 v10, v26  }
0xe7: {  	v36 =	vld [tilespmem:s18+$0x1700];
	v11 =	vadd.s32 v34, v30;
	(xrf0) =	vadd.scan.msk.s32 $0xffff, v10  }
0xe8: {  	v37 =	vld [tilespmem:s18+$0x1800];
	v11 =	vadd.s32 v11, v31  }
0xe9: {  	v38 =	vld [tilespmem:s18+$0x1900];
	v11 =	vadd.s32 v11, v32  }
0xea: {  	v39 =	vld [tilespmem:s18+$0x1A00];
	v11 =	vadd.s32 v11, v33  }
0xeb: {  	v41 =	vld [tilespmem:s18+$0x1B00];
	v40 =	vbroadcast v21, $0xF;
	v11 =	vadd.s32 v11, v35  }
0xec: {  	v43 =	vld [tilespmem:s18+$0x1C00];
	v11 =	vadd.s32 v11, v36;
	v42, _, _ =	vpop (xrf0)  }
0xed: {  	v45 =	vld [tilespmem:s18+$0x1D00];
	v9 =	vadd.s32 v9, v40;
	v11 =	vadd.s32 v11, v37;
	v44, _, _ =	vpop (xrf0)  }
0xee: {  	v46 =	vld [tilespmem:s18+$0x1E00];
	v11 =	vadd.s32 v11, v38;
	v17 =	vadd.s32 v9, v44  }
0xef: {  	v47 =	vld [tilespmem:s18+$0x1F00];
	v11 =	vadd.s32 v11, v39;
	vm15 =	vge.s32 v17, v5  }
0xf0: {  	v11 =	vadd.s32 v11, v41;
	v48 =	vmctz.xlane vm15  }
0xf1: {  	v11 =	vadd.s32 v11, v43  }
0xf2: {  	v10 =	vsub.s32 v17, v10;
	v11 =	vadd.s32 v11, v45;
	vm3 =	veq.s32 v48, v0  }
0xf3: {  	v11 =	vadd.s32 v11, v46;
	v10 =	vnsel vm3, $0x0, v10  }
0xf4: {  	v49 =	vadd.s32 v11, v47;
	(xrf0) =	vadd.scan.msk.s32 $0xffff, v10  }
0xf5: {  	(xrf0) =	vadd.scan.msk.s32 $0xffff, v49;
	_ =	sdelay $0x3  }
0xf6: {  	v50 =	vbroadcast v44, $0xF  }
0xf7: {  	v51, _, _ =	vpop (xrf0)  }
0xf8: {  	v9 =	vadd.s32 v9, v50;
	v52, _, _ =	vpop (xrf0)  }
0xf9: {  	v9 =	vadd.s32 v9, v52  }
0xfa: {  	vm8 =	vge.s32 v9, v5  }
0xfb: {  	v53 =	vmctz.xlane vm8;
	_ =	sdelay $0x1  }
0xfc: {  	v9 =	vsub.s32 v9, v49;
	vm9 =	veq.s32 v53, v0  }
0xfd: {  	v54 =	vmpcnt.ones.xlane vm1;
	v9 =	vnsel vm9, $0x0, v9  }
0xfe: {  	vm10 =	veq.s32 v6, $0x0;
	(xrf0) =	vadd.scan.msk.s32 $0xffff, v9  }
0xff: {  	v55 =	vbroadcast v20, $0xF;
	vm4 =	vgt.s32 v54, $0x0;
	v57 =	vadd.s32 s14, v22  }
0x100: {  	vm1 =	vmand vm10, vm4;
	v58 =	vbroadcast v42, $0xF;
	v56 =	vmpcnt.ones.xlane vm15  }
0x101: {  	v8 =	vsel vm0, v55, v8;
	v6 =	vsel vm1, $0x1, v6;
	v7 =	vsel vm1, v57, v7  }
0x102: {  	vm11 =	veq.s32 v6, $0x0;
	v8 =	vsel vm1, v58, v8;
	vm12 =	vgt.s32 v56, $0x0  }
0x103: {  	v59 =	vadd.s32 s15, v48;
	vm0 =	vmand vm11, vm12;
	v60 =	vmpcnt.ones.xlane vm8  }
0x104: {  	v6 =	vsel vm0, $0x1, v6;
	v7 =	vsel vm0, v59, v7;
	v61 =	vbroadcast v51, $0xF;
	v62, _, _ =	vpop (xrf0)  }
0x105: {  	vm13 =	veq.s32 v6, $0x0;
	vm14 =	vgt.s32 v60, $0x0;
	v6 =	vbroadcast v62, $0xF  }
0x106: {  	v8 =	vsel vm0, v61, v8;
	v63 =	vadd.s32 s16, v53;
	vm15 =	vmand vm13, vm14  }
0x107: {  	s14 =	simm.s32 $0x40;
	s15 =	simm.s32 $0x0;
	v7 =	vsel vm15, v63, v7;
	v6 =	vsel vm15, v6, v8  }
.LBB2_15:
0x108: {  	p0 =	sne.s32 s14, $0x3FC0;
	[tilespmem:s15+$0x1000] =	vst v1;
	s15 =	smov.u32 s14;
	s14 =	sadd.s32 $0x40, s14  }
.Ltmp6:
0x109: {  	(pc) =	sbr.rel @p0 .LBB2_15-.Ltmp6, $2  }
0x10a: {  	_ =	sdelay $0x2  }
0x10b: {  	s15 =	sshra.s32 s15, $0x2  }
0x10c: {  	v4 =	vshll.u32 v4, $0x8  }
0x10d: {  	[tilespmem:s15+$0x1000] =	vst v1;
	s15 =	simm.s32 $0x0;
	s14 =	simm.s32 $0x40;
	v4 =	vadd.s32 v4, v7  }
.LBB2_17:
0x10e: {  	p0 =	sne.s32 s14, $0x3FC0;
	v7 =	vld [tilespmem:s15+$0x0];
	_ =	sdelay $0x4  }
0x10f: {  	v7 =	vmax.f32 v7, $0.0e+00  }
0x110: {  	v8 =	vshrl.u32 v7, $0x7;
	v7 =	vshrl.u32 v7, $0xF  }
0x111: {  	vm0 =	veq.s32 v7, v4;
	v7 =	vand.u32 $0xFF, v8  }
0x112: {  	v7 =	vor.u32 v2, v7  }
.Ltmp7:
0x113: {  	(pc) =	sbr.rel @p0 .LBB2_17-.Ltmp7, $2  }
0x114: {  	_ =	sdelay $0x2  }
0x115: {  	s15 =	sshra.s32 s14, $0x2;
	s14 =	sadd.s32 $0x40, s14;
	[tilespmem:v7+s10+$0x0] =	vst.idx.add.s32.msk vm0, v3  }
0x116: {  	v7 =	vld [tilespmem:s15+$0x0];
	_ =	sdelay $0x4  }
0x117: {  	v7 =	vmax.f32 v7, $0.0e+00  }
0x118: {  	v8 =	vshrl.u32 v7, $0x7;
	v7 =	vshrl.u32 v7, $0xF  }
0x119: {  	vm0 =	veq.s32 v7, v4;
	v7 =	vand.u32 $0xFF, v8  }
0x11a: {  	v7 =	vor.u32 v2, v7;
	_ =	sdelay $0x3  }
0x11b: {  	s16 =	simm.s32 $0x0  }
0x11c: {  	s31 =	sand.u32 $0xF0, s16;
	[tilespmem:v7+s10+$0x0] =	vst.idx.add.s32.msk vm0, v3  }
0x11d: {  	v7 =	vld [tilespmem:s31+$0x1000]  }
0x11e: {  	v8 =	vld [tilespmem:s31+$0x1100]  }
0x11f: {  	v9 =	vld [tilespmem:s31+$0x1200]  }
0x120: {  	v10 =	vld [tilespmem:s31+$0x1300]  }
0x121: {  	v11 =	vld [tilespmem:s31+$0x1400]  }
0x122: {  	v12 =	vld [tilespmem:s31+$0x1500]  }
0x123: {  	v13 =	vld [tilespmem:s31+$0x1600];
	v7 =	vadd.s32 v7, v8  }
0x124: {  	v14 =	vld [tilespmem:s31+$0x1700];
	v7 =	vadd.s32 v7, v9  }
0x125: {  	v15 =	vld [tilespmem:s31+$0x1800];
	v7 =	vadd.s32 v7, v10  }
0x126: {  	v8 =	vld [tilespmem:s31+$0x1900];
	v7 =	vadd.s32 v7, v11  }
0x127: {  	v9 =	vld [tilespmem:s31+$0x1A00];
	v7 =	vadd.s32 v7, v12  }
0x128: {  	v10 =	vld [tilespmem:s31+$0x1B00];
	v7 =	vadd.s32 v7, v13  }
0x129: {  	v11 =	vld [tilespmem:s31+$0x1C00];
	v7 =	vadd.s32 v7, v14  }
0x12a: {  	v12 =	vld [tilespmem:s31+$0x1D00];
	v7 =	vadd.s32 v7, v15  }
0x12b: {  	s14 =	simm.s32 $0x10;
	v13 =	vld [tilespmem:s31+$0x1E00];
	v7 =	vadd.s32 v7, v8  }
0x12c: {  	s18 =	sand.u32 $0xF0, s14;
	v14 =	vld [tilespmem:s31+$0x1F00];
	v7 =	vadd.s32 v7, v9  }
0x12d: {  	v15 =	vld [tilespmem:s18+$0x1000];
	v7 =	vadd.s32 v7, v10  }
0x12e: {  	v8 =	vld [tilespmem:s18+$0x1100];
	v7 =	vadd.s32 v7, v11  }
0x12f: {  	v9 =	vld [tilespmem:s18+$0x1200];
	v7 =	vadd.s32 v7, v12  }
0x130: {  	v10 =	vld [tilespmem:s18+$0x1300];
	v7 =	vadd.s32 v7, v13  }
0x131: {  	v11 =	vld [tilespmem:s18+$0x1400];
	v7 =	vadd.s32 v7, v14  }
0x132: {  	v12 =	vld [tilespmem:s18+$0x1500];
	(xrf0) =	vadd.scan.msk.s32 $0xffff, v7  }
0x133: {  	v13 =	vld [tilespmem:s18+$0x1600];
	v8 =	vadd.s32 v15, v8  }
0x134: {  	v14 =	vld [tilespmem:s18+$0x1700];
	v8 =	vadd.s32 v8, v9  }
0x135: {  	v15 =	vld [tilespmem:s18+$0x1800];
	v8 =	vadd.s32 v8, v10  }
0x136: {  	v16 =	vld [tilespmem:s18+$0x1900];
	v8 =	vadd.s32 v8, v11  }
0x137: {  	v17 =	vld [tilespmem:s18+$0x1A00];
	v8 =	vadd.s32 v8, v12  }
0x138: {  	v9 =	vimm.s32 $0x0;
	v11 =	vld [tilespmem:s18+$0x1B00];
	v8 =	vadd.s32 v8, v13;
	v10, _, _ =	vpop (xrf0)  }
0x139: {  	v5 =	vsub.s32 v5, v6;
	v12 =	vld [tilespmem:s18+$0x1C00];
	v8 =	vadd.s32 v8, v14;
	v6 =	vadd.s32 v9, v10  }
0x13a: {  	v13 =	vld [tilespmem:s18+$0x1D00];
	v8 =	vadd.s32 v8, v15;
	vm0 =	vge.s32 v6, v5  }
0x13b: {  	s15 =	simm.s32 $0x20;
	v14 =	vld [tilespmem:s18+$0x1E00];
	v8 =	vadd.s32 v8, v16;
	v18 =	vmpcnt.ones.xlane vm0  }
0x13c: {  	s17 =	sand.u32 $0xF0, s15;
	v15 =	vld [tilespmem:s18+$0x1F00];
	v8 =	vadd.s32 v8, v17;
	v6 =	vsub.s32 v6, v7;
	v7 =	vmctz.xlane vm0  }
0x13d: {  	v16 =	vld [tilespmem:s17+$0x1000];
	v8 =	vadd.s32 v8, v11;
	vm0 =	veq.s32 v9, $0x0;
	vm1 =	vgt.s32 v18, $0x0  }
0x13e: {  	v17 =	vld [tilespmem:s17+$0x1100];
	v8 =	vadd.s32 v8, v12;
	vm0 =	vmand vm0, vm1;
	vm1 =	veq.s32 v7, v0  }
0x13f: {  	v19 =	vld [tilespmem:s17+$0x1200];
	v8 =	vadd.s32 v8, v13;
	v11 =	vnsel vm1, $0x0, v6  }
0x140: {  	v12 =	vld [tilespmem:s17+$0x1300];
	v8 =	vadd.s32 v8, v14;
	(xrf0) =	vadd.scan.msk.s32 $0xffff, v11  }
0x141: {  	v13 =	vld [tilespmem:s17+$0x1400];
	v11 =	vadd.s32 v8, v15  }
0x142: {  	v14 =	vld [tilespmem:s17+$0x1500];
	(xrf0) =	vadd.scan.msk.s32 $0xffff, v11  }
0x143: {  	v7 =	vadd.s32 s16, v7;
	v6 =	vsel vm0, $0x1, v9;
	v8 =	vadd.s32 v16, v17;
	v15 =	vld [tilespmem:s17+$0x1600]  }
0x144: {  	s18 =	simm.s32 $0x40;
	s16 =	simm.s32 $0x30;
	v7 =	vsel vm0, v7, v9;
	v16 =	vld [tilespmem:s17+$0x1700];
	v17 =	vadd.s32 v8, v19;
	v8 =	vimm.s32 $0x0  }
.LBB2_19:
0x145: {  	p0 =	sne.s32 s18, $0xF0;
	v12 =	vadd.s32 v17, v12;
	v17 =	vld [tilespmem:s17+$0x1800]  }
0x146: {  	v18 =	vbroadcast v10, $0xF;
	v12 =	vadd.s32 v12, v13;
	v13 =	vld [tilespmem:s17+$0x1900];
	v10, _, _ =	vpop (xrf0)  }
0x147: {  	v12 =	vadd.s32 v12, v14;
	v14 =	vld [tilespmem:s17+$0x1A00];
	v19 =	vbroadcast v10, $0xF  }
0x148: {  	v9 =	vadd.s32 v9, v18;
	v12 =	vadd.s32 v12, v15;
	v15 =	vld [tilespmem:s17+$0x1B00];
	v10, _, _ =	vpop (xrf0)  }
0x149: {  	v12 =	vadd.s32 v12, v16;
	v16 =	vld [tilespmem:s17+$0x1C00];
	v18 =	vadd.s32 v9, v10;
	v8 =	vsel vm0, v19, v8  }
0x14a: {  	v12 =	vadd.s32 v12, v17;
	v17 =	vld [tilespmem:s17+$0x1D00];
	vm0 =	vge.s32 v18, v5;
	v11 =	vsub.s32 v18, v11  }
0x14b: {  	v12 =	vadd.s32 v12, v13;
	v13 =	vld [tilespmem:s17+$0x1E00];
	v18 =	vmpcnt.ones.xlane vm0;
	v19 =	vmctz.xlane vm0  }
0x14c: {  	v12 =	vadd.s32 v12, v14;
	v14 =	vld [tilespmem:s17+$0x1F00];
	s17 =	sand.u32 $0xF0, s16  }
0x14d: {  	vm0 =	veq.s32 v6, $0x0;
	v20 =	vld [tilespmem:s17+$0x1000];
	v12 =	vadd.s32 v12, v15;
	vm1 =	vgt.s32 v18, $0x0  }
0x14e: {  	v15 =	vld [tilespmem:s17+$0x1100];
	v12 =	vadd.s32 v12, v16;
	vm0 =	vmand vm0, vm1;
	vm1 =	veq.s32 v19, v0  }
0x14f: {  	v16 =	vld [tilespmem:s17+$0x1200];
	v17 =	vadd.s32 v12, v17;
	v11 =	vnsel vm1, $0x0, v11;
	v6 =	vsel vm0, $0x1, v6  }
.Ltmp8:
0x150: {  	v18 =	vadd.s32 s14, v19;
	s14 =	smov.u32 s15;
	s15 =	smov.u32 s16;
	v12 =	vld [tilespmem:s17+$0x1300];
	v17 =	vadd.s32 v17, v13;
	(xrf0) =	vadd.scan.msk.s32 $0xffff, v11;
	(pc) =	sbr.rel @p0 .LBB2_19-.Ltmp8, $4  }
0x151: {  	s16 =	smov.u32 s18;
	v7 =	vsel vm0, v18, v7;
	v13 =	vld [tilespmem:s17+$0x1400];
	v11 =	vadd.s32 v17, v14  }
0x152: {  	v14 =	vld [tilespmem:s17+$0x1500];
	(xrf0) =	vadd.scan.msk.s32 $0xffff, v11  }
0x153: {  	v17 =	vadd.s32 v20, v15;
	v15 =	vld [tilespmem:s17+$0x1600]  }
0x154: {  	s18 =	sadd.s32 $0x10, s18;
	v17 =	vadd.s32 v17, v16;
	v16 =	vld [tilespmem:s17+$0x1700]  }
0x155: {  	v18 =	vld [tilespmem:s17+$0x1800]  }
0x156: {  	v19 =	vld [tilespmem:s17+$0x1900]  }
0x157: {  	v12 =	vadd.s32 v17, v12;
	v31 =	vld [tilespmem:s17+$0x1A00]  }
0x158: {  	v32 =	vld [tilespmem:s17+$0x1B00];
	v12 =	vadd.s32 v12, v13  }
0x159: {  	v33 =	vld [tilespmem:s17+$0x1C00];
	v12 =	vadd.s32 v12, v14  }
0x15a: {  	v10 =	vbroadcast v10, $0xF;
	v34 =	vld [tilespmem:s17+$0x1D00];
	v12 =	vadd.s32 v12, v15  }
0x15b: {  	v35 =	vld [tilespmem:s17+$0x1E00];
	v20, _, _ =	vpop (xrf0);
	v12 =	vadd.s32 v12, v16  }
0x15c: {  	s18 =	sand.u32 $0xF0, s16;
	v36 =	vld [tilespmem:s17+$0x1F00];
	v9 =	vadd.s32 v9, v10;
	v21, _, _ =	vpop (xrf0);
	v10 =	vadd.s32 v12, v18  }
0x15d: {  	v38 =	vld [tilespmem:s18+$0x1000];
	v37 =	vadd.s32 v9, v21;
	v10 =	vadd.s32 v10, v19  }
0x15e: {  	v39 =	vld [tilespmem:s18+$0x1100];
	vm1 =	vge.s32 v37, v5;
	v10 =	vadd.s32 v10, v31  }
0x15f: {  	v40 =	vld [tilespmem:s18+$0x1200];
	v22 =	vmctz.xlane vm1;
	v10 =	vadd.s32 v10, v32  }
0x160: {  	v41 =	vld [tilespmem:s18+$0x1300];
	v10 =	vadd.s32 v10, v33  }
0x161: {  	v42 =	vld [tilespmem:s18+$0x1400];
	v11 =	vsub.s32 v37, v11;
	vm2 =	veq.s32 v22, v0;
	v10 =	vadd.s32 v10, v34  }
0x162: {  	v43 =	vld [tilespmem:s18+$0x1500];
	v11 =	vnsel vm2, $0x0, v11;
	v10 =	vadd.s32 v10, v35  }
0x163: {  	v44 =	vld [tilespmem:s18+$0x1600];
	(xrf0) =	vadd.scan.msk.s32 $0xffff, v11;
	v11 =	vadd.s32 v38, v39;
	v10 =	vadd.s32 v10, v36  }
0x164: {  	v45 =	vld [tilespmem:s18+$0x1700];
	v11 =	vadd.s32 v11, v40;
	(xrf0) =	vadd.scan.msk.s32 $0xffff, v10  }
0x165: {  	v46 =	vld [tilespmem:s18+$0x1800];
	v11 =	vadd.s32 v11, v41  }
0x166: {  	v47 =	vld [tilespmem:s18+$0x1900];
	v11 =	vadd.s32 v11, v42  }
0x167: {  	v48 =	vld [tilespmem:s18+$0x1A00];
	v11 =	vadd.s32 v11, v43  }
0x168: {  	v50 =	vld [tilespmem:s18+$0x1B00];
	v49 =	vbroadcast v21, $0xF;
	v11 =	vadd.s32 v11, v44  }
0x169: {  	v52 =	vld [tilespmem:s18+$0x1C00];
	v51, _, _ =	vpop (xrf0);
	v11 =	vadd.s32 v11, v45  }
0x16a: {  	v54 =	vld [tilespmem:s18+$0x1D00];
	v9 =	vadd.s32 v9, v49;
	v11 =	vadd.s32 v11, v46;
	v53, _, _ =	vpop (xrf0)  }
0x16b: {  	v55 =	vld [tilespmem:s18+$0x1E00];
	v11 =	vadd.s32 v11, v47;
	v17 =	vadd.s32 v9, v53  }
0x16c: {  	v56 =	vld [tilespmem:s18+$0x1F00];
	v11 =	vadd.s32 v11, v48;
	vm15 =	vge.s32 v17, v5  }
0x16d: {  	v11 =	vadd.s32 v11, v50;
	v57 =	vmctz.xlane vm15  }
0x16e: {  	v11 =	vadd.s32 v11, v52  }
0x16f: {  	v10 =	vsub.s32 v17, v10;
	v11 =	vadd.s32 v11, v54;
	vm3 =	veq.s32 v57, v0  }
0x170: {  	v11 =	vadd.s32 v11, v55;
	v10 =	vnsel vm3, $0x0, v10  }
0x171: {  	(xrf0) =	vadd.scan.msk.s32 $0xffff, v10;
	v10 =	vadd.s32 v11, v56  }
0x172: {  	(xrf0) =	vadd.scan.msk.s32 $0xffff, v10;
	_ =	sdelay $0x3  }
0x173: {  	v11 =	vbroadcast v53, $0xF  }
0x174: {  	v58, _, _ =	vpop (xrf0)  }
0x175: {  	v9 =	vadd.s32 v9, v11;
	v59, _, _ =	vpop (xrf0)  }
0x176: {  	v9 =	vadd.s32 v9, v59  }
0x177: {  	vm8 =	vge.s32 v9, v5  }
0x178: {  	v11 =	vmctz.xlane vm8;
	_ =	sdelay $0x1  }
0x179: {  	v9 =	vsub.s32 v9, v10;
	vm9 =	veq.s32 v11, v0  }
0x17a: {  	v60 =	vmpcnt.ones.xlane vm1;
	v9 =	vnsel vm9, $0x0, v9  }
0x17b: {  	v10 =	vmpcnt.ones.xlane vm15;
	(xrf0) =	vadd.scan.msk.s32 $0xffff, v9  }
0x17c: {  	vm10 =	veq.s32 v6, $0x0;
	vm4 =	vgt.s32 v60, $0x0;
	v61 =	vadd.s32 s14, v22  }
0x17d: {  	vm1 =	vmand vm10, vm4;
	vm12 =	vgt.s32 v10, $0x0;
	v10 =	vmpcnt.ones.xlane vm8  }
0x17e: {  	v6 =	vsel vm1, $0x1, v6;
	v7 =	vsel vm1, v61, v7;
	v9 =	vbroadcast v20, $0xF  }
0x17f: {  	vm11 =	veq.s32 v6, $0x0;
	v62 =	vbroadcast v51, $0xF;
	vm14 =	vgt.s32 v10, $0x0  }
0x180: {  	v8 =	vsel vm0, v9, v8;
	vm0 =	vmand vm11, vm12;
	v9 =	vadd.s32 s15, v57  }
0x181: {  	v6 =	vsel vm0, $0x1, v6;
	v7 =	vsel vm0, v9, v7;
	v9 =	vbroadcast v58, $0xF;
	v63, _, _ =	vpop (xrf0)  }
0x182: {  	v8 =	vsel vm1, v62, v8;
	vm13 =	veq.s32 v6, $0x0;
	v10 =	vbroadcast v63, $0xF  }
0x183: {  	v6 =	vadd.s32 s16, v11;
	v8 =	vsel vm0, v9, v8;
	vm15 =	vmand vm13, vm14  }
0x184: {  	s14 =	simm.s32 $0x40;
	s15 =	simm.s32 $0x0;
	v6 =	vsel vm15, v6, v7;
	v8 =	vsel vm15, v10, v8  }
.LBB2_21:
0x185: {  	p0 =	sne.s32 s14, $0x3FC0;
	[tilespmem:s15+$0x1000] =	vst v1;
	s15 =	smov.u32 s14;
	s14 =	sadd.s32 $0x40, s14  }
.Ltmp9:
0x186: {  	(pc) =	sbr.rel @p0 .LBB2_21-.Ltmp9, $2  }
0x187: {  	_ =	sdelay $0x2  }
0x188: {  	s15 =	sshra.s32 s15, $0x2  }
0x189: {  	v4 =	vshll.u32 v4, $0x8  }
0x18a: {  	[tilespmem:s15+$0x1000] =	vst v1;
	s15 =	simm.s32 $0x0;
	s14 =	simm.s32 $0x40;
	v4 =	vadd.s32 v4, v6  }
.LBB2_23:
0x18b: {  	p0 =	sne.s32 s14, $0x3FC0;
	v6 =	vld [tilespmem:s15+$0x0];
	_ =	sdelay $0x4  }
0x18c: {  	v6 =	vmax.f32 v6, $0.0e+00  }
0x18d: {  	v7 =	vshrl.u32 v6, $0x7  }
0x18e: {  	v6 =	vand.u32 $0x7F, v6;
	vm0 =	veq.s32 v7, v4  }
0x18f: {  	v6 =	vor.u32 v2, v6  }
.Ltmp10:
0x190: {  	(pc) =	sbr.rel @p0 .LBB2_23-.Ltmp10, $2  }
0x191: {  	_ =	sdelay $0x2  }
0x192: {  	s15 =	sshra.s32 s14, $0x2;
	s14 =	sadd.s32 $0x40, s14;
	[tilespmem:v6+s10+$0x0] =	vst.idx.add.s32.msk vm0, v3  }
0x193: {  	v6 =	vld [tilespmem:s15+$0x0];
	_ =	sdelay $0x4  }
0x194: {  	v6 =	vmax.f32 v6, $0.0e+00  }
0x195: {  	v7 =	vshrl.u32 v6, $0x7  }
0x196: {  	v6 =	vand.u32 $0x7F, v6;
	vm0 =	veq.s32 v7, v4  }
0x197: {  	v6 =	vor.u32 v2, v6;
	_ =	sdelay $0x3  }
0x198: {  	s14 =	simm.s32 $0x0  }
0x199: {  	s16 =	sand.u32 $0xF0, s14;
	[tilespmem:v6+s10+$0x0] =	vst.idx.add.s32.msk vm0, v3  }
0x19a: {  	v6 =	vld [tilespmem:s16+$0x1000]  }
0x19b: {  	v7 =	vld [tilespmem:s16+$0x1100]  }
0x19c: {  	v9 =	vld [tilespmem:s16+$0x1200]  }
0x19d: {  	v10 =	vld [tilespmem:s16+$0x1300]  }
0x19e: {  	v11 =	vld [tilespmem:s16+$0x1400]  }
0x19f: {  	v12 =	vld [tilespmem:s16+$0x1500]  }
0x1a0: {  	v13 =	vld [tilespmem:s16+$0x1600]  }
0x1a1: {  	v6 =	vadd.s32 v6, v7;
	v7 =	vld [tilespmem:s16+$0x1700]  }
0x1a2: {  	v6 =	vadd.s32 v6, v9;
	v9 =	vld [tilespmem:s16+$0x1800]  }
0x1a3: {  	v6 =	vadd.s32 v6, v10;
	v10 =	vld [tilespmem:s16+$0x1900]  }
0x1a4: {  	v6 =	vadd.s32 v6, v11;
	v11 =	vld [tilespmem:s16+$0x1A00]  }
0x1a5: {  	v6 =	vadd.s32 v6, v12;
	v12 =	vld [tilespmem:s16+$0x1B00]  }
0x1a6: {  	v6 =	vadd.s32 v6, v13;
	v13 =	vld [tilespmem:s16+$0x1C00]  }
0x1a7: {  	v6 =	vadd.s32 v6, v7;
	v7 =	vld [tilespmem:s16+$0x1D00]  }
0x1a8: {  	s15 =	simm.s32 $0x10;
	v6 =	vadd.s32 v6, v9;
	v9 =	vld [tilespmem:s16+$0x1E00]  }
0x1a9: {  	s18 =	sand.u32 $0xF0, s15;
	v6 =	vadd.s32 v6, v10;
	v10 =	vld [tilespmem:s16+$0x1F00]  }
0x1aa: {  	v6 =	vadd.s32 v6, v11;
	v11 =	vld [tilespmem:s18+$0x1000]  }
0x1ab: {  	v6 =	vadd.s32 v6, v12;
	v12 =	vld [tilespmem:s18+$0x1100]  }
0x1ac: {  	v6 =	vadd.s32 v6, v13;
	v13 =	vld [tilespmem:s18+$0x1200]  }
0x1ad: {  	v6 =	vadd.s32 v6, v7;
	v7 =	vld [tilespmem:s18+$0x1300]  }
0x1ae: {  	v6 =	vadd.s32 v6, v9;
	v9 =	vld [tilespmem:s18+$0x1400]  }
0x1af: {  	v6 =	vadd.s32 v6, v10;
	v10 =	vld [tilespmem:s18+$0x1500]  }
0x1b0: {  	(xrf0) =	vadd.scan.msk.s32 $0xffff, v6;
	v6 =	vadd.s32 v11, v12;
	v11 =	vld [tilespmem:s18+$0x1600]  }
0x1b1: {  	v12 =	vld [tilespmem:s18+$0x1700];
	v6 =	vadd.s32 v6, v13  }
0x1b2: {  	v14 =	vld [tilespmem:s18+$0x1800];
	v6 =	vadd.s32 v6, v7  }
0x1b3: {  	v6 =	vadd.s32 v6, v9;
	v9 =	vld [tilespmem:s18+$0x1900]  }
0x1b4: {  	v6 =	vadd.s32 v6, v10;
	v10 =	vld [tilespmem:s18+$0x1A00]  }
0x1b5: {  	v15 =	vld [tilespmem:s18+$0x1B00];
	v11 =	vadd.s32 v6, v11  }
0x1b6: {  	v6 =	vimm.s32 $0x0;
	v7, _, _ =	vpop (xrf0);
	v11 =	vadd.s32 v11, v12  }
0x1b7: {  	v5 =	vsub.s32 v5, v8;
	v13 =	vld [tilespmem:s18+$0x1C00];
	v8 =	vadd.s32 v6, v7;
	v11 =	vadd.s32 v11, v14  }
0x1b8: {  	v12 =	vld [tilespmem:s18+$0x1D00];
	vm0 =	vge.s32 v8, v5;
	v8 =	vadd.s32 v11, v9  }
0x1b9: {  	s16 =	simm.s32 $0x20;
	v11 =	vld [tilespmem:s18+$0x1E00];
	v9 =	vmpcnt.ones.xlane vm0;
	v8 =	vadd.s32 v8, v10  }
0x1ba: {  	s17 =	sand.u32 $0xF0, s16;
	v14 =	vld [tilespmem:s18+$0x1F00];
	v10 =	vmctz.xlane vm0;
	vm0 =	veq.s32 v6, $0x0;
	v16 =	vadd.s32 v8, v15  }
0x1bb: {  	s18 =	simm.s32 $0x30;
	v15 =	vld [tilespmem:s17+$0x1000];
	v8 =	vimm.s32 $0x0;
	vm1 =	vgt.s32 v9, $0x0;
	v9 =	vimm.s32 $0x0  }
.LBB2_25:
0x1bc: {  	p0 =	sne.s32 s18, $0xF0;
	v17 =	vld [tilespmem:s17+$0x1100];
	v13 =	vadd.s32 v16, v13;
	vm0 =	vmand vm0, vm1;
	v10 =	vadd.s32 s14, v10;
	s14 =	smov.u32 s15;
	s15 =	smov.u32 s16  }
0x1bd: {  	s16 =	smov.u32 s18;
	v16 =	vld [tilespmem:s17+$0x1200];
	v12 =	vadd.s32 v13, v12;
	v6 =	vsel vm0, v10, v6;
	v8 =	vsel vm0, $0x1, v8  }
0x1be: {  	v10 =	vld [tilespmem:s17+$0x1300];
	v11 =	vadd.s32 v12, v11  }
0x1bf: {  	v12 =	vld [tilespmem:s17+$0x1400];
	v11 =	vadd.s32 v11, v14  }
0x1c0: {  	v13 =	vld [tilespmem:s17+$0x1500];
	(xrf0) =	vadd.scan.msk.s32 $0xffff, v11  }
0x1c1: {  	v11 =	vadd.s32 v15, v17;
	v14 =	vld [tilespmem:s17+$0x1600]  }
0x1c2: {  	v11 =	vadd.s32 v11, v16;
	v15 =	vld [tilespmem:s17+$0x1700]  }
0x1c3: {  	v10 =	vadd.s32 v11, v10;
	v11 =	vld [tilespmem:s17+$0x1800]  }
0x1c4: {  	v10 =	vadd.s32 v10, v12;
	v16 =	vld [tilespmem:s17+$0x1900];
	v12 =	vbroadcast v7, $0xF  }
0x1c5: {  	v13 =	vadd.s32 v10, v13;
	v17 =	vld [tilespmem:s17+$0x1A00]  }
0x1c6: {  	v10 =	vadd.s32 v13, v14;
	v18 =	vld [tilespmem:s17+$0x1B00];
	v7, _, _ =	vpop (xrf0);
	v9 =	vadd.s32 v9, v12  }
.Ltmp11:
0x1c7: {  	v10 =	vadd.s32 v10, v15;
	v13 =	vld [tilespmem:s17+$0x1C00];
	v14 =	vadd.s32 v9, v7;
	(pc) =	sbr.rel @p0 .LBB2_25-.Ltmp11, $4  }
0x1c8: {  	v10 =	vadd.s32 v10, v11;
	v12 =	vld [tilespmem:s17+$0x1D00];
	vm0 =	vge.s32 v14, v5  }
0x1c9: {  	v14 =	vadd.s32 v10, v16;
	v11 =	vld [tilespmem:s17+$0x1E00];
	v19 =	vmpcnt.ones.xlane vm0;
	v10 =	vmctz.xlane vm0  }
0x1ca: {  	v16 =	vadd.s32 v14, v17;
	v14 =	vld [tilespmem:s17+$0x1F00];
	s17 =	sand.u32 $0xF0, s18  }
0x1cb: {  	vm0 =	veq.s32 v8, $0x0;
	s18 =	sadd.s32 $0x10, s18;
	v15 =	vld [tilespmem:s17+$0x1000];
	v16 =	vadd.s32 v16, v18;
	vm1 =	vgt.s32 v19, $0x0  }
0x1cc: {  	v17 =	vld [tilespmem:s17+$0x1100]  }
0x1cd: {  	v18 =	vld [tilespmem:s17+$0x1200]  }
0x1ce: {  	v19 =	vld [tilespmem:s17+$0x1300]  }
0x1cf: {  	v20 =	vld [tilespmem:s17+$0x1400]  }
0x1d0: {  	v21 =	vld [tilespmem:s17+$0x1500]  }
0x1d1: {  	v44 =	vld [tilespmem:s17+$0x1600];
	v15 =	vadd.s32 v15, v17  }
0x1d2: {  	v45 =	vld [tilespmem:s17+$0x1700];
	v15 =	vadd.s32 v15, v18  }
0x1d3: {  	v46 =	vld [tilespmem:s17+$0x1800];
	v15 =	vadd.s32 v15, v19  }
0x1d4: {  	v47 =	vld [tilespmem:s17+$0x1900];
	v15 =	vadd.s32 v15, v20  }
0x1d5: {  	v48 =	vld [tilespmem:s17+$0x1A00];
	v15 =	vadd.s32 v15, v21  }
0x1d6: {  	v49 =	vld [tilespmem:s17+$0x1B00];
	v15 =	vadd.s32 v15, v44  }
0x1d7: {  	v50 =	vld [tilespmem:s17+$0x1C00];
	v15 =	vadd.s32 v15, v45  }
0x1d8: {  	v51 =	vld [tilespmem:s17+$0x1D00];
	v15 =	vadd.s32 v15, v46  }
0x1d9: {  	v13 =	vadd.s32 v16, v13;
	v52 =	vld [tilespmem:s17+$0x1E00];
	v15 =	vadd.s32 v15, v47  }
0x1da: {  	v54 =	vld [tilespmem:s17+$0x1F00];
	v12 =	vadd.s32 v13, v12;
	v53 =	vadd.s32 v15, v48  }
0x1db: {  	v11 =	vadd.s32 v12, v11;
	v55 =	vadd.s32 v53, v49  }
0x1dc: {  	v11 =	vadd.s32 v11, v14;
	v12 =	vadd.s32 v55, v50  }
0x1dd: {  	(xrf0) =	vadd.scan.msk.s32 $0xffff, v11;
	v56 =	vadd.s32 v12, v51  }
0x1de: {  	v11 =	vadd.s32 v56, v52  }
0x1df: {  	v11 =	vadd.s32 v11, v54  }
0x1e0: {  	(xrf0) =	vadd.scan.msk.s32 $0xffff, v11  }
0x1e1: {  	v7 =	vbroadcast v7, $0xF;
	_ =	sdelay $0x1  }
0x1e2: {  	v7 =	vadd.s32 v9, v7;
	v57, _, _ =	vpop (xrf0)  }
0x1e3: {  	v9 =	vadd.s32 v7, v57;
	v11 =	vbroadcast v57, $0xF  }
0x1e4: {  	vm0 =	vmand vm0, vm1;
	v58 =	vadd.s32 s14, v10;
	vm12 =	vge.s32 v9, v5  }
0x1e5: {  	v62 =	vmov s13;
	v59 =	vmpcnt.ones.xlane vm12;
	v7 =	vadd.s32 v7, v11;
	v60, _, _ =	vpop (xrf0)  }
0x1e6: {  	v6 =	vsel vm0, v58, v6;
	v8 =	vsel vm0, $0x1, v8;
	v7 =	vadd.s32 v7, v60  }
0x1e7: {  	vm0 =	veq.s32 v8, $0x0;
	vm2 =	vgt.s32 v59, $0x0;
	vm3 =	vge.s32 v7, v5  }
0x1e8: {  	s13 =	sadd.s32 $0x1, s13;
	vm0 =	vmand vm0, vm2;
	v5 =	vmctz.xlane vm12;
	v7 =	vmpcnt.ones.xlane vm3  }
0x1e9: {  	p0 =	sne.s32 s13, $0x100;
	v8 =	vsel vm0, $0x1, v8;
	v61 =	vmctz.xlane vm3  }
.Ltmp12:
0x1ea: {  	vm13 =	veq.s32 v8, $0x0;
	v5 =	vadd.s32 s15, v5;
	vm14 =	vgt.s32 v7, $0x0;
	(pc) =	sbr.rel @p0 .LBB2_2-.Ltmp12, $4  }
0x1eb: {  	v5 =	vsel vm0, v5, v6;
	v63 =	vadd.s32 s16, v61;
	vm15 =	vmand vm13, vm14  }
0x1ec: {  	v4 =	vshll.u32 v4, $0x7;
	v5 =	vsel vm15, v63, v5  }
0x1ed: {  	v4 =	vadd.s32 v4, v5  }
0x1ee: {  	[tilespmem:v62+s11+$0x0] =	vst.idx.msk $0x1, v4  }
0x1ef: {  	s12 =	sadd.s32 $0x1, s12  }
0x1f0: {  	p0 =	sne.s32 s12, s6  }
.Ltmp13:
0x1f1: {  	_ = 	snop;
	(pc) =	sbr.rel @p0 .LBB2_1-.Ltmp13, $4  }
0x1f2: {  	[hbm4b:s5+s2] =	stream.linear.scatter [tilespmem:s11], [sflag:$0x1], $0x100, $0x38;
	[tilespmem:$0x2100] =	vst v63  }
0x1f3: {  	_ =	swait.ge [sflag:s9], $0x100  }
0x1f4: {  	[sflag:s9] =	ssyncset.done $0x0  }
0x1f5: {  	[sflag:s9] =	ssyncadd.s32 $0xFFFFFF00  }
0x1f6: {  	_ =	sfence.sel $0x180000  }
0x1f7: {  	[bflag:$0x0] =	sbarrier.arrive $0xFFFF  }
0x1f8: {  	p0 =	sne.s32 s1, $0x0;
	_ =	strace $0x90000047  }
0x1f9: {  	s0 =	sadd.s32 @!p0 $0x100000, s0;
	[bflag:$0x2] =	sbarrier.arrive $0xFFFF  }
0x1fa: {  	[sflag:s0] =	ssyncadd.tile.s32 @!p0 $0x1;
	_ =	shalt  }
.Lfunc_end2:
_tile_overlayer_lowered:
.L_overlay_start_2:
0x1fb: {  	(tag) =	ssettag $0x2  }
0x1fc: {  	s0 =	rddreg [dreg:$0x0];
	s2 =	stileid.u32  }
0x1fd: {  	s1 =	rddreg [dreg:$0x1];
	p0 =	sne.s32 s2, $0x0  }
0x1fe: {  	s3 =	rddreg [dreg:$0x2];
	[bflag:$0x3] =	sbarrier.arrive $0xFFFF;
	s2 =	simm.s32 @!p0 $0x1C01  }
0x1ff: {  	[timem:s3], [sflag:s2] =	dma.local @!p0 [hbm:s0], s1  }
0x200: {  	s0 =	simm.s32 @!p0 $0x1  }
0x201: {  	_ =	swait.ge @!p0 [sflag:s0], s1  }
0x202: {  	s1 =	ssub.s32 @!p0 $0x0, s1;
	[sflag:s0] =	ssyncset.done @!p0 $0x0  }
0x203: {  	[sflag:s0] =	ssyncadd.s32 @!p0 s1  }
0x204: {  	[bflag:$0x3] =	sbarrier.arrive $0xFFFF  }
0x205: {  	_ =	shalt  }

</sc_bundles>
